<compile_context>
chip_gen: v7x
topology: tpu7x:2x2x1
jax: 0.10.2.dev20260603
libtpu: 0.0.44.dev20260713+nightly
codegen_flags: <defaults>
</compile_context>

<pallas_src>
import functools

import jax
import jax.numpy as jnp
from jax import lax
from jax.experimental import pallas as pl
from jax.experimental.pallas import tpu as pltpu
from jax.experimental.pallas import tpu_sc as plsc

N = 1024
C = 256
PH = PW = 7
SPB = 64
GPB = PH
SPG = 8
NS = GPB * SPG
ROWS = N * NS
NW = 32
RPW = ROWS // NW
GPW = N * GPB // NW
G = 32
NCH = RPW // G
LEVEL_ROWS = (65536, 16384, 4096, 1024)
TABLE_ROWS = sum(LEVEL_ROWS)


def _index_kernel(meta_ref, boxes_ref, i00, i01, i10, i11, w00, w01, w10, w11):
    rows = meta_ref[0, 0]
    cols = meta_ref[0, 1]
    b = boxes_ref[...]
    x1 = b[:, 0:1]; y1 = b[:, 1:2]; x2 = b[:, 2:3]; y2 = b[:, 3:4]
    h = y2 - y1
    w = x2 - x1
    image_area = rows * cols
    roi_level = jnp.log(jnp.sqrt(h * w) / jnp.sqrt(image_area)) / jnp.log(2.0)
    roi_level = jnp.minimum(5.0, jnp.maximum(2.0, 4.0 + jnp.round(roi_level)))
    lvl = roi_level.astype(jnp.int32) - 2
    side = lax.shift_right_logical(jnp.full_like(lvl, 256), lvl)
    base = jnp.where(
        lvl == 0, 0,
        jnp.where(lvl == 1, LEVEL_ROWS[0],
                  jnp.where(lvl == 2, LEVEL_ROWS[0] + LEVEL_ROWS[1],
                            LEVEL_ROWS[0] + LEVEL_ROWS[1] + LEVEL_ROWS[2])))
    sm1 = (side - 1).astype(jnp.float32)
    x1n = x1 / (cols - 1.0); x2n = x2 / (cols - 1.0)
    y1n = y1 / (rows - 1.0); y2n = y2 / (rows - 1.0)

    s = lax.broadcasted_iota(jnp.int32, (N, SPB), 1)
    iy = jnp.minimum(s // SPG, PH - 1).astype(jnp.float32) / float(PH - 1)
    ix = jnp.minimum(s % SPG, PW - 1).astype(jnp.float32) / float(PW - 1)
    ys = (y1n + iy * (y2n - y1n)) * sm1
    xs = (x1n + ix * (x2n - x1n)) * sm1
    y0f = jnp.floor(ys); x0f = jnp.floor(xs)
    y0 = jnp.clip(y0f, 0, sm1).astype(jnp.int32)
    y1c = jnp.clip(y0f + 1.0, 0, sm1).astype(jnp.int32)
    x0 = jnp.clip(x0f, 0, sm1).astype(jnp.int32)
    x1c = jnp.clip(x0f + 1.0, 0, sm1).astype(jnp.int32)
    wy = jnp.clip(ys - y0f, 0.0, 1.0)
    wx = jnp.clip(xs - x0f, 0.0, 1.0)

    rbase = base + y0 * side
    rbase1 = base + y1c * side
    i00[...] = rbase + x0
    i01[...] = rbase + x1c
    i10[...] = rbase1 + x0
    i11[...] = rbase1 + x1c
    w00[...] = (1.0 - wy) * (1.0 - wx)
    w01[...] = (1.0 - wy) * wx
    w10[...] = wy * (1.0 - wx)
    w11[...] = wy * wx


def _compute_indices(metadata, boxes2d, interpret=False):
    shp_i = jax.ShapeDtypeStruct((N, SPB), jnp.int32)
    shp_f = jax.ShapeDtypeStruct((N, SPB), jnp.float32)
    return pl.pallas_call(
        _index_kernel,
        out_shape=(shp_i, shp_i, shp_i, shp_i, shp_f, shp_f, shp_f, shp_f),
        interpret=interpret,
    )(metadata, boxes2d)


def _sc_gather_body(table, i00, i01, i10, i11, w00, w01, w10, w11, out,
                    i00v, i01v, i10v, i11v, w00v, w01v, w10v, w11v,
                    r00a, r01a, r10a, r11a, obufa,
                    r00b, r01b, r10b, r11b, obufb,
                    gsem0, gsem1, wsem0, wsem1):
    wid = lax.axis_index("s") * 2 + lax.axis_index("c")
    wbase = wid * RPW
    pltpu.sync_copy(i00.at[pl.ds(wbase, RPW)], i00v)
    pltpu.sync_copy(i01.at[pl.ds(wbase, RPW)], i01v)
    pltpu.sync_copy(i10.at[pl.ds(wbase, RPW)], i10v)
    pltpu.sync_copy(i11.at[pl.ds(wbase, RPW)], i11v)
    pltpu.sync_copy(w00.at[pl.ds(wbase, RPW)], w00v)
    pltpu.sync_copy(w01.at[pl.ds(wbase, RPW)], w01v)
    pltpu.sync_copy(w10.at[pl.ds(wbase, RPW)], w10v)
    pltpu.sync_copy(w11.at[pl.ds(wbase, RPW)], w11v)

    bufs = ((r00a, r01a, r10a, r11a, obufa, gsem0, wsem0),
            (r00b, r01b, r10b, r11b, obufb, gsem1, wsem1))

    dnums = lax.GatherDimensionNumbers(
        offset_dims=(), collapsed_slice_dims=(0,), start_index_map=(0,))

    def bcast(v16, g):
        idx = jnp.full((16, 1), g, jnp.int32)
        return lax.gather(v16, idx, dnums, (1,),
                          mode=lax.GatherScatterMode.PROMISE_IN_BOUNDS)

    def issue(i, s):
        lo = i * G
        r0, r1, r2, r3, _, gs, _ = bufs[s]
        pltpu.async_copy(table.at[i00v.at[pl.ds(lo, G)]], r0, gs)
        pltpu.async_copy(table.at[i01v.at[pl.ds(lo, G)]], r1, gs)
        pltpu.async_copy(table.at[i10v.at[pl.ds(lo, G)]], r2, gs)
        pltpu.async_copy(table.at[i11v.at[pl.ds(lo, G)]], r3, gs)

    def gdrain(s):
        r0, r1, r2, r3, _, gs, _ = bufs[s]
        for r in (r0, r1, r2, r3):
            pltpu.make_async_copy(table.at[pl.ds(0, G)], r, gs).wait()

    def wissue(i, s):
        _, _, _, _, ob, _, ws = bufs[s]
        pltpu.async_copy(ob, out.at[pl.ds(wbase + i * G, G)], ws)

    def wdrain(s):
        _, _, _, _, ob, _, ws = bufs[s]
        pltpu.make_async_copy(ob, out.at[pl.ds(0, G)], ws).wait()

    def compute(i, s):
        lo = i * G
        r0, r1, r2, r3, ob, _, _ = bufs[s]

        def group(q, _):
            gb = q * 16
            wa16 = w00v[pl.ds(lo + gb, 16)]
            wb16 = w01v[pl.ds(lo + gb, 16)]
            wc16 = w10v[pl.ds(lo + gb, 16)]
            wd16 = w11v[pl.ds(lo + gb, 16)]

            def row(g, _):
                rr = gb + g
                a = bcast(wa16, g)
                bq = bcast(wb16, g)
                cq = bcast(wc16, g)
                dq = bcast(wd16, g)
                for c in range(C // 16):
                    sl = pl.ds(c * 16, 16)
                    ob[rr, sl] = (a * r0[rr, sl] + bq * r1[rr, sl]
                                  + cq * r2[rr, sl] + dq * r3[rr, sl])
                return 0

            lax.fori_loop(0, 16, row, 0, unroll=False)
            return 0

        lax.fori_loop(0, G // 16, group, 0, unroll=False)

    issue(0, 0)

    @pl.loop(0, NCH, step=2)
    def pair(i):
        issue(i + 1, 1)
        gdrain(0)
        pl.when(i > 0)(lambda: wdrain(0))
        compute(i, 0)
        wissue(i, 0)
        pl.when(i + 2 < NCH)(lambda: issue(i + 2, 0))
        gdrain(1)
        pl.when(i > 0)(lambda: wdrain(1))
        compute(i + 1, 1)
        wissue(i + 1, 1)

    wdrain(0)
    wdrain(1)


@functools.lru_cache(maxsize=None)
def _get_sc_gather():
    return pl.kernel(
        _sc_gather_body,
        out_type=jax.ShapeDtypeStruct((ROWS, C), jnp.float32),
        mesh=plsc.VectorSubcoreMesh(core_axis_name="c", subcore_axis_name="s"),
        scratch_types=[
            pltpu.VMEM((RPW,), jnp.int32),
            pltpu.VMEM((RPW,), jnp.int32),
            pltpu.VMEM((RPW,), jnp.int32),
            pltpu.VMEM((RPW,), jnp.int32),
            pltpu.VMEM((RPW,), jnp.float32),
            pltpu.VMEM((RPW,), jnp.float32),
            pltpu.VMEM((RPW,), jnp.float32),
            pltpu.VMEM((RPW,), jnp.float32),
            pltpu.VMEM((G, C), jnp.float32),
            pltpu.VMEM((G, C), jnp.float32),
            pltpu.VMEM((G, C), jnp.float32),
            pltpu.VMEM((G, C), jnp.float32),
            pltpu.VMEM((G, C), jnp.float32),
            pltpu.VMEM((G, C), jnp.float32),
            pltpu.VMEM((G, C), jnp.float32),
            pltpu.VMEM((G, C), jnp.float32),
            pltpu.VMEM((G, C), jnp.float32),
            pltpu.VMEM((G, C), jnp.float32),
            pltpu.SemaphoreType.DMA,
            pltpu.SemaphoreType.DMA,
            pltpu.SemaphoreType.DMA,
            pltpu.SemaphoreType.DMA,
        ],
    )


def kernel(metadata, boxes, feat_p2, feat_p3, feat_p4, feat_p5):
    boxes2d = boxes[0]
    idx_w = _compute_indices(metadata, boxes2d)
    flats = [f.reshape(-1, C) for f in (feat_p2, feat_p3, feat_p4, feat_p5)]
    table = jnp.concatenate(flats, axis=0)
    args = [a[:, :NS].reshape(ROWS) for a in idx_w]
    pooled = _get_sc_gather()(table, *args)
    return pooled.reshape(1, N, GPB, SPG, C)[:, :, :, :PW].reshape(1, N, PH, PW, C)

# --- scband reference (transcript-rebuilt; emitter-appended) ---
"""Pipeline reference for scband-region-of-interest-align-pyramid-3255585210659 (READ-ONLY COPY).

The authoritative reference and input builder live on the scoring server;
editing this copy changes nothing except your own understanding.
"""

import jax, jax.numpy as jnp
import numpy as np

EXTENT = (7, 7)


def _roi_align(img, nb, extent):
    # img: [H, W, C]; nb: [N, 4] normalized (x1, y1, x2, y2) in [0, 1]
    H, W, C = img.shape
    ph, pw = extent
    x1 = nb[:, 0]; y1 = nb[:, 1]; x2 = nb[:, 2]; y2 = nb[:, 3]
    iy = jnp.arange(ph, dtype=jnp.float32) / float(ph - 1)
    ix = jnp.arange(pw, dtype=jnp.float32) / float(pw - 1)
    ys = (y1[:, None] + iy[None, :] * (y2 - y1)[:, None]) * (H - 1)
    xs = (x1[:, None] + ix[None, :] * (x2 - x1)[:, None]) * (W - 1)
    y0f = jnp.floor(ys); x0f = jnp.floor(xs)
    y0 = jnp.clip(y0f, 0, H - 1).astype(jnp.int32)
    y1i = jnp.clip(y0f + 1.0, 0, H - 1).astype(jnp.int32)
    x0 = jnp.clip(x0f, 0, W - 1).astype(jnp.int32)
    x1i = jnp.clip(x0f + 1.0, 0, W - 1).astype(jnp.int32)
    wy = jnp.clip(ys - y0f, 0.0, 1.0)
    wx = jnp.clip(xs - x0f, 0.0, 1.0)

    def g(yi, xi):
        # gather: [N, ph, pw, C]
        return img[yi[:, :, None], xi[:, None, :]]

    wy_ = wy[:, :, None, None]; wx_ = wx[:, None, :, None]
    out = (g(y0, x0) * (1.0 - wy_) * (1.0 - wx_)
           + g(y0, x1i) * (1.0 - wy_) * wx_
           + g(y1i, x0) * wy_ * (1.0 - wx_)
           + g(y1i, x1i) * wy_ * wx_)
    return out


def _forward(metadata, boxes, feats, extent):
    rows = metadata[0, 0]; cols = metadata[0, 1]
    b = boxes[0]
    x1 = b[:, 0]; y1 = b[:, 1]; x2 = b[:, 2]; y2 = b[:, 3]
    h = y2 - y1; w = x2 - x1
    image_area = rows * cols
    roi_level = jnp.log(jnp.sqrt(h * w) / jnp.sqrt(image_area)) / jnp.log(2.0)
    roi_level = jnp.minimum(5.0, jnp.maximum(2.0, 4.0 + jnp.round(roi_level)))
    level_idx = jax.lax.stop_gradient(roi_level).astype(jnp.int32) - 2
    scale = jnp.stack([cols - 1.0, rows - 1.0, cols - 1.0, rows - 1.0])
    nb = b / scale[None, :]
    # Route each ROI to its pyramid level (computed for every level, then
    # selected per-box in original order -- mathematically identical to the
    # gather/dispatch + re-sort in the original, but static-shaped).
    pooled_levels = jnp.stack([_roi_align(f[0], nb, extent) for f in feats], axis=0)
    n = b.shape[0]
    pooled = pooled_levels[level_idx, jnp.arange(n)]
    return pooled[None, ...]


def setup_inputs(seed: int = 0) -> dict:
    key = jax.random.key(seed)
    ks = jax.random.split(key, 8)
    N = 1024; C = 256
    metadata = jnp.array([[1024.0, 1024.0, 1.0]], dtype=jnp.float32)
    x1 = jax.random.uniform(ks[0], (1, N), minval=0.0, maxval=780.0)
    y1 = jax.random.uniform(ks[1], (1, N), minval=0.0, maxval=780.0)
    bw = jax.random.uniform(ks[2], (1, N), minval=16.0, maxval=240.0)
    bh = jax.random.uniform(ks[3], (1, N), minval=16.0, maxval=240.0)
    boxes = jnp.stack([x1, y1, x1 + bw, y1 + bh], axis=-1).astype(jnp.float32)
    feat_p2 = jax.random.normal(ks[4], (1, 256, 256, C), dtype=jnp.float32)
    feat_p3 = jax.random.normal(ks[5], (1, 128, 128, C), dtype=jnp.float32)
    feat_p4 = jax.random.normal(ks[6], (1, 64, 64, C), dtype=jnp.float32)
    feat_p5 = jax.random.normal(ks[7], (1, 32, 32, C), dtype=jnp.float32)
    return {"metadata": metadata, "boxes": boxes, "feat_p2": feat_p2,
            "feat_p3": feat_p3, "feat_p4": feat_p4, "feat_p5": feat_p5}


def reference(metadata, boxes, feat_p2, feat_p3, feat_p4, feat_p5):
    return _forward(metadata, boxes, [feat_p2, feat_p3, feat_p4, feat_p5], EXTENT)

if __name__ == "__main__":
    import jax
    _d = setup_inputs()
    print(jax.jit(kernel)(*tuple(_d.values())))

</pallas_src>

<mosaic_0001>
#map = affine_map<(d0, d1) -> (0, 0)>
#map1 = affine_map<(d0, d1) -> (0)>
module attributes {stable_mosaic.version = 14 : i64} {
  func.func @_sc_gather_body(%arg0: i32, %arg1: i32, %arg2: memref<87040x256xf32, #tpu.memory_space<hbm>>, %arg3: memref<57344xi32, #tpu.memory_space<hbm>>, %arg4: memref<57344xi32, #tpu.memory_space<hbm>>, %arg5: memref<57344xi32, #tpu.memory_space<hbm>>, %arg6: memref<57344xi32, #tpu.memory_space<hbm>>, %arg7: memref<57344xf32, #tpu.memory_space<hbm>>, %arg8: memref<57344xf32, #tpu.memory_space<hbm>>, %arg9: memref<57344xf32, #tpu.memory_space<hbm>>, %arg10: memref<57344xf32, #tpu.memory_space<hbm>>, %arg11: memref<57344x256xf32, #tpu.memory_space<hbm>>, %arg12: memref<1792xi32, #tpu.memory_space<vmem>>, %arg13: memref<1792xi32, #tpu.memory_space<vmem>>, %arg14: memref<1792xi32, #tpu.memory_space<vmem>>, %arg15: memref<1792xi32, #tpu.memory_space<vmem>>, %arg16: memref<1792xf32, #tpu.memory_space<vmem>>, %arg17: memref<1792xf32, #tpu.memory_space<vmem>>, %arg18: memref<1792xf32, #tpu.memory_space<vmem>>, %arg19: memref<1792xf32, #tpu.memory_space<vmem>>, %arg20: memref<32x256xf32, #tpu.memory_space<vmem>>, %arg21: memref<32x256xf32, #tpu.memory_space<vmem>>, %arg22: memref<32x256xf32, #tpu.memory_space<vmem>>, %arg23: memref<32x256xf32, #tpu.memory_space<vmem>>, %arg24: memref<32x256xf32, #tpu.memory_space<vmem>>, %arg25: memref<32x256xf32, #tpu.memory_space<vmem>>, %arg26: memref<32x256xf32, #tpu.memory_space<vmem>>, %arg27: memref<32x256xf32, #tpu.memory_space<vmem>>, %arg28: memref<32x256xf32, #tpu.memory_space<vmem>>, %arg29: memref<32x256xf32, #tpu.memory_space<vmem>>, %arg30: memref<!tpu.dma_semaphore, #tpu.memory_space<semaphore_mem>>, %arg31: memref<!tpu.dma_semaphore, #tpu.memory_space<semaphore_mem>>, %arg32: memref<!tpu.dma_semaphore, #tpu.memory_space<semaphore_mem>>, %arg33: memref<!tpu.dma_semaphore, #tpu.memory_space<semaphore_mem>>) attributes {dimension_semantics = [#tpu.dimension_semantics<core_parallel>, #tpu.dimension_semantics<subcore_parallel>], iteration_bounds = array<i64: 2, 16>, scalar_prefetch = 0 : i64, scratch_operands = 22 : i64, tpu.core_type = #tpu.core_type<sc_vector_subcore>, window_params = [{transform_indices = #map}, {transform_indices = #map1}, {transform_indices = #map1}, {transform_indices = #map1}, {transform_indices = #map1}, {transform_indices = #map1}, {transform_indices = #map1}, {transform_indices = #map1}, {transform_indices = #map1}, {transform_indices = #map}]} {
    %mul3A = arith.constant 2 : i32
    %mul3A_0 = arith.muli %arg1, %mul3A : i32
    %add3A = arith.addi %mul3A_0, %arg0 : i32
    %mul3A_1 = arith.constant 1792 : i32
    %mul3A_2 = arith.muli %add3A, %mul3A_1 : i32
    "tpu.region"() ({
      %run_scoped3A = tpu.sem_alloc : memref<!tpu.dma_semaphore, #tpu.memory_space<semaphore_mem>>
      %dma_start3A_37 = tpu.memref_slice %arg3[%mul3A_2] : memref<57344xi32, #tpu.memory_space<hbm>> -> memref<1792xi32, #tpu.memory_space<hbm>>
      %dma_start3A_38 = tpu.memref_slice %arg3[%mul3A_2] : memref<57344xi32, #tpu.memory_space<hbm>> -> memref<1792xi32, #tpu.memory_space<hbm>>
      tpu.enqueue_dma source(%dma_start3A_38 : memref<1792xi32, #tpu.memory_space<hbm>>) target(%arg12 : memref<1792xi32, #tpu.memory_space<vmem>>) target_semaphore(%run_scoped3A : memref<!tpu.dma_semaphore, #tpu.memory_space<semaphore_mem>>)
      %dma_wait3A_39 = tpu.memref_slice %arg3[%mul3A_2] : memref<57344xi32, #tpu.memory_space<hbm>> -> memref<1792xi32, #tpu.memory_space<hbm>>
      %dma_wait3A_40 = tpu.memref_slice %arg3[%mul3A_2] : memref<57344xi32, #tpu.memory_space<hbm>> -> memref<1792xi32, #tpu.memory_space<hbm>>
      tpu.wait_dma2 semaphore(%run_scoped3A : memref<!tpu.dma_semaphore, #tpu.memory_space<semaphore_mem>>) src(%dma_wait3A_40 : memref<1792xi32, #tpu.memory_space<hbm>>) dst(%arg12 : memref<1792xi32, #tpu.memory_space<vmem>>)
      tpu.yield
    }) : () -> ()
    "tpu.region"() ({
      %run_scoped3A = tpu.sem_alloc : memref<!tpu.dma_semaphore, #tpu.memory_space<semaphore_mem>>
      %dma_start3A_37 = tpu.memref_slice %arg4[%mul3A_2] : memref<57344xi32, #tpu.memory_space<hbm>> -> memref<1792xi32, #tpu.memory_space<hbm>>
      %dma_start3A_38 = tpu.memref_slice %arg4[%mul3A_2] : memref<57344xi32, #tpu.memory_space<hbm>> -> memref<1792xi32, #tpu.memory_space<hbm>>
      tpu.enqueue_dma source(%dma_start3A_38 : memref<1792xi32, #tpu.memory_space<hbm>>) target(%arg13 : memref<1792xi32, #tpu.memory_space<vmem>>) target_semaphore(%run_scoped3A : memref<!tpu.dma_semaphore, #tpu.memory_space<semaphore_mem>>)
      %dma_wait3A_39 = tpu.memref_slice %arg4[%mul3A_2] : memref<57344xi32, #tpu.memory_space<hbm>> -> memref<1792xi32, #tpu.memory_space<hbm>>
      %dma_wait3A_40 = tpu.memref_slice %arg4[%mul3A_2] : memref<57344xi32, #tpu.memory_space<hbm>> -> memref<1792xi32, #tpu.memory_space<hbm>>
      tpu.wait_dma2 semaphore(%run_scoped3A : memref<!tpu.dma_semaphore, #tpu.memory_space<semaphore_mem>>) src(%dma_wait3A_40 : memref<1792xi32, #tpu.memory_space<hbm>>) dst(%arg13 : memref<1792xi32, #tpu.memory_space<vmem>>)
      tpu.yield
    }) : () -> ()
    "tpu.region"() ({
      %run_scoped3A = tpu.sem_alloc : memref<!tpu.dma_semaphore, #tpu.memory_space<semaphore_mem>>
      %dma_start3A_37 = tpu.memref_slice %arg5[%mul3A_2] : memref<57344xi32, #tpu.memory_space<hbm>> -> memref<1792xi32, #tpu.memory_space<hbm>>
      %dma_start3A_38 = tpu.memref_slice %arg5[%mul3A_2] : memref<57344xi32, #tpu.memory_space<hbm>> -> memref<1792xi32, #tpu.memory_space<hbm>>
      tpu.enqueue_dma source(%dma_start3A_38 : memref<1792xi32, #tpu.memory_space<hbm>>) target(%arg14 : memref<1792xi32, #tpu.memory_space<vmem>>) target_semaphore(%run_scoped3A : memref<!tpu.dma_semaphore, #tpu.memory_space<semaphore_mem>>)
      %dma_wait3A_39 = tpu.memref_slice %arg5[%mul3A_2] : memref<57344xi32, #tpu.memory_space<hbm>> -> memref<1792xi32, #tpu.memory_space<hbm>>
      %dma_wait3A_40 = tpu.memref_slice %arg5[%mul3A_2] : memref<57344xi32, #tpu.memory_space<hbm>> -> memref<1792xi32, #tpu.memory_space<hbm>>
      tpu.wait_dma2 semaphore(%run_scoped3A : memref<!tpu.dma_semaphore, #tpu.memory_space<semaphore_mem>>) src(%dma_wait3A_40 : memref<1792xi32, #tpu.memory_space<hbm>>) dst(%arg14 : memref<1792xi32, #tpu.memory_space<vmem>>)
      tpu.yield
    }) : () -> ()
    "tpu.region"() ({
      %run_scoped3A = tpu.sem_alloc : memref<!tpu.dma_semaphore, #tpu.memory_space<semaphore_mem>>
      %dma_start3A_37 = tpu.memref_slice %arg6[%mul3A_2] : memref<57344xi32, #tpu.memory_space<hbm>> -> memref<1792xi32, #tpu.memory_space<hbm>>
      %dma_start3A_38 = tpu.memref_slice %arg6[%mul3A_2] : memref<57344xi32, #tpu.memory_space<hbm>> -> memref<1792xi32, #tpu.memory_space<hbm>>
      tpu.enqueue_dma source(%dma_start3A_38 : memref<1792xi32, #tpu.memory_space<hbm>>) target(%arg15 : memref<1792xi32, #tpu.memory_space<vmem>>) target_semaphore(%run_scoped3A : memref<!tpu.dma_semaphore, #tpu.memory_space<semaphore_mem>>)
      %dma_wait3A_39 = tpu.memref_slice %arg6[%mul3A_2] : memref<57344xi32, #tpu.memory_space<hbm>> -> memref<1792xi32, #tpu.memory_space<hbm>>
      %dma_wait3A_40 = tpu.memref_slice %arg6[%mul3A_2] : memref<57344xi32, #tpu.memory_space<hbm>> -> memref<1792xi32, #tpu.memory_space<hbm>>
      tpu.wait_dma2 semaphore(%run_scoped3A : memref<!tpu.dma_semaphore, #tpu.memory_space<semaphore_mem>>) src(%dma_wait3A_40 : memref<1792xi32, #tpu.memory_space<hbm>>) dst(%arg15 : memref<1792xi32, #tpu.memory_space<vmem>>)
      tpu.yield
    }) : () -> ()
    "tpu.region"() ({
      %run_scoped3A = tpu.sem_alloc : memref<!tpu.dma_semaphore, #tpu.memory_space<semaphore_mem>>
      %dma_start3A_37 = tpu.memref_slice %arg7[%mul3A_2] : memref<57344xf32, #tpu.memory_space<hbm>> -> memref<1792xf32, #tpu.memory_space<hbm>>
      %dma_start3A_38 = tpu.memref_slice %arg7[%mul3A_2] : memref<57344xf32, #tpu.memory_space<hbm>> -> memref<1792xf32, #tpu.memory_space<hbm>>
      tpu.enqueue_dma source(%dma_start3A_38 : memref<1792xf32, #tpu.memory_space<hbm>>) target(%arg16 : memref<1792xf32, #tpu.memory_space<vmem>>) target_semaphore(%run_scoped3A : memref<!tpu.dma_semaphore, #tpu.memory_space<semaphore_mem>>)
      %dma_wait3A_39 = tpu.memref_slice %arg7[%mul3A_2] : memref<57344xf32, #tpu.memory_space<hbm>> -> memref<1792xf32, #tpu.memory_space<hbm>>
      %dma_wait3A_40 = tpu.memref_slice %arg7[%mul3A_2] : memref<57344xf32, #tpu.memory_space<hbm>> -> memref<1792xf32, #tpu.memory_space<hbm>>
      tpu.wait_dma2 semaphore(%run_scoped3A : memref<!tpu.dma_semaphore, #tpu.memory_space<semaphore_mem>>) src(%dma_wait3A_40 : memref<1792xf32, #tpu.memory_space<hbm>>) dst(%arg16 : memref<1792xf32, #tpu.memory_space<vmem>>)
      tpu.yield
    }) : () -> ()
    "tpu.region"() ({
      %run_scoped3A = tpu.sem_alloc : memref<!tpu.dma_semaphore, #tpu.memory_space<semaphore_mem>>
      %dma_start3A_37 = tpu.memref_slice %arg8[%mul3A_2] : memref<57344xf32, #tpu.memory_space<hbm>> -> memref<1792xf32, #tpu.memory_space<hbm>>
      %dma_start3A_38 = tpu.memref_slice %arg8[%mul3A_2] : memref<57344xf32, #tpu.memory_space<hbm>> -> memref<1792xf32, #tpu.memory_space<hbm>>
      tpu.enqueue_dma source(%dma_start3A_38 : memref<1792xf32, #tpu.memory_space<hbm>>) target(%arg17 : memref<1792xf32, #tpu.memory_space<vmem>>) target_semaphore(%run_scoped3A : memref<!tpu.dma_semaphore, #tpu.memory_space<semaphore_mem>>)
      %dma_wait3A_39 = tpu.memref_slice %arg8[%mul3A_2] : memref<57344xf32, #tpu.memory_space<hbm>> -> memref<1792xf32, #tpu.memory_space<hbm>>
      %dma_wait3A_40 = tpu.memref_slice %arg8[%mul3A_2] : memref<57344xf32, #tpu.memory_space<hbm>> -> memref<1792xf32, #tpu.memory_space<hbm>>
      tpu.wait_dma2 semaphore(%run_scoped3A : memref<!tpu.dma_semaphore, #tpu.memory_space<semaphore_mem>>) src(%dma_wait3A_40 : memref<1792xf32, #tpu.memory_space<hbm>>) dst(%arg17 : memref<1792xf32, #tpu.memory_space<vmem>>)
      tpu.yield
    }) : () -> ()
    "tpu.region"() ({
      %run_scoped3A = tpu.sem_alloc : memref<!tpu.dma_semaphore, #tpu.memory_space<semaphore_mem>>
      %dma_start3A_37 = tpu.memref_slice %arg9[%mul3A_2] : memref<57344xf32, #tpu.memory_space<hbm>> -> memref<1792xf32, #tpu.memory_space<hbm>>
      %dma_start3A_38 = tpu.memref_slice %arg9[%mul3A_2] : memref<57344xf32, #tpu.memory_space<hbm>> -> memref<1792xf32, #tpu.memory_space<hbm>>
      tpu.enqueue_dma source(%dma_start3A_38 : memref<1792xf32, #tpu.memory_space<hbm>>) target(%arg18 : memref<1792xf32, #tpu.memory_space<vmem>>) target_semaphore(%run_scoped3A : memref<!tpu.dma_semaphore, #tpu.memory_space<semaphore_mem>>)
      %dma_wait3A_39 = tpu.memref_slice %arg9[%mul3A_2] : memref<57344xf32, #tpu.memory_space<hbm>> -> memref<1792xf32, #tpu.memory_space<hbm>>
      %dma_wait3A_40 = tpu.memref_slice %arg9[%mul3A_2] : memref<57344xf32, #tpu.memory_space<hbm>> -> memref<1792xf32, #tpu.memory_space<hbm>>
      tpu.wait_dma2 semaphore(%run_scoped3A : memref<!tpu.dma_semaphore, #tpu.memory_space<semaphore_mem>>) src(%dma_wait3A_40 : memref<1792xf32, #tpu.memory_space<hbm>>) dst(%arg18 : memref<1792xf32, #tpu.memory_space<vmem>>)
      tpu.yield
    }) : () -> ()
    "tpu.region"() ({
      %run_scoped3A = tpu.sem_alloc : memref<!tpu.dma_semaphore, #tpu.memory_space<semaphore_mem>>
      %dma_start3A_37 = tpu.memref_slice %arg10[%mul3A_2] : memref<57344xf32, #tpu.memory_space<hbm>> -> memref<1792xf32, #tpu.memory_space<hbm>>
      %dma_start3A_38 = tpu.memref_slice %arg10[%mul3A_2] : memref<57344xf32, #tpu.memory_space<hbm>> -> memref<1792xf32, #tpu.memory_space<hbm>>
      tpu.enqueue_dma source(%dma_start3A_38 : memref<1792xf32, #tpu.memory_space<hbm>>) target(%arg19 : memref<1792xf32, #tpu.memory_space<vmem>>) target_semaphore(%run_scoped3A : memref<!tpu.dma_semaphore, #tpu.memory_space<semaphore_mem>>)
      %dma_wait3A_39 = tpu.memref_slice %arg10[%mul3A_2] : memref<57344xf32, #tpu.memory_space<hbm>> -> memref<1792xf32, #tpu.memory_space<hbm>>
      %dma_wait3A_40 = tpu.memref_slice %arg10[%mul3A_2] : memref<57344xf32, #tpu.memory_space<hbm>> -> memref<1792xf32, #tpu.memory_space<hbm>>
      tpu.wait_dma2 semaphore(%run_scoped3A : memref<!tpu.dma_semaphore, #tpu.memory_space<semaphore_mem>>) src(%dma_wait3A_40 : memref<1792xf32, #tpu.memory_space<hbm>>) dst(%arg19 : memref<1792xf32, #tpu.memory_space<vmem>>)
      tpu.yield
    }) : () -> ()
    %dma_start3A = arith.constant 0 : i32
    %dma_start3A_3 = tpu.memref_slice %arg12[%dma_start3A] : memref<1792xi32, #tpu.memory_space<vmem>> -> memref<32xi32, #tpu.memory_space<vmem>>
    %dma_start3A_4 = arith.constant 0 : i32
    %dma_start3A_5 = arith.constant 0 : i32
    %dma_start3A_6 = tpu.memref_slice %arg2[%dma_start3A_4, %dma_start3A_5] : memref<87040x256xf32, #tpu.memory_space<hbm>> -> memref<87040x256xf32, #tpu.memory_space<hbm>>
    tpu.enqueue_indirect_dma source(%dma_start3A_6 : memref<87040x256xf32, #tpu.memory_space<hbm>>) target(%arg20 : memref<32x256xf32, #tpu.memory_space<vmem>>) offsets(%dma_start3A_3 : memref<32xi32, #tpu.memory_space<vmem>>) semaphore(%arg30 : memref<!tpu.dma_semaphore, #tpu.memory_space<semaphore_mem>>)
    %dma_start3A_7 = arith.constant 0 : i32
    %dma_start3A_8 = tpu.memref_slice %arg13[%dma_start3A_7] : memref<1792xi32, #tpu.memory_space<vmem>> -> memref<32xi32, #tpu.memory_space<vmem>>
    %dma_start3A_9 = arith.constant 0 : i32
    %dma_start3A_10 = arith.constant 0 : i32
    %dma_start3A_11 = tpu.memref_slice %arg2[%dma_start3A_9, %dma_start3A_10] : memref<87040x256xf32, #tpu.memory_space<hbm>> -> memref<87040x256xf32, #tpu.memory_space<hbm>>
    tpu.enqueue_indirect_dma source(%dma_start3A_11 : memref<87040x256xf32, #tpu.memory_space<hbm>>) target(%arg21 : memref<32x256xf32, #tpu.memory_space<vmem>>) offsets(%dma_start3A_8 : memref<32xi32, #tpu.memory_space<vmem>>) semaphore(%arg30 : memref<!tpu.dma_semaphore, #tpu.memory_space<semaphore_mem>>)
    %dma_start3A_12 = arith.constant 0 : i32
    %dma_start3A_13 = tpu.memref_slice %arg14[%dma_start3A_12] : memref<1792xi32, #tpu.memory_space<vmem>> -> memref<32xi32, #tpu.memory_space<vmem>>
    %dma_start3A_14 = arith.constant 0 : i32
    %dma_start3A_15 = arith.constant 0 : i32
    %dma_start3A_16 = tpu.memref_slice %arg2[%dma_start3A_14, %dma_start3A_15] : memref<87040x256xf32, #tpu.memory_space<hbm>> -> memref<87040x256xf32, #tpu.memory_space<hbm>>
    tpu.enqueue_indirect_dma source(%dma_start3A_16 : memref<87040x256xf32, #tpu.memory_space<hbm>>) target(%arg22 : memref<32x256xf32, #tpu.memory_space<vmem>>) offsets(%dma_start3A_13 : memref<32xi32, #tpu.memory_space<vmem>>) semaphore(%arg30 : memref<!tpu.dma_semaphore, #tpu.memory_space<semaphore_mem>>)
    %dma_start3A_17 = arith.constant 0 : i32
    %dma_start3A_18 = tpu.memref_slice %arg15[%dma_start3A_17] : memref<1792xi32, #tpu.memory_space<vmem>> -> memref<32xi32, #tpu.memory_space<vmem>>
    %dma_start3A_19 = arith.constant 0 : i32
    %dma_start3A_20 = arith.constant 0 : i32
    %dma_start3A_21 = tpu.memref_slice %arg2[%dma_start3A_19, %dma_start3A_20] : memref<87040x256xf32, #tpu.memory_space<hbm>> -> memref<87040x256xf32, #tpu.memory_space<hbm>>
    tpu.enqueue_indirect_dma source(%dma_start3A_21 : memref<87040x256xf32, #tpu.memory_space<hbm>>) target(%arg23 : memref<32x256xf32, #tpu.memory_space<vmem>>) offsets(%dma_start3A_18 : memref<32xi32, #tpu.memory_space<vmem>>) semaphore(%arg30 : memref<!tpu.dma_semaphore, #tpu.memory_space<semaphore_mem>>)
    %scan3A = arith.constant 0 : i32
    %scan3A_22 = arith.constant 28 : i32
    %scan3A_23 = arith.addi %scan3A, %scan3A_22 : i32
    %scan3A_24 = arith.constant 1 : i32
    scf.for %scan3A_37 = %scan3A to %scan3A_23 step %scan3A_24  : i32 {
      %mul3A_38 = arith.constant 2 : i32
      %mul3A_39 = arith.muli %scan3A_37, %mul3A_38 : i32
      %add3A_40 = arith.constant 0 : i32
      %add3A_41 = arith.addi %add3A_40, %mul3A_39 : i32
      %add3A_42 = arith.constant 1 : i32
      %add3A_43 = arith.addi %add3A_41, %add3A_42 : i32
      %mul3A_44 = arith.constant 32 : i32
      %mul3A_45 = arith.muli %add3A_43, %mul3A_44 : i32
      %dma_start3A_46 = tpu.memref_slice %arg12[%mul3A_45] : memref<1792xi32, #tpu.memory_space<vmem>> -> memref<32xi32, #tpu.memory_space<vmem>>
      %dma_start3A_47 = arith.constant 0 : i32
      %dma_start3A_48 = arith.constant 0 : i32
      %dma_start3A_49 = tpu.memref_slice %arg2[%dma_start3A_47, %dma_start3A_48] : memref<87040x256xf32, #tpu.memory_space<hbm>> -> memref<87040x256xf32, #tpu.memory_space<hbm>>
      tpu.enqueue_indirect_dma source(%dma_start3A_49 : memref<87040x256xf32, #tpu.memory_space<hbm>>) target(%arg25 : memref<32x256xf32, #tpu.memory_space<vmem>>) offsets(%dma_start3A_46 : memref<32xi32, #tpu.memory_space<vmem>>) semaphore(%arg31 : memref<!tpu.dma_semaphore, #tpu.memory_space<semaphore_mem>>)
      %dma_start3A_50 = tpu.memref_slice %arg13[%mul3A_45] : memref<1792xi32, #tpu.memory_space<vmem>> -> memref<32xi32, #tpu.memory_space<vmem>>
      %dma_start3A_51 = arith.constant 0 : i32
      %dma_start3A_52 = arith.constant 0 : i32
      %dma_start3A_53 = tpu.memref_slice %arg2[%dma_start3A_51, %dma_start3A_52] : memref<87040x256xf32, #tpu.memory_space<hbm>> -> memref<87040x256xf32, #tpu.memory_space<hbm>>
      tpu.enqueue_indirect_dma source(%dma_start3A_53 : memref<87040x256xf32, #tpu.memory_space<hbm>>) target(%arg26 : memref<32x256xf32, #tpu.memory_space<vmem>>) offsets(%dma_start3A_50 : memref<32xi32, #tpu.memory_space<vmem>>) semaphore(%arg31 : memref<!tpu.dma_semaphore, #tpu.memory_space<semaphore_mem>>)
      %dma_start3A_54 = tpu.memref_slice %arg14[%mul3A_45] : memref<1792xi32, #tpu.memory_space<vmem>> -> memref<32xi32, #tpu.memory_space<vmem>>
      %dma_start3A_55 = arith.constant 0 : i32
      %dma_start3A_56 = arith.constant 0 : i32
      %dma_start3A_57 = tpu.memref_slice %arg2[%dma_start3A_55, %dma_start3A_56] : memref<87040x256xf32, #tpu.memory_space<hbm>> -> memref<87040x256xf32, #tpu.memory_space<hbm>>
      tpu.enqueue_indirect_dma source(%dma_start3A_57 : memref<87040x256xf32, #tpu.memory_space<hbm>>) target(%arg27 : memref<32x256xf32, #tpu.memory_space<vmem>>) offsets(%dma_start3A_54 : memref<32xi32, #tpu.memory_space<vmem>>) semaphore(%arg31 : memref<!tpu.dma_semaphore, #tpu.memory_space<semaphore_mem>>)
      %dma_start3A_58 = tpu.memref_slice %arg15[%mul3A_45] : memref<1792xi32, #tpu.memory_space<vmem>> -> memref<32xi32, #tpu.memory_space<vmem>>
      %dma_start3A_59 = arith.constant 0 : i32
      %dma_start3A_60 = arith.constant 0 : i32
      %dma_start3A_61 = tpu.memref_slice %arg2[%dma_start3A_59, %dma_start3A_60] : memref<87040x256xf32, #tpu.memory_space<hbm>> -> memref<87040x256xf32, #tpu.memory_space<hbm>>
      tpu.enqueue_indirect_dma source(%dma_start3A_61 : memref<87040x256xf32, #tpu.memory_space<hbm>>) target(%arg28 : memref<32x256xf32, #tpu.memory_space<vmem>>) offsets(%dma_start3A_58 : memref<32xi32, #tpu.memory_space<vmem>>) semaphore(%arg31 : memref<!tpu.dma_semaphore, #tpu.memory_space<semaphore_mem>>)
      %dma_wait3A_62 = arith.constant 0 : i32
      %dma_wait3A_63 = arith.constant 0 : i32
      %dma_wait3A_64 = tpu.memref_slice %arg2[%dma_wait3A_62, %dma_wait3A_63] : memref<87040x256xf32, #tpu.memory_space<hbm>> -> memref<32x256xf32, #tpu.memory_space<hbm>>
      %dma_wait3A_65 = arith.constant 0 : i32
      %dma_wait3A_66 = arith.constant 0 : i32
      %dma_wait3A_67 = tpu.memref_slice %arg2[%dma_wait3A_65, %dma_wait3A_66] : memref<87040x256xf32, #tpu.memory_space<hbm>> -> memref<32x256xf32, #tpu.memory_space<hbm>>
      tpu.wait_dma2 semaphore(%arg30 : memref<!tpu.dma_semaphore, #tpu.memory_space<semaphore_mem>>) src(%dma_wait3A_67 : memref<32x256xf32, #tpu.memory_space<hbm>>) dst(%arg20 : memref<32x256xf32, #tpu.memory_space<vmem>>)
      %dma_wait3A_68 = arith.constant 0 : i32
      %dma_wait3A_69 = arith.constant 0 : i32
      %dma_wait3A_70 = tpu.memref_slice %arg2[%dma_wait3A_68, %dma_wait3A_69] : memref<87040x256xf32, #tpu.memory_space<hbm>> -> memref<32x256xf32, #tpu.memory_space<hbm>>
      %dma_wait3A_71 = arith.constant 0 : i32
      %dma_wait3A_72 = arith.constant 0 : i32
      %dma_wait3A_73 = tpu.memref_slice %arg2[%dma_wait3A_71, %dma_wait3A_72] : memref<87040x256xf32, #tpu.memory_space<hbm>> -> memref<32x256xf32, #tpu.memory_space<hbm>>
      tpu.wait_dma2 semaphore(%arg30 : memref<!tpu.dma_semaphore, #tpu.memory_space<semaphore_mem>>) src(%dma_wait3A_73 : memref<32x256xf32, #tpu.memory_space<hbm>>) dst(%arg21 : memref<32x256xf32, #tpu.memory_space<vmem>>)
      %dma_wait3A_74 = arith.constant 0 : i32
      %dma_wait3A_75 = arith.constant 0 : i32
      %dma_wait3A_76 = tpu.memref_slice %arg2[%dma_wait3A_74, %dma_wait3A_75] : memref<87040x256xf32, #tpu.memory_space<hbm>> -> memref<32x256xf32, #tpu.memory_space<hbm>>
      %dma_wait3A_77 = arith.constant 0 : i32
      %dma_wait3A_78 = arith.constant 0 : i32
      %dma_wait3A_79 = tpu.memref_slice %arg2[%dma_wait3A_77, %dma_wait3A_78] : memref<87040x256xf32, #tpu.memory_space<hbm>> -> memref<32x256xf32, #tpu.memory_space<hbm>>
      tpu.wait_dma2 semaphore(%arg30 : memref<!tpu.dma_semaphore, #tpu.memory_space<semaphore_mem>>) src(%dma_wait3A_79 : memref<32x256xf32, #tpu.memory_space<hbm>>) dst(%arg22 : memref<32x256xf32, #tpu.memory_space<vmem>>)
      %dma_wait3A_80 = arith.constant 0 : i32
      %dma_wait3A_81 = arith.constant 0 : i32
      %dma_wait3A_82 = tpu.memref_slice %arg2[%dma_wait3A_80, %dma_wait3A_81] : memref<87040x256xf32, #tpu.memory_space<hbm>> -> memref<32x256xf32, #tpu.memory_space<hbm>>
      %dma_wait3A_83 = arith.constant 0 : i32
      %dma_wait3A_84 = arith.constant 0 : i32
      %dma_wait3A_85 = tpu.memref_slice %arg2[%dma_wait3A_83, %dma_wait3A_84] : memref<87040x256xf32, #tpu.memory_space<hbm>> -> memref<32x256xf32, #tpu.memory_space<hbm>>
      tpu.wait_dma2 semaphore(%arg30 : memref<!tpu.dma_semaphore, #tpu.memory_space<semaphore_mem>>) src(%dma_wait3A_85 : memref<32x256xf32, #tpu.memory_space<hbm>>) dst(%arg23 : memref<32x256xf32, #tpu.memory_space<vmem>>)
      %gt3A = arith.constant 0 : i32
      %gt3A_86 = arith.cmpi sgt, %add3A_41, %gt3A : i32
      %convert_element_type3A = arith.extui %gt3A_86 : i1 to i32
      %cond3A = arith.constant 0 : i32
      %cond3A_87 = arith.cmpi ne, %convert_element_type3A, %cond3A : i32
      scf.if %cond3A_87 {
        %dma_wait3A_159 = arith.constant 0 : i32
        %dma_wait3A_160 = arith.constant 0 : i32
        %dma_wait3A_161 = tpu.memref_slice %arg11[%dma_wait3A_159, %dma_wait3A_160] : memref<57344x256xf32, #tpu.memory_space<hbm>> -> memref<32x256xf32, #tpu.memory_space<hbm>>
        %dma_wait3A_162 = arith.constant 0 : i32
        %dma_wait3A_163 = arith.constant 0 : i32
        %dma_wait3A_164 = tpu.memref_slice %arg11[%dma_wait3A_162, %dma_wait3A_163] : memref<57344x256xf32, #tpu.memory_space<hbm>> -> memref<32x256xf32, #tpu.memory_space<hbm>>
        tpu.wait_dma2 semaphore(%arg32 : memref<!tpu.dma_semaphore, #tpu.memory_space<semaphore_mem>>) src(%arg24 : memref<32x256xf32, #tpu.memory_space<vmem>>) dst(%dma_wait3A_164 : memref<32x256xf32, #tpu.memory_space<hbm>>)
      } else {
      }
      %mul3A_88 = arith.constant 32 : i32
      %mul3A_89 = arith.muli %add3A_41, %mul3A_88 : i32
      %scan3A_90 = arith.constant 0 : i32
      %scan3A_91 = arith.constant 0 : i32
      %scan3A_92 = arith.constant 2 : i32
      %scan3A_93 = arith.addi %scan3A_91, %scan3A_92 : i32
      %scan3A_94 = arith.constant 1 : i32
      %scan3A_95 = scf.for %scan3A_159 = %scan3A_91 to %scan3A_93 step %scan3A_94 iter_args(%scan3A_160 = %scan3A_90) -> (i32)  : i32 {
        %mul3A_161 = arith.constant 16 : i32
        %mul3A_162 = arith.muli %scan3A_159, %mul3A_161 : i32
        %add3A_163 = arith.addi %mul3A_89, %mul3A_162 : i32
        %get3A = arith.index_cast %add3A_163 : i32 to index
        %get3A_164 = tpu.vector_load %arg16[%get3A] {strides = array<i32>} : memref<1792xf32, #tpu.memory_space<vmem>>, vector<16xf32>,
        %get3A_165 = vector.shape_cast %get3A_164 : vector<16xf32> to vector<16xf32>
        %add3A_166 = arith.addi %mul3A_89, %mul3A_162 : i32
        %get3A_167 = arith.index_cast %add3A_166 : i32 to index
        %get3A_168 = tpu.vector_load %arg17[%get3A_167] {strides = array<i32>} : memref<1792xf32, #tpu.memory_space<vmem>>, vector<16xf32>,
        %get3A_169 = vector.shape_cast %get3A_168 : vector<16xf32> to vector<16xf32>
        %add3A_170 = arith.addi %mul3A_89, %mul3A_162 : i32
        %get3A_171 = arith.index_cast %add3A_170 : i32 to index
        %get3A_172 = tpu.vector_load %arg18[%get3A_171] {strides = array<i32>} : memref<1792xf32, #tpu.memory_space<vmem>>, vector<16xf32>,
        %get3A_173 = vector.shape_cast %get3A_172 : vector<16xf32> to vector<16xf32>
        %add3A_174 = arith.addi %mul3A_89, %mul3A_162 : i32
        %get3A_175 = arith.index_cast %add3A_174 : i32 to index
        %get3A_176 = tpu.vector_load %arg19[%get3A_175] {strides = array<i32>} : memref<1792xf32, #tpu.memory_space<vmem>>, vector<16xf32>,
        %get3A_177 = vector.shape_cast %get3A_176 : vector<16xf32> to vector<16xf32>
        %scan3A_178 = arith.constant 0 : i32
        %scan3A_179 = arith.constant 0 : i32
        %scan3A_180 = arith.constant 16 : i32
        %scan3A_181 = arith.addi %scan3A_179, %scan3A_180 : i32
        %scan3A_182 = arith.constant 1 : i32
        %scan3A_183 = scf.for %scan3A_186 = %scan3A_179 to %scan3A_181 step %scan3A_182 iter_args(%scan3A_187 = %scan3A_178) -> (i32)  : i32 {
          %add3A_188 = arith.addi %mul3A_162, %scan3A_186 : i32
          %broadcast_in_dim3A = vector.broadcast %scan3A_186 : i32 to vector<16x1xi32>
          %gather3A = vector.shape_cast %broadcast_in_dim3A : vector<16x1xi32> to vector<16xi32>
          %gather3A_189 = tpu.dynamic_gather %get3A_165[%gather3A] in [0] : vector<16xf32>, vector<16xi32> -> vector<16xf32>
          %broadcast_in_dim3A_190 = vector.broadcast %scan3A_186 : i32 to vector<16x1xi32>
          %gather3A_191 = vector.shape_cast %broadcast_in_dim3A_190 : vector<16x1xi32> to vector<16xi32>
          %gather3A_192 = tpu.dynamic_gather %get3A_169[%gather3A_191] in [0] : vector<16xf32>, vector<16xi32> -> vector<16xf32>
          %broadcast_in_dim3A_193 = vector.broadcast %scan3A_186 : i32 to vector<16x1xi32>
          %gather3A_194 = vector.shape_cast %broadcast_in_dim3A_193 : vector<16x1xi32> to vector<16xi32>
          %gather3A_195 = tpu.dynamic_gather %get3A_173[%gather3A_194] in [0] : vector<16xf32>, vector<16xi32> -> vector<16xf32>
          %broadcast_in_dim3A_196 = vector.broadcast %scan3A_186 : i32 to vector<16x1xi32>
          %gather3A_197 = vector.shape_cast %broadcast_in_dim3A_196 : vector<16x1xi32> to vector<16xi32>
          %gather3A_198 = tpu.dynamic_gather %get3A_177[%gather3A_197] in [0] : vector<16xf32>, vector<16xi32> -> vector<16xf32>
          %get3A_199 = arith.index_cast %add3A_188 : i32 to index
          %get3A_200 = arith.constant 0 : index
          %get3A_201 = tpu.vector_load %arg20[%get3A_199, %get3A_200] {strides = array<i32>} : memref<32x256xf32, #tpu.memory_space<vmem>>, vector<1x16xf32>,
          %get3A_202 = vector.shape_cast %get3A_201 : vector<1x16xf32> to vector<16xf32>
          %mul3A_203 = arith.mulf %gather3A_189, %get3A_202 : vector<16xf32>
          %get3A_204 = arith.index_cast %add3A_188 : i32 to index
          %get3A_205 = arith.constant 0 : index
          %get3A_206 = tpu.vector_load %arg21[%get3A_204, %get3A_205] {strides = array<i32>} : memref<32x256xf32, #tpu.memory_space<vmem>>, vector<1x16xf32>,
          %get3A_207 = vector.shape_cast %get3A_206 : vector<1x16xf32> to vector<16xf32>
          %mul3A_208 = arith.mulf %gather3A_192, %get3A_207 : vector<16xf32>
          %add3A_209 = arith.addf %mul3A_203, %mul3A_208 : vector<16xf32>
          %get3A_210 = arith.index_cast %add3A_188 : i32 to index
          %get3A_211 = arith.constant 0 : index
          %get3A_212 = tpu.vector_load %arg22[%get3A_210, %get3A_211] {strides = array<i32>} : memref<32x256xf32, #tpu.memory_space<vmem>>, vector<1x16xf32>,
          %get3A_213 = vector.shape_cast %get3A_212 : vector<1x16xf32> to vector<16xf32>
          %mul3A_214 = arith.mulf %gather3A_195, %get3A_213 : vector<16xf32>
          %add3A_215 = arith.addf %add3A_209, %mul3A_214 : vector<16xf32>
          %get3A_216 = arith.index_cast %add3A_188 : i32 to index
          %get3A_217 = arith.constant 0 : index
          %get3A_218 = tpu.vector_load %arg23[%get3A_216, %get3A_217] {strides = array<i32>} : memref<32x256xf32, #tpu.memory_space<vmem>>, vector<1x16xf32>,
          %get3A_219 = vector.shape_cast %get3A_218 : vector<1x16xf32> to vector<16xf32>
          %mul3A_220 = arith.mulf %gather3A_198, %get3A_219 : vector<16xf32>
          %add3A_221 = arith.addf %add3A_215, %mul3A_220 : vector<16xf32>
          %swap3A = arith.index_cast %add3A_188 : i32 to index
          %swap3A_222 = arith.constant 0 : index
          %swap3A_223 = tpu.vector_load %arg24[%swap3A, %swap3A_222] {strides = array<i32>} : memref<32x256xf32, #tpu.memory_space<vmem>>, vector<1x16xf32>,
          %swap3A_224 = vector.shape_cast %swap3A_223 : vector<1x16xf32> to vector<16xf32>
          %swap3A_225 = vector.shape_cast %add3A_221 : vector<16xf32> to vector<1x16xf32>
          tpu.vector_store %arg24[%swap3A, %swap3A_222], %swap3A_225 {strides = array<i32>} : memref<32x256xf32, #tpu.memory_space<vmem>>, vector<1x16xf32>,
          %get3A_226 = arith.index_cast %add3A_188 : i32 to index
          %get3A_227 = arith.constant 16 : index
          %get3A_228 = tpu.vector_load %arg20[%get3A_226, %get3A_227] {strides = array<i32>} : memref<32x256xf32, #tpu.memory_space<vmem>>, vector<1x16xf32>,
          %get3A_229 = vector.shape_cast %get3A_228 : vector<1x16xf32> to vector<16xf32>
          %mul3A_230 = arith.mulf %gather3A_189, %get3A_229 : vector<16xf32>
          %get3A_231 = arith.index_cast %add3A_188 : i32 to index
          %get3A_232 = arith.constant 16 : index
          %get3A_233 = tpu.vector_load %arg21[%get3A_231, %get3A_232] {strides = array<i32>} : memref<32x256xf32, #tpu.memory_space<vmem>>, vector<1x16xf32>,
          %get3A_234 = vector.shape_cast %get3A_233 : vector<1x16xf32> to vector<16xf32>
          %mul3A_235 = arith.mulf %gather3A_192, %get3A_234 : vector<16xf32>
          %add3A_236 = arith.addf %mul3A_230, %mul3A_235 : vector<16xf32>
          %get3A_237 = arith.index_cast %add3A_188 : i32 to index
          %get3A_238 = arith.constant 16 : index
          %get3A_239 = tpu.vector_load %arg22[%get3A_237, %get3A_238] {strides = array<i32>} : memref<32x256xf32, #tpu.memory_space<vmem>>, vector<1x16xf32>,
          %get3A_240 = vector.shape_cast %get3A_239 : vector<1x16xf32> to vector<16xf32>
          %mul3A_241 = arith.mulf %gather3A_195, %get3A_240 : vector<16xf32>
          %add3A_242 = arith.addf %add3A_236, %mul3A_241 : vector<16xf32>
          %get3A_243 = arith.index_cast %add3A_188 : i32 to index
          %get3A_244 = arith.constant 16 : index
          %get3A_245 = tpu.vector_load %arg23[%get3A_243, %get3A_244] {strides = array<i32>} : memref<32x256xf32, #tpu.memory_space<vmem>>, vector<1x16xf32>,
          %get3A_246 = vector.shape_cast %get3A_245 : vector<1x16xf32> to vector<16xf32>
          %mul3A_247 = arith.mulf %gather3A_198, %get3A_246 : vector<16xf32>
          %add3A_248 = arith.addf %add3A_242, %mul3A_247 : vector<16xf32>
          %swap3A_249 = arith.index_cast %add3A_188 : i32 to index
          %swap3A_250 = arith.constant 16 : index
          %swap3A_251 = tpu.vector_load %arg24[%swap3A_249, %swap3A_250] {strides = array<i32>} : memref<32x256xf32, #tpu.memory_space<vmem>>, vector<1x16xf32>,
          %swap3A_252 = vector.shape_cast %swap3A_251 : vector<1x16xf32> to vector<16xf32>
          %swap3A_253 = vector.shape_cast %add3A_248 : vector<16xf32> to vector<1x16xf32>
          tpu.vector_store %arg24[%swap3A_249, %swap3A_250], %swap3A_253 {strides = array<i32>} : memref<32x256xf32, #tpu.memory_space<vmem>>, vector<1x16xf32>,
          %get3A_254 = arith.index_cast %add3A_188 : i32 to index
          %get3A_255 = arith.constant 32 : index
          %get3A_256 = tpu.vector_load %arg20[%get3A_254, %get3A_255] {strides = array<i32>} : memref<32x256xf32, #tpu.memory_space<vmem>>, vector<1x16xf32>,
          %get3A_257 = vector.shape_cast %get3A_256 : vector<1x16xf32> to vector<16xf32>
          %mul3A_258 = arith.mulf %gather3A_189, %get3A_257 : vector<16xf32>
          %get3A_259 = arith.index_cast %add3A_188 : i32 to index
          %get3A_260 = arith.constant 32 : index
          %get3A_261 = tpu.vector_load %arg21[%get3A_259, %get3A_260] {strides = array<i32>} : memref<32x256xf32, #tpu.memory_space<vmem>>, vector<1x16xf32>,
          %get3A_262 = vector.shape_cast %get3A_261 : vector<1x16xf32> to vector<16xf32>
          %mul3A_263 = arith.mulf %gather3A_192, %get3A_262 : vector<16xf32>
          %add3A_264 = arith.addf %mul3A_258, %mul3A_263 : vector<16xf32>
          %get3A_265 = arith.index_cast %add3A_188 : i32 to index
          %get3A_266 = arith.constant 32 : index
          %get3A_267 = tpu.vector_load %arg22[%get3A_265, %get3A_266] {strides = array<i32>} : memref<32x256xf32, #tpu.memory_space<vmem>>, vector<1x16xf32>,
          %get3A_268 = vector.shape_cast %get3A_267 : vector<1x16xf32> to vector<16xf32>
          %mul3A_269 = arith.mulf %gather3A_195, %get3A_268 : vector<16xf32>
          %add3A_270 = arith.addf %add3A_264, %mul3A_269 : vector<16xf32>
          %get3A_271 = arith.index_cast %add3A_188 : i32 to index
          %get3A_272 = arith.constant 32 : index
          %get3A_273 = tpu.vector_load %arg23[%get3A_271, %get3A_272] {strides = array<i32>} : memref<32x256xf32, #tpu.memory_space<vmem>>, vector<1x16xf32>,
          %get3A_274 = vector.shape_cast %get3A_273 : vector<1x16xf32> to vector<16xf32>
          %mul3A_275 = arith.mulf %gather3A_198, %get3A_274 : vector<16xf32>
          %add3A_276 = arith.addf %add3A_270, %mul3A_275 : vector<16xf32>
          %swap3A_277 = arith.index_cast %add3A_188 : i32 to index
          %swap3A_278 = arith.constant 32 : index
          %swap3A_279 = tpu.vector_load %arg24[%swap3A_277, %swap3A_278] {strides = array<i32>} : memref<32x256xf32, #tpu.memory_space<vmem>>, vector<1x16xf32>,
          %swap3A_280 = vector.shape_cast %swap3A_279 : vector<1x16xf32> to vector<16xf32>
          %swap3A_281 = vector.shape_cast %add3A_276 : vector<16xf32> to vector<1x16xf32>
          tpu.vector_store %arg24[%swap3A_277, %swap3A_278], %swap3A_281 {strides = array<i32>} : memref<32x256xf32, #tpu.memory_space<vmem>>, vector<1x16xf32>,
          %get3A_282 = arith.index_cast %add3A_188 : i32 to index
          %get3A_283 = arith.constant 48 : index
          %get3A_284 = tpu.vector_load %arg20[%get3A_282, %get3A_283] {strides = array<i32>} : memref<32x256xf32, #tpu.memory_space<vmem>>, vector<1x16xf32>,
          %get3A_285 = vector.shape_cast %get3A_284 : vector<1x16xf32> to vector<16xf32>
          %mul3A_286 = arith.mulf %gather3A_189, %get3A_285 : vector<16xf32>
          %get3A_287 = arith.index_cast %add3A_188 : i32 to index
          %get3A_288 = arith.constant 48 : index
          %get3A_289 = tpu.vector_load %arg21[%get3A_287, %get3A_288] {strides = array<i32>} : memref<32x256xf32, #tpu.memory_space<vmem>>, vector<1x16xf32>,
          %get3A_290 = vector.shape_cast %get3A_289 : vector<1x16xf32> to vector<16xf32>
          %mul3A_291 = arith.mulf %gather3A_192, %get3A_290 : vector<16xf32>
          %add3A_292 = arith.addf %mul3A_286, %mul3A_291 : vector<16xf32>
          %get3A_293 = arith.index_cast %add3A_188 : i32 to index
          %get3A_294 = arith.constant 48 : index
          %get3A_295 = tpu.vector_load %arg22[%get3A_293, %get3A_294] {strides = array<i32>} : memref<32x256xf32, #tpu.memory_space<vmem>>, vector<1x16xf32>,
          %get3A_296 = vector.shape_cast %get3A_295 : vector<1x16xf32> to vector<16xf32>
          %mul3A_297 = arith.mulf %gather3A_195, %get3A_296 : vector<16xf32>
          %add3A_298 = arith.addf %add3A_292, %mul3A_297 : vector<16xf32>
          %get3A_299 = arith.index_cast %add3A_188 : i32 to index
          %get3A_300 = arith.constant 48 : index
          %get3A_301 = tpu.vector_load %arg23[%get3A_299, %get3A_300] {strides = array<i32>} : memref<32x256xf32, #tpu.memory_space<vmem>>, vector<1x16xf32>,
          %get3A_302 = vector.shape_cast %get3A_301 : vector<1x16xf32> to vector<16xf32>
          %mul3A_303 = arith.mulf %gather3A_198, %get3A_302 : vector<16xf32>
          %add3A_304 = arith.addf %add3A_298, %mul3A_303 : vector<16xf32>
          %swap3A_305 = arith.index_cast %add3A_188 : i32 to index
          %swap3A_306 = arith.constant 48 : index
          %swap3A_307 = tpu.vector_load %arg24[%swap3A_305, %swap3A_306] {strides = array<i32>} : memref<32x256xf32, #tpu.memory_space<vmem>>, vector<1x16xf32>,
          %swap3A_308 = vector.shape_cast %swap3A_307 : vector<1x16xf32> to vector<16xf32>
          %swap3A_309 = vector.shape_cast %add3A_304 : vector<16xf32> to vector<1x16xf32>
          tpu.vector_store %arg24[%swap3A_305, %swap3A_306], %swap3A_309 {strides = array<i32>} : memref<32x256xf32, #tpu.memory_space<vmem>>, vector<1x16xf32>,
          %get3A_310 = arith.index_cast %add3A_188 : i32 to index
          %get3A_311 = arith.constant 64 : index
          %get3A_312 = tpu.vector_load %arg20[%get3A_310, %get3A_311] {strides = array<i32>} : memref<32x256xf32, #tpu.memory_space<vmem>>, vector<1x16xf32>,
          %get3A_313 = vector.shape_cast %get3A_312 : vector<1x16xf32> to vector<16xf32>
          %mul3A_314 = arith.mulf %gather3A_189, %get3A_313 : vector<16xf32>
          %get3A_315 = arith.index_cast %add3A_188 : i32 to index
          %get3A_316 = arith.constant 64 : index
          %get3A_317 = tpu.vector_load %arg21[%get3A_315, %get3A_316] {strides = array<i32>} : memref<32x256xf32, #tpu.memory_space<vmem>>, vector<1x16xf32>,
          %get3A_318 = vector.shape_cast %get3A_317 : vector<1x16xf32> to vector<16xf32>
          %mul3A_319 = arith.mulf %gather3A_192, %get3A_318 : vector<16xf32>
          %add3A_320 = arith.addf %mul3A_314, %mul3A_319 : vector<16xf32>
          %get3A_321 = arith.index_cast %add3A_188 : i32 to index
          %get3A_322 = arith.constant 64 : index
          %get3A_323 = tpu.vector_load %arg22[%get3A_321, %get3A_322] {strides = array<i32>} : memref<32x256xf32, #tpu.memory_space<vmem>>, vector<1x16xf32>,
          %get3A_324 = vector.shape_cast %get3A_323 : vector<1x16xf32> to vector<16xf32>
          %mul3A_325 = arith.mulf %gather3A_195, %get3A_324 : vector<16xf32>
          %add3A_326 = arith.addf %add3A_320, %mul3A_325 : vector<16xf32>
          %get3A_327 = arith.index_cast %add3A_188 : i32 to index
          %get3A_328 = arith.constant 64 : index
          %get3A_329 = tpu.vector_load %arg23[%get3A_327, %get3A_328] {strides = array<i32>} : memref<32x256xf32, #tpu.memory_space<vmem>>, vector<1x16xf32>,
          %get3A_330 = vector.shape_cast %get3A_329 : vector<1x16xf32> to vector<16xf32>
          %mul3A_331 = arith.mulf %gather3A_198, %get3A_330 : vector<16xf32>
          %add3A_332 = arith.addf %add3A_326, %mul3A_331 : vector<16xf32>
          %swap3A_333 = arith.index_cast %add3A_188 : i32 to index
          %swap3A_334 = arith.constant 64 : index
          %swap3A_335 = tpu.vector_load %arg24[%swap3A_333, %swap3A_334] {strides = array<i32>} : memref<32x256xf32, #tpu.memory_space<vmem>>, vector<1x16xf32>,
          %swap3A_336 = vector.shape_cast %swap3A_335 : vector<1x16xf32> to vector<16xf32>
          %swap3A_337 = vector.shape_cast %add3A_332 : vector<16xf32> to vector<1x16xf32>
          tpu.vector_store %arg24[%swap3A_333, %swap3A_334], %swap3A_337 {strides = array<i32>} : memref<32x256xf32, #tpu.memory_space<vmem>>, vector<1x16xf32>,
          %get3A_338 = arith.index_cast %add3A_188 : i32 to index
          %get3A_339 = arith.constant 80 : index
          %get3A_340 = tpu.vector_load %arg20[%get3A_338, %get3A_339] {strides = array<i32>} : memref<32x256xf32, #tpu.memory_space<vmem>>, vector<1x16xf32>,
          %get3A_341 = vector.shape_cast %get3A_340 : vector<1x16xf32> to vector<16xf32>
          %mul3A_342 = arith.mulf %gather3A_189, %get3A_341 : vector<16xf32>
          %get3A_343 = arith.index_cast %add3A_188 : i32 to index
          %get3A_344 = arith.constant 80 : index
          %get3A_345 = tpu.vector_load %arg21[%get3A_343, %get3A_344] {strides = array<i32>} : memref<32x256xf32, #tpu.memory_space<vmem>>, vector<1x16xf32>,
          %get3A_346 = vector.shape_cast %get3A_345 : vector<1x16xf32> to vector<16xf32>
          %mul3A_347 = arith.mulf %gather3A_192, %get3A_346 : vector<16xf32>
          %add3A_348 = arith.addf %mul3A_342, %mul3A_347 : vector<16xf32>
          %get3A_349 = arith.index_cast %add3A_188 : i32 to index
          %get3A_350 = arith.constant 80 : index
          %get3A_351 = tpu.vector_load %arg22[%get3A_349, %get3A_350] {strides = array<i32>} : memref<32x256xf32, #tpu.memory_space<vmem>>, vector<1x16xf32>,
          %get3A_352 = vector.shape_cast %get3A_351 : vector<1x16xf32> to vector<16xf32>
          %mul3A_353 = arith.mulf %gather3A_195, %get3A_352 : vector<16xf32>
          %add3A_354 = arith.addf %add3A_348, %mul3A_353 : vector<16xf32>
          %get3A_355 = arith.index_cast %add3A_188 : i32 to index
          %get3A_356 = arith.constant 80 : index
          %get3A_357 = tpu.vector_load %arg23[%get3A_355, %get3A_356] {strides = array<i32>} : memref<32x256xf32, #tpu.memory_space<vmem>>, vector<1x16xf32>,
          %get3A_358 = vector.shape_cast %get3A_357 : vector<1x16xf32> to vector<16xf32>
          %mul3A_359 = arith.mulf %gather3A_198, %get3A_358 : vector<16xf32>
          %add3A_360 = arith.addf %add3A_354, %mul3A_359 : vector<16xf32>
          %swap3A_361 = arith.index_cast %add3A_188 : i32 to index
          %swap3A_362 = arith.constant 80 : index
          %swap3A_363 = tpu.vector_load %arg24[%swap3A_361, %swap3A_362] {strides = array<i32>} : memref<32x256xf32, #tpu.memory_space<vmem>>, vector<1x16xf32>,
          %swap3A_364 = vector.shape_cast %swap3A_363 : vector<1x16xf32> to vector<16xf32>
          %swap3A_365 = vector.shape_cast %add3A_360 : vector<16xf32> to vector<1x16xf32>
          tpu.vector_store %arg24[%swap3A_361, %swap3A_362], %swap3A_365 {strides = array<i32>} : memref<32x256xf32, #tpu.memory_space<vmem>>, vector<1x16xf32>,
          %get3A_366 = arith.index_cast %add3A_188 : i32 to index
          %get3A_367 = arith.constant 96 : index
          %get3A_368 = tpu.vector_load %arg20[%get3A_366, %get3A_367] {strides = array<i32>} : memref<32x256xf32, #tpu.memory_space<vmem>>, vector<1x16xf32>,
          %get3A_369 = vector.shape_cast %get3A_368 : vector<1x16xf32> to vector<16xf32>
          %mul3A_370 = arith.mulf %gather3A_189, %get3A_369 : vector<16xf32>
          %get3A_371 = arith.index_cast %add3A_188 : i32 to index
          %get3A_372 = arith.constant 96 : index
          %get3A_373 = tpu.vector_load %arg21[%get3A_371, %get3A_372] {strides = array<i32>} : memref<32x256xf32, #tpu.memory_space<vmem>>, vector<1x16xf32>,
          %get3A_374 = vector.shape_cast %get3A_373 : vector<1x16xf32> to vector<16xf32>
          %mul3A_375 = arith.mulf %gather3A_192, %get3A_374 : vector<16xf32>
          %add3A_376 = arith.addf %mul3A_370, %mul3A_375 : vector<16xf32>
          %get3A_377 = arith.index_cast %add3A_188 : i32 to index
          %get3A_378 = arith.constant 96 : index
          %get3A_379 = tpu.vector_load %arg22[%get3A_377, %get3A_378] {strides = array<i32>} : memref<32x256xf32, #tpu.memory_space<vmem>>, vector<1x16xf32>,
          %get3A_380 = vector.shape_cast %get3A_379 : vector<1x16xf32> to vector<16xf32>
          %mul3A_381 = arith.mulf %gather3A_195, %get3A_380 : vector<16xf32>
          %add3A_382 = arith.addf %add3A_376, %mul3A_381 : vector<16xf32>
          %get3A_383 = arith.index_cast %add3A_188 : i32 to index
          %get3A_384 = arith.constant 96 : index
          %get3A_385 = tpu.vector_load %arg23[%get3A_383, %get3A_384] {strides = array<i32>} : memref<32x256xf32, #tpu.memory_space<vmem>>, vector<1x16xf32>,
          %get3A_386 = vector.shape_cast %get3A_385 : vector<1x16xf32> to vector<16xf32>
          %mul3A_387 = arith.mulf %gather3A_198, %get3A_386 : vector<16xf32>
          %add3A_388 = arith.addf %add3A_382, %mul3A_387 : vector<16xf32>
          %swap3A_389 = arith.index_cast %add3A_188 : i32 to index
          %swap3A_390 = arith.constant 96 : index
          %swap3A_391 = tpu.vector_load %arg24[%swap3A_389, %swap3A_390] {strides = array<i32>} : memref<32x256xf32, #tpu.memory_space<vmem>>, vector<1x16xf32>,
          %swap3A_392 = vector.shape_cast %swap3A_391 : vector<1x16xf32> to vector<16xf32>
          %swap3A_393 = vector.shape_cast %add3A_388 : vector<16xf32> to vector<1x16xf32>
          tpu.vector_store %arg24[%swap3A_389, %swap3A_390], %swap3A_393 {strides = array<i32>} : memref<32x256xf32, #tpu.memory_space<vmem>>, vector<1x16xf32>,
          %get3A_394 = arith.index_cast %add3A_188 : i32 to index
          %get3A_395 = arith.constant 112 : index
          %get3A_396 = tpu.vector_load %arg20[%get3A_394, %get3A_395] {strides = array<i32>} : memref<32x256xf32, #tpu.memory_space<vmem>>, vector<1x16xf32>,
          %get3A_397 = vector.shape_cast %get3A_396 : vector<1x16xf32> to vector<16xf32>
          %mul3A_398 = arith.mulf %gather3A_189, %get3A_397 : vector<16xf32>
          %get3A_399 = arith.index_cast %add3A_188 : i32 to index
          %get3A_400 = arith.constant 112 : index
          %get3A_401 = tpu.vector_load %arg21[%get3A_399, %get3A_400] {strides = array<i32>} : memref<32x256xf32, #tpu.memory_space<vmem>>, vector<1x16xf32>,
          %get3A_402 = vector.shape_cast %get3A_401 : vector<1x16xf32> to vector<16xf32>
          %mul3A_403 = arith.mulf %gather3A_192, %get3A_402 : vector<16xf32>
          %add3A_404 = arith.addf %mul3A_398, %mul3A_403 : vector<16xf32>
          %get3A_405 = arith.index_cast %add3A_188 : i32 to index
          %get3A_406 = arith.constant 112 : index
          %get3A_407 = tpu.vector_load %arg22[%get3A_405, %get3A_406] {strides = array<i32>} : memref<32x256xf32, #tpu.memory_space<vmem>>, vector<1x16xf32>,
          %get3A_408 = vector.shape_cast %get3A_407 : vector<1x16xf32> to vector<16xf32>
          %mul3A_409 = arith.mulf %gather3A_195, %get3A_408 : vector<16xf32>
          %add3A_410 = arith.addf %add3A_404, %mul3A_409 : vector<16xf32>
          %get3A_411 = arith.index_cast %add3A_188 : i32 to index
          %get3A_412 = arith.constant 112 : index
          %get3A_413 = tpu.vector_load %arg23[%get3A_411, %get3A_412] {strides = array<i32>} : memref<32x256xf32, #tpu.memory_space<vmem>>, vector<1x16xf32>,
          %get3A_414 = vector.shape_cast %get3A_413 : vector<1x16xf32> to vector<16xf32>
          %mul3A_415 = arith.mulf %gather3A_198, %get3A_414 : vector<16xf32>
          %add3A_416 = arith.addf %add3A_410, %mul3A_415 : vector<16xf32>
          %swap3A_417 = arith.index_cast %add3A_188 : i32 to index
          %swap3A_418 = arith.constant 112 : index
          %swap3A_419 = tpu.vector_load %arg24[%swap3A_417, %swap3A_418] {strides = array<i32>} : memref<32x256xf32, #tpu.memory_space<vmem>>, vector<1x16xf32>,
          %swap3A_420 = vector.shape_cast %swap3A_419 : vector<1x16xf32> to vector<16xf32>
          %swap3A_421 = vector.shape_cast %add3A_416 : vector<16xf32> to vector<1x16xf32>
          tpu.vector_store %arg24[%swap3A_417, %swap3A_418], %swap3A_421 {strides = array<i32>} : memref<32x256xf32, #tpu.memory_space<vmem>>, vector<1x16xf32>,
          %get3A_422 = arith.index_cast %add3A_188 : i32 to index
          %get3A_423 = arith.constant 128 : index
          %get3A_424 = tpu.vector_load %arg20[%get3A_422, %get3A_423] {strides = array<i32>} : memref<32x256xf32, #tpu.memory_space<vmem>>, vector<1x16xf32>,
          %get3A_425 = vector.shape_cast %get3A_424 : vector<1x16xf32> to vector<16xf32>
          %mul3A_426 = arith.mulf %gather3A_189, %get3A_425 : vector<16xf32>
          %get3A_427 = arith.index_cast %add3A_188 : i32 to index
          %get3A_428 = arith.constant 128 : index
          %get3A_429 = tpu.vector_load %arg21[%get3A_427, %get3A_428] {strides = array<i32>} : memref<32x256xf32, #tpu.memory_space<vmem>>, vector<1x16xf32>,
          %get3A_430 = vector.shape_cast %get3A_429 : vector<1x16xf32> to vector<16xf32>
          %mul3A_431 = arith.mulf %gather3A_192, %get3A_430 : vector<16xf32>
          %add3A_432 = arith.addf %mul3A_426, %mul3A_431 : vector<16xf32>
          %get3A_433 = arith.index_cast %add3A_188 : i32 to index
          %get3A_434 = arith.constant 128 : index
          %get3A_435 = tpu.vector_load %arg22[%get3A_433, %get3A_434] {strides = array<i32>} : memref<32x256xf32, #tpu.memory_space<vmem>>, vector<1x16xf32>,
          %get3A_436 = vector.shape_cast %get3A_435 : vector<1x16xf32> to vector<16xf32>
          %mul3A_437 = arith.mulf %gather3A_195, %get3A_436 : vector<16xf32>
          %add3A_438 = arith.addf %add3A_432, %mul3A_437 : vector<16xf32>
          %get3A_439 = arith.index_cast %add3A_188 : i32 to index
          %get3A_440 = arith.constant 128 : index
          %get3A_441 = tpu.vector_load %arg23[%get3A_439, %get3A_440] {strides = array<i32>} : memref<32x256xf32, #tpu.memory_space<vmem>>, vector<1x16xf32>,
          %get3A_442 = vector.shape_cast %get3A_441 : vector<1x16xf32> to vector<16xf32>
          %mul3A_443 = arith.mulf %gather3A_198, %get3A_442 : vector<16xf32>
          %add3A_444 = arith.addf %add3A_438, %mul3A_443 : vector<16xf32>
          %swap3A_445 = arith.index_cast %add3A_188 : i32 to index
          %swap3A_446 = arith.constant 128 : index
          %swap3A_447 = tpu.vector_load %arg24[%swap3A_445, %swap3A_446] {strides = array<i32>} : memref<32x256xf32, #tpu.memory_space<vmem>>, vector<1x16xf32>,
          %swap3A_448 = vector.shape_cast %swap3A_447 : vector<1x16xf32> to vector<16xf32>
          %swap3A_449 = vector.shape_cast %add3A_444 : vector<16xf32> to vector<1x16xf32>
          tpu.vector_store %arg24[%swap3A_445, %swap3A_446], %swap3A_449 {strides = array<i32>} : memref<32x256xf32, #tpu.memory_space<vmem>>, vector<1x16xf32>,
          %get3A_450 = arith.index_cast %add3A_188 : i32 to index
          %get3A_451 = arith.constant 144 : index
          %get3A_452 = tpu.vector_load %arg20[%get3A_450, %get3A_451] {strides = array<i32>} : memref<32x256xf32, #tpu.memory_space<vmem>>, vector<1x16xf32>,
          %get3A_453 = vector.shape_cast %get3A_452 : vector<1x16xf32> to vector<16xf32>
          %mul3A_454 = arith.mulf %gather3A_189, %get3A_453 : vector<16xf32>
          %get3A_455 = arith.index_cast %add3A_188 : i32 to index
          %get3A_456 = arith.constant 144 : index
          %get3A_457 = tpu.vector_load %arg21[%get3A_455, %get3A_456] {strides = array<i32>} : memref<32x256xf32, #tpu.memory_space<vmem>>, vector<1x16xf32>,
          %get3A_458 = vector.shape_cast %get3A_457 : vector<1x16xf32> to vector<16xf32>
          %mul3A_459 = arith.mulf %gather3A_192, %get3A_458 : vector<16xf32>
          %add3A_460 = arith.addf %mul3A_454, %mul3A_459 : vector<16xf32>
          %get3A_461 = arith.index_cast %add3A_188 : i32 to index
          %get3A_462 = arith.constant 144 : index
          %get3A_463 = tpu.vector_load %arg22[%get3A_461, %get3A_462] {strides = array<i32>} : memref<32x256xf32, #tpu.memory_space<vmem>>, vector<1x16xf32>,
          %get3A_464 = vector.shape_cast %get3A_463 : vector<1x16xf32> to vector<16xf32>
          %mul3A_465 = arith.mulf %gather3A_195, %get3A_464 : vector<16xf32>
          %add3A_466 = arith.addf %add3A_460, %mul3A_465 : vector<16xf32>
          %get3A_467 = arith.index_cast %add3A_188 : i32 to index
          %get3A_468 = arith.constant 144 : index
          %get3A_469 = tpu.vector_load %arg23[%get3A_467, %get3A_468] {strides = array<i32>} : memref<32x256xf32, #tpu.memory_space<vmem>>, vector<1x16xf32>,
          %get3A_470 = vector.shape_cast %get3A_469 : vector<1x16xf32> to vector<16xf32>
          %mul3A_471 = arith.mulf %gather3A_198, %get3A_470 : vector<16xf32>
          %add3A_472 = arith.addf %add3A_466, %mul3A_471 : vector<16xf32>
          %swap3A_473 = arith.index_cast %add3A_188 : i32 to index
          %swap3A_474 = arith.constant 144 : index
          %swap3A_475 = tpu.vector_load %arg24[%swap3A_473, %swap3A_474] {strides = array<i32>} : memref<32x256xf32, #tpu.memory_space<vmem>>, vector<1x16xf32>,
          %swap3A_476 = vector.shape_cast %swap3A_475 : vector<1x16xf32> to vector<16xf32>
          %swap3A_477 = vector.shape_cast %add3A_472 : vector<16xf32> to vector<1x16xf32>
          tpu.vector_store %arg24[%swap3A_473, %swap3A_474], %swap3A_477 {strides = array<i32>} : memref<32x256xf32, #tpu.memory_space<vmem>>, vector<1x16xf32>,
          %get3A_478 = arith.index_cast %add3A_188 : i32 to index
          %get3A_479 = arith.constant 160 : index
          %get3A_480 = tpu.vector_load %arg20[%get3A_478, %get3A_479] {strides = array<i32>} : memref<32x256xf32, #tpu.memory_space<vmem>>, vector<1x16xf32>,
          %get3A_481 = vector.shape_cast %get3A_480 : vector<1x16xf32> to vector<16xf32>
          %mul3A_482 = arith.mulf %gather3A_189, %get3A_481 : vector<16xf32>
          %get3A_483 = arith.index_cast %add3A_188 : i32 to index
          %get3A_484 = arith.constant 160 : index
          %get3A_485 = tpu.vector_load %arg21[%get3A_483, %get3A_484] {strides = array<i32>} : memref<32x256xf32, #tpu.memory_space<vmem>>, vector<1x16xf32>,
          %get3A_486 = vector.shape_cast %get3A_485 : vector<1x16xf32> to vector<16xf32>
          %mul3A_487 = arith.mulf %gather3A_192, %get3A_486 : vector<16xf32>
          %add3A_488 = arith.addf %mul3A_482, %mul3A_487 : vector<16xf32>
          %get3A_489 = arith.index_cast %add3A_188 : i32 to index
          %get3A_490 = arith.constant 160 : index
          %get3A_491 = tpu.vector_load %arg22[%get3A_489, %get3A_490] {strides = array<i32>} : memref<32x256xf32, #tpu.memory_space<vmem>>, vector<1x16xf32>,
          %get3A_492 = vector.shape_cast %get3A_491 : vector<1x16xf32> to vector<16xf32>
          %mul3A_493 = arith.mulf %gather3A_195, %get3A_492 : vector<16xf32>
          %add3A_494 = arith.addf %add3A_488, %mul3A_493 : vector<16xf32>
          %get3A_495 = arith.index_cast %add3A_188 : i32 to index
          %get3A_496 = arith.constant 160 : index
          %get3A_497 = tpu.vector_load %arg23[%get3A_495, %get3A_496] {strides = array<i32>} : memref<32x256xf32, #tpu.memory_space<vmem>>, vector<1x16xf32>,
          %get3A_498 = vector.shape_cast %get3A_497 : vector<1x16xf32> to vector<16xf32>
          %mul3A_499 = arith.mulf %gather3A_198, %get3A_498 : vector<16xf32>
          %add3A_500 = arith.addf %add3A_494, %mul3A_499 : vector<16xf32>
          %swap3A_501 = arith.index_cast %add3A_188 : i32 to index
          %swap3A_502 = arith.constant 160 : index
          %swap3A_503 = tpu.vector_load %arg24[%swap3A_501, %swap3A_502] {strides = array<i32>} : memref<32x256xf32, #tpu.memory_space<vmem>>, vector<1x16xf32>,
          %swap3A_504 = vector.shape_cast %swap3A_503 : vector<1x16xf32> to vector<16xf32>
          %swap3A_505 = vector.shape_cast %add3A_500 : vector<16xf32> to vector<1x16xf32>
          tpu.vector_store %arg24[%swap3A_501, %swap3A_502], %swap3A_505 {strides = array<i32>} : memref<32x256xf32, #tpu.memory_space<vmem>>, vector<1x16xf32>,
          %get3A_506 = arith.index_cast %add3A_188 : i32 to index
          %get3A_507 = arith.constant 176 : index
          %get3A_508 = tpu.vector_load %arg20[%get3A_506, %get3A_507] {strides = array<i32>} : memref<32x256xf32, #tpu.memory_space<vmem>>, vector<1x16xf32>,
          %get3A_509 = vector.shape_cast %get3A_508 : vector<1x16xf32> to vector<16xf32>
          %mul3A_510 = arith.mulf %gather3A_189, %get3A_509 : vector<16xf32>
          %get3A_511 = arith.index_cast %add3A_188 : i32 to index
          %get3A_512 = arith.constant 176 : index
          %get3A_513 = tpu.vector_load %arg21[%get3A_511, %get3A_512] {strides = array<i32>} : memref<32x256xf32, #tpu.memory_space<vmem>>, vector<1x16xf32>,
          %get3A_514 = vector.shape_cast %get3A_513 : vector<1x16xf32> to vector<16xf32>
          %mul3A_515 = arith.mulf %gather3A_192, %get3A_514 : vector<16xf32>
          %add3A_516 = arith.addf %mul3A_510, %mul3A_515 : vector<16xf32>
          %get3A_517 = arith.index_cast %add3A_188 : i32 to index
          %get3A_518 = arith.constant 176 : index
          %get3A_519 = tpu.vector_load %arg22[%get3A_517, %get3A_518] {strides = array<i32>} : memref<32x256xf32, #tpu.memory_space<vmem>>, vector<1x16xf32>,
          %get3A_520 = vector.shape_cast %get3A_519 : vector<1x16xf32> to vector<16xf32>
          %mul3A_521 = arith.mulf %gather3A_195, %get3A_520 : vector<16xf32>
          %add3A_522 = arith.addf %add3A_516, %mul3A_521 : vector<16xf32>
          %get3A_523 = arith.index_cast %add3A_188 : i32 to index
          %get3A_524 = arith.constant 176 : index
          %get3A_525 = tpu.vector_load %arg23[%get3A_523, %get3A_524] {strides = array<i32>} : memref<32x256xf32, #tpu.memory_space<vmem>>, vector<1x16xf32>,
          %get3A_526 = vector.shape_cast %get3A_525 : vector<1x16xf32> to vector<16xf32>
          %mul3A_527 = arith.mulf %gather3A_198, %get3A_526 : vector<16xf32>
          %add3A_528 = arith.addf %add3A_522, %mul3A_527 : vector<16xf32>
          %swap3A_529 = arith.index_cast %add3A_188 : i32 to index
          %swap3A_530 = arith.constant 176 : index
          %swap3A_531 = tpu.vector_load %arg24[%swap3A_529, %swap3A_530] {strides = array<i32>} : memref<32x256xf32, #tpu.memory_space<vmem>>, vector<1x16xf32>,
          %swap3A_532 = vector.shape_cast %swap3A_531 : vector<1x16xf32> to vector<16xf32>
          %swap3A_533 = vector.shape_cast %add3A_528 : vector<16xf32> to vector<1x16xf32>
          tpu.vector_store %arg24[%swap3A_529, %swap3A_530], %swap3A_533 {strides = array<i32>} : memref<32x256xf32, #tpu.memory_space<vmem>>, vector<1x16xf32>,
          %get3A_534 = arith.index_cast %add3A_188 : i32 to index
          %get3A_535 = arith.constant 192 : index
          %get3A_536 = tpu.vector_load %arg20[%get3A_534, %get3A_535] {strides = array<i32>} : memref<32x256xf32, #tpu.memory_space<vmem>>, vector<1x16xf32>,
          %get3A_537 = vector.shape_cast %get3A_536 : vector<1x16xf32> to vector<16xf32>
          %mul3A_538 = arith.mulf %gather3A_189, %get3A_537 : vector<16xf32>
          %get3A_539 = arith.index_cast %add3A_188 : i32 to index
          %get3A_540 = arith.constant 192 : index
          %get3A_541 = tpu.vector_load %arg21[%get3A_539, %get3A_540] {strides = array<i32>} : memref<32x256xf32, #tpu.memory_space<vmem>>, vector<1x16xf32>,
          %get3A_542 = vector.shape_cast %get3A_541 : vector<1x16xf32> to vector<16xf32>
          %mul3A_543 = arith.mulf %gather3A_192, %get3A_542 : vector<16xf32>
          %add3A_544 = arith.addf %mul3A_538, %mul3A_543 : vector<16xf32>
          %get3A_545 = arith.index_cast %add3A_188 : i32 to index
          %get3A_546 = arith.constant 192 : index
          %get3A_547 = tpu.vector_load %arg22[%get3A_545, %get3A_546] {strides = array<i32>} : memref<32x256xf32, #tpu.memory_space<vmem>>, vector<1x16xf32>,
          %get3A_548 = vector.shape_cast %get3A_547 : vector<1x16xf32> to vector<16xf32>
          %mul3A_549 = arith.mulf %gather3A_195, %get3A_548 : vector<16xf32>
          %add3A_550 = arith.addf %add3A_544, %mul3A_549 : vector<16xf32>
          %get3A_551 = arith.index_cast %add3A_188 : i32 to index
          %get3A_552 = arith.constant 192 : index
          %get3A_553 = tpu.vector_load %arg23[%get3A_551, %get3A_552] {strides = array<i32>} : memref<32x256xf32, #tpu.memory_space<vmem>>, vector<1x16xf32>,
          %get3A_554 = vector.shape_cast %get3A_553 : vector<1x16xf32> to vector<16xf32>
          %mul3A_555 = arith.mulf %gather3A_198, %get3A_554 : vector<16xf32>
          %add3A_556 = arith.addf %add3A_550, %mul3A_555 : vector<16xf32>
          %swap3A_557 = arith.index_cast %add3A_188 : i32 to index
          %swap3A_558 = arith.constant 192 : index
          %swap3A_559 = tpu.vector_load %arg24[%swap3A_557, %swap3A_558] {strides = array<i32>} : memref<32x256xf32, #tpu.memory_space<vmem>>, vector<1x16xf32>,
          %swap3A_560 = vector.shape_cast %swap3A_559 : vector<1x16xf32> to vector<16xf32>
          %swap3A_561 = vector.shape_cast %add3A_556 : vector<16xf32> to vector<1x16xf32>
          tpu.vector_store %arg24[%swap3A_557, %swap3A_558], %swap3A_561 {strides = array<i32>} : memref<32x256xf32, #tpu.memory_space<vmem>>, vector<1x16xf32>,
          %get3A_562 = arith.index_cast %add3A_188 : i32 to index
          %get3A_563 = arith.constant 208 : index
          %get3A_564 = tpu.vector_load %arg20[%get3A_562, %get3A_563] {strides = array<i32>} : memref<32x256xf32, #tpu.memory_space<vmem>>, vector<1x16xf32>,
          %get3A_565 = vector.shape_cast %get3A_564 : vector<1x16xf32> to vector<16xf32>
          %mul3A_566 = arith.mulf %gather3A_189, %get3A_565 : vector<16xf32>
          %get3A_567 = arith.index_cast %add3A_188 : i32 to index
          %get3A_568 = arith.constant 208 : index
          %get3A_569 = tpu.vector_load %arg21[%get3A_567, %get3A_568] {strides = array<i32>} : memref<32x256xf32, #tpu.memory_space<vmem>>, vector<1x16xf32>,
          %get3A_570 = vector.shape_cast %get3A_569 : vector<1x16xf32> to vector<16xf32>
          %mul3A_571 = arith.mulf %gather3A_192, %get3A_570 : vector<16xf32>
          %add3A_572 = arith.addf %mul3A_566, %mul3A_571 : vector<16xf32>
          %get3A_573 = arith.index_cast %add3A_188 : i32 to index
          %get3A_574 = arith.constant 208 : index
          %get3A_575 = tpu.vector_load %arg22[%get3A_573, %get3A_574] {strides = array<i32>} : memref<32x256xf32, #tpu.memory_space<vmem>>, vector<1x16xf32>,
          %get3A_576 = vector.shape_cast %get3A_575 : vector<1x16xf32> to vector<16xf32>
          %mul3A_577 = arith.mulf %gather3A_195, %get3A_576 : vector<16xf32>
          %add3A_578 = arith.addf %add3A_572, %mul3A_577 : vector<16xf32>
          %get3A_579 = arith.index_cast %add3A_188 : i32 to index
          %get3A_580 = arith.constant 208 : index
          %get3A_581 = tpu.vector_load %arg23[%get3A_579, %get3A_580] {strides = array<i32>} : memref<32x256xf32, #tpu.memory_space<vmem>>, vector<1x16xf32>,
          %get3A_582 = vector.shape_cast %get3A_581 : vector<1x16xf32> to vector<16xf32>
          %mul3A_583 = arith.mulf %gather3A_198, %get3A_582 : vector<16xf32>
          %add3A_584 = arith.addf %add3A_578, %mul3A_583 : vector<16xf32>
          %swap3A_585 = arith.index_cast %add3A_188 : i32 to index
          %swap3A_586 = arith.constant 208 : index
          %swap3A_587 = tpu.vector_load %arg24[%swap3A_585, %swap3A_586] {strides = array<i32>} : memref<32x256xf32, #tpu.memory_space<vmem>>, vector<1x16xf32>,
          %swap3A_588 = vector.shape_cast %swap3A_587 : vector<1x16xf32> to vector<16xf32>
          %swap3A_589 = vector.shape_cast %add3A_584 : vector<16xf32> to vector<1x16xf32>
          tpu.vector_store %arg24[%swap3A_585, %swap3A_586], %swap3A_589 {strides = array<i32>} : memref<32x256xf32, #tpu.memory_space<vmem>>, vector<1x16xf32>,
          %get3A_590 = arith.index_cast %add3A_188 : i32 to index
          %get3A_591 = arith.constant 224 : index
          %get3A_592 = tpu.vector_load %arg20[%get3A_590, %get3A_591] {strides = array<i32>} : memref<32x256xf32, #tpu.memory_space<vmem>>, vector<1x16xf32>,
          %get3A_593 = vector.shape_cast %get3A_592 : vector<1x16xf32> to vector<16xf32>
          %mul3A_594 = arith.mulf %gather3A_189, %get3A_593 : vector<16xf32>
          %get3A_595 = arith.index_cast %add3A_188 : i32 to index
          %get3A_596 = arith.constant 224 : index
          %get3A_597 = tpu.vector_load %arg21[%get3A_595, %get3A_596] {strides = array<i32>} : memref<32x256xf32, #tpu.memory_space<vmem>>, vector<1x16xf32>,
          %get3A_598 = vector.shape_cast %get3A_597 : vector<1x16xf32> to vector<16xf32>
          %mul3A_599 = arith.mulf %gather3A_192, %get3A_598 : vector<16xf32>
          %add3A_600 = arith.addf %mul3A_594, %mul3A_599 : vector<16xf32>
          %get3A_601 = arith.index_cast %add3A_188 : i32 to index
          %get3A_602 = arith.constant 224 : index
          %get3A_603 = tpu.vector_load %arg22[%get3A_601, %get3A_602] {strides = array<i32>} : memref<32x256xf32, #tpu.memory_space<vmem>>, vector<1x16xf32>,
          %get3A_604 = vector.shape_cast %get3A_603 : vector<1x16xf32> to vector<16xf32>
          %mul3A_605 = arith.mulf %gather3A_195, %get3A_604 : vector<16xf32>
          %add3A_606 = arith.addf %add3A_600, %mul3A_605 : vector<16xf32>
          %get3A_607 = arith.index_cast %add3A_188 : i32 to index
          %get3A_608 = arith.constant 224 : index
          %get3A_609 = tpu.vector_load %arg23[%get3A_607, %get3A_608] {strides = array<i32>} : memref<32x256xf32, #tpu.memory_space<vmem>>, vector<1x16xf32>,
          %get3A_610 = vector.shape_cast %get3A_609 : vector<1x16xf32> to vector<16xf32>
          %mul3A_611 = arith.mulf %gather3A_198, %get3A_610 : vector<16xf32>
          %add3A_612 = arith.addf %add3A_606, %mul3A_611 : vector<16xf32>
          %swap3A_613 = arith.index_cast %add3A_188 : i32 to index
          %swap3A_614 = arith.constant 224 : index
          %swap3A_615 = tpu.vector_load %arg24[%swap3A_613, %swap3A_614] {strides = array<i32>} : memref<32x256xf32, #tpu.memory_space<vmem>>, vector<1x16xf32>,
          %swap3A_616 = vector.shape_cast %swap3A_615 : vector<1x16xf32> to vector<16xf32>
          %swap3A_617 = vector.shape_cast %add3A_612 : vector<16xf32> to vector<1x16xf32>
          tpu.vector_store %arg24[%swap3A_613, %swap3A_614], %swap3A_617 {strides = array<i32>} : memref<32x256xf32, #tpu.memory_space<vmem>>, vector<1x16xf32>,
          %get3A_618 = arith.index_cast %add3A_188 : i32 to index
          %get3A_619 = arith.constant 240 : index
          %get3A_620 = tpu.vector_load %arg20[%get3A_618, %get3A_619] {strides = array<i32>} : memref<32x256xf32, #tpu.memory_space<vmem>>, vector<1x16xf32>,
          %get3A_621 = vector.shape_cast %get3A_620 : vector<1x16xf32> to vector<16xf32>
          %mul3A_622 = arith.mulf %gather3A_189, %get3A_621 : vector<16xf32>
          %get3A_623 = arith.index_cast %add3A_188 : i32 to index
          %get3A_624 = arith.constant 240 : index
          %get3A_625 = tpu.vector_load %arg21[%get3A_623, %get3A_624] {strides = array<i32>} : memref<32x256xf32, #tpu.memory_space<vmem>>, vector<1x16xf32>,
          %get3A_626 = vector.shape_cast %get3A_625 : vector<1x16xf32> to vector<16xf32>
          %mul3A_627 = arith.mulf %gather3A_192, %get3A_626 : vector<16xf32>
          %add3A_628 = arith.addf %mul3A_622, %mul3A_627 : vector<16xf32>
          %get3A_629 = arith.index_cast %add3A_188 : i32 to index
          %get3A_630 = arith.constant 240 : index
          %get3A_631 = tpu.vector_load %arg22[%get3A_629, %get3A_630] {strides = array<i32>} : memref<32x256xf32, #tpu.memory_space<vmem>>, vector<1x16xf32>,
          %get3A_632 = vector.shape_cast %get3A_631 : vector<1x16xf32> to vector<16xf32>
          %mul3A_633 = arith.mulf %gather3A_195, %get3A_632 : vector<16xf32>
          %add3A_634 = arith.addf %add3A_628, %mul3A_633 : vector<16xf32>
          %get3A_635 = arith.index_cast %add3A_188 : i32 to index
          %get3A_636 = arith.constant 240 : index
          %get3A_637 = tpu.vector_load %arg23[%get3A_635, %get3A_636] {strides = array<i32>} : memref<32x256xf32, #tpu.memory_space<vmem>>, vector<1x16xf32>,
          %get3A_638 = vector.shape_cast %get3A_637 : vector<1x16xf32> to vector<16xf32>
          %mul3A_639 = arith.mulf %gather3A_198, %get3A_638 : vector<16xf32>
          %add3A_640 = arith.addf %add3A_634, %mul3A_639 : vector<16xf32>
          %swap3A_641 = arith.index_cast %add3A_188 : i32 to index
          %swap3A_642 = arith.constant 240 : index
          %swap3A_643 = tpu.vector_load %arg24[%swap3A_641, %swap3A_642] {strides = array<i32>} : memref<32x256xf32, #tpu.memory_space<vmem>>, vector<1x16xf32>,
          %swap3A_644 = vector.shape_cast %swap3A_643 : vector<1x16xf32> to vector<16xf32>
          %swap3A_645 = vector.shape_cast %add3A_640 : vector<16xf32> to vector<1x16xf32>
          tpu.vector_store %arg24[%swap3A_641, %swap3A_642], %swap3A_645 {strides = array<i32>} : memref<32x256xf32, #tpu.memory_space<vmem>>, vector<1x16xf32>,
          %scan3A_646 = arith.constant 0 : i32
          scf.yield %scan3A_646 : i32
        }
        %scan3A_184 = arith.constant 16 : i32
        %scan3A_185 = arith.constant 0 : i32
        scf.yield %scan3A_185 : i32
      }
      %scan3A_96 = arith.constant 2 : i32
      %mul3A_97 = arith.constant 32 : i32
      %mul3A_98 = arith.muli %add3A_41, %mul3A_97 : i32
      %add3A_99 = arith.addi %mul3A_2, %mul3A_98 : i32
      %dma_start3A_100 = arith.constant 0 : i32
      %dma_start3A_101 = tpu.memref_slice %arg11[%add3A_99, %dma_start3A_100] : memref<57344x256xf32, #tpu.memory_space<hbm>> -> memref<32x256xf32, #tpu.memory_space<hbm>>
      %dma_start3A_102 = arith.constant 0 : i32
      %dma_start3A_103 = tpu.memref_slice %arg11[%add3A_99, %dma_start3A_102] : memref<57344x256xf32, #tpu.memory_space<hbm>> -> memref<32x256xf32, #tpu.memory_space<hbm>>
      tpu.enqueue_dma source(%arg24 : memref<32x256xf32, #tpu.memory_space<vmem>>) target(%dma_start3A_103 : memref<32x256xf32, #tpu.memory_space<hbm>>) target_semaphore(%arg32 : memref<!tpu.dma_semaphore, #tpu.memory_space<semaphore_mem>>)
      %add3A_104 = arith.constant 2 : i32
      %add3A_105 = arith.addi %add3A_41, %add3A_104 : i32
      %lt3A = arith.constant 56 : i32
      %lt3A_106 = arith.cmpi slt, %add3A_105, %lt3A : i32
      %convert_element_type3A_107 = arith.extui %lt3A_106 : i1 to i32
      %cond3A_108 = arith.constant 0 : i32
      %cond3A_109 = arith.cmpi ne, %convert_element_type3A_107, %cond3A_108 : i32
      scf.if %cond3A_109 {
        %add3A_159 = arith.constant 2 : i32
        %add3A_160 = arith.addi %add3A_41, %add3A_159 : i32
        %mul3A_161 = arith.constant 32 : i32
        %mul3A_162 = arith.muli %add3A_160, %mul3A_161 : i32
        %dma_start3A_163 = tpu.memref_slice %arg12[%mul3A_162] : memref<1792xi32, #tpu.memory_space<vmem>> -> memref<32xi32, #tpu.memory_space<vmem>>
        %dma_start3A_164 = arith.constant 0 : i32
        %dma_start3A_165 = arith.constant 0 : i32
        %dma_start3A_166 = tpu.memref_slice %arg2[%dma_start3A_164, %dma_start3A_165] : memref<87040x256xf32, #tpu.memory_space<hbm>> -> memref<87040x256xf32, #tpu.memory_space<hbm>>
        tpu.enqueue_indirect_dma source(%dma_start3A_166 : memref<87040x256xf32, #tpu.memory_space<hbm>>) target(%arg20 : memref<32x256xf32, #tpu.memory_space<vmem>>) offsets(%dma_start3A_163 : memref<32xi32, #tpu.memory_space<vmem>>) semaphore(%arg30 : memref<!tpu.dma_semaphore, #tpu.memory_space<semaphore_mem>>)
        %dma_start3A_167 = tpu.memref_slice %arg13[%mul3A_162] : memref<1792xi32, #tpu.memory_space<vmem>> -> memref<32xi32, #tpu.memory_space<vmem>>
        %dma_start3A_168 = arith.constant 0 : i32
        %dma_start3A_169 = arith.constant 0 : i32
        %dma_start3A_170 = tpu.memref_slice %arg2[%dma_start3A_168, %dma_start3A_169] : memref<87040x256xf32, #tpu.memory_space<hbm>> -> memref<87040x256xf32, #tpu.memory_space<hbm>>
        tpu.enqueue_indirect_dma source(%dma_start3A_170 : memref<87040x256xf32, #tpu.memory_space<hbm>>) target(%arg21 : memref<32x256xf32, #tpu.memory_space<vmem>>) offsets(%dma_start3A_167 : memref<32xi32, #tpu.memory_space<vmem>>) semaphore(%arg30 : memref<!tpu.dma_semaphore, #tpu.memory_space<semaphore_mem>>)
        %dma_start3A_171 = tpu.memref_slice %arg14[%mul3A_162] : memref<1792xi32, #tpu.memory_space<vmem>> -> memref<32xi32, #tpu.memory_space<vmem>>
        %dma_start3A_172 = arith.constant 0 : i32
        %dma_start3A_173 = arith.constant 0 : i32
        %dma_start3A_174 = tpu.memref_slice %arg2[%dma_start3A_172, %dma_start3A_173] : memref<87040x256xf32, #tpu.memory_space<hbm>> -> memref<87040x256xf32, #tpu.memory_space<hbm>>
        tpu.enqueue_indirect_dma source(%dma_start3A_174 : memref<87040x256xf32, #tpu.memory_space<hbm>>) target(%arg22 : memref<32x256xf32, #tpu.memory_space<vmem>>) offsets(%dma_start3A_171 : memref<32xi32, #tpu.memory_space<vmem>>) semaphore(%arg30 : memref<!tpu.dma_semaphore, #tpu.memory_space<semaphore_mem>>)
        %dma_start3A_175 = tpu.memref_slice %arg15[%mul3A_162] : memref<1792xi32, #tpu.memory_space<vmem>> -> memref<32xi32, #tpu.memory_space<vmem>>
        %dma_start3A_176 = arith.constant 0 : i32
        %dma_start3A_177 = arith.constant 0 : i32
        %dma_start3A_178 = tpu.memref_slice %arg2[%dma_start3A_176, %dma_start3A_177] : memref<87040x256xf32, #tpu.memory_space<hbm>> -> memref<87040x256xf32, #tpu.memory_space<hbm>>
        tpu.enqueue_indirect_dma source(%dma_start3A_178 : memref<87040x256xf32, #tpu.memory_space<hbm>>) target(%arg23 : memref<32x256xf32, #tpu.memory_space<vmem>>) offsets(%dma_start3A_175 : memref<32xi32, #tpu.memory_space<vmem>>) semaphore(%arg30 : memref<!tpu.dma_semaphore, #tpu.memory_space<semaphore_mem>>)
      } else {
      }
      %dma_wait3A_110 = arith.constant 0 : i32
      %dma_wait3A_111 = arith.constant 0 : i32
      %dma_wait3A_112 = tpu.memref_slice %arg2[%dma_wait3A_110, %dma_wait3A_111] : memref<87040x256xf32, #tpu.memory_space<hbm>> -> memref<32x256xf32, #tpu.memory_space<hbm>>
      %dma_wait3A_113 = arith.constant 0 : i32
      %dma_wait3A_114 = arith.constant 0 : i32
      %dma_wait3A_115 = tpu.memref_slice %arg2[%dma_wait3A_113, %dma_wait3A_114] : memref<87040x256xf32, #tpu.memory_space<hbm>> -> memref<32x256xf32, #tpu.memory_space<hbm>>
      tpu.wait_dma2 semaphore(%arg31 : memref<!tpu.dma_semaphore, #tpu.memory_space<semaphore_mem>>) src(%dma_wait3A_115 : memref<32x256xf32, #tpu.memory_space<hbm>>) dst(%arg25 : memref<32x256xf32, #tpu.memory_space<vmem>>)
      %dma_wait3A_116 = arith.constant 0 : i32
      %dma_wait3A_117 = arith.constant 0 : i32
      %dma_wait3A_118 = tpu.memref_slice %arg2[%dma_wait3A_116, %dma_wait3A_117] : memref<87040x256xf32, #tpu.memory_space<hbm>> -> memref<32x256xf32, #tpu.memory_space<hbm>>
      %dma_wait3A_119 = arith.constant 0 : i32
      %dma_wait3A_120 = arith.constant 0 : i32
      %dma_wait3A_121 = tpu.memref_slice %arg2[%dma_wait3A_119, %dma_wait3A_120] : memref<87040x256xf32, #tpu.memory_space<hbm>> -> memref<32x256xf32, #tpu.memory_space<hbm>>
      tpu.wait_dma2 semaphore(%arg31 : memref<!tpu.dma_semaphore, #tpu.memory_space<semaphore_mem>>) src(%dma_wait3A_121 : memref<32x256xf32, #tpu.memory_space<hbm>>) dst(%arg26 : memref<32x256xf32, #tpu.memory_space<vmem>>)
      %dma_wait3A_122 = arith.constant 0 : i32
      %dma_wait3A_123 = arith.constant 0 : i32
      %dma_wait3A_124 = tpu.memref_slice %arg2[%dma_wait3A_122, %dma_wait3A_123] : memref<87040x256xf32, #tpu.memory_space<hbm>> -> memref<32x256xf32, #tpu.memory_space<hbm>>
      %dma_wait3A_125 = arith.constant 0 : i32
      %dma_wait3A_126 = arith.constant 0 : i32
      %dma_wait3A_127 = tpu.memref_slice %arg2[%dma_wait3A_125, %dma_wait3A_126] : memref<87040x256xf32, #tpu.memory_space<hbm>> -> memref<32x256xf32, #tpu.memory_space<hbm>>
      tpu.wait_dma2 semaphore(%arg31 : memref<!tpu.dma_semaphore, #tpu.memory_space<semaphore_mem>>) src(%dma_wait3A_127 : memref<32x256xf32, #tpu.memory_space<hbm>>) dst(%arg27 : memref<32x256xf32, #tpu.memory_space<vmem>>)
      %dma_wait3A_128 = arith.constant 0 : i32
      %dma_wait3A_129 = arith.constant 0 : i32
      %dma_wait3A_130 = tpu.memref_slice %arg2[%dma_wait3A_128, %dma_wait3A_129] : memref<87040x256xf32, #tpu.memory_space<hbm>> -> memref<32x256xf32, #tpu.memory_space<hbm>>
      %dma_wait3A_131 = arith.constant 0 : i32
      %dma_wait3A_132 = arith.constant 0 : i32
      %dma_wait3A_133 = tpu.memref_slice %arg2[%dma_wait3A_131, %dma_wait3A_132] : memref<87040x256xf32, #tpu.memory_space<hbm>> -> memref<32x256xf32, #tpu.memory_space<hbm>>
      tpu.wait_dma2 semaphore(%arg31 : memref<!tpu.dma_semaphore, #tpu.memory_space<semaphore_mem>>) src(%dma_wait3A_133 : memref<32x256xf32, #tpu.memory_space<hbm>>) dst(%arg28 : memref<32x256xf32, #tpu.memory_space<vmem>>)
      %gt3A_134 = arith.constant 0 : i32
      %gt3A_135 = arith.cmpi sgt, %add3A_41, %gt3A_134 : i32
      %convert_element_type3A_136 = arith.extui %gt3A_135 : i1 to i32
      %cond3A_137 = arith.constant 0 : i32
      %cond3A_138 = arith.cmpi ne, %convert_element_type3A_136, %cond3A_137 : i32
      scf.if %cond3A_138 {
        %dma_wait3A_159 = arith.constant 0 : i32
        %dma_wait3A_160 = arith.constant 0 : i32
        %dma_wait3A_161 = tpu.memref_slice %arg11[%dma_wait3A_159, %dma_wait3A_160] : memref<57344x256xf32, #tpu.memory_space<hbm>> -> memref<32x256xf32, #tpu.memory_space<hbm>>
        %dma_wait3A_162 = arith.constant 0 : i32
        %dma_wait3A_163 = arith.constant 0 : i32
        %dma_wait3A_164 = tpu.memref_slice %arg11[%dma_wait3A_162, %dma_wait3A_163] : memref<57344x256xf32, #tpu.memory_space<hbm>> -> memref<32x256xf32, #tpu.memory_space<hbm>>
        tpu.wait_dma2 semaphore(%arg33 : memref<!tpu.dma_semaphore, #tpu.memory_space<semaphore_mem>>) src(%arg29 : memref<32x256xf32, #tpu.memory_space<vmem>>) dst(%dma_wait3A_164 : memref<32x256xf32, #tpu.memory_space<hbm>>)
      } else {
      }
      %add3A_139 = arith.constant 1 : i32
      %add3A_140 = arith.addi %add3A_41, %add3A_139 : i32
      %mul3A_141 = arith.constant 32 : i32
      %mul3A_142 = arith.muli %add3A_140, %mul3A_141 : i32
      %scan3A_143 = arith.constant 0 : i32
      %scan3A_144 = arith.constant 0 : i32
      %scan3A_145 = arith.constant 2 : i32
      %scan3A_146 = arith.addi %scan3A_144, %scan3A_145 : i32
      %scan3A_147 = arith.constant 1 : i32
      %scan3A_148 = scf.for %scan3A_159 = %scan3A_144 to %scan3A_146 step %scan3A_147 iter_args(%scan3A_160 = %scan3A_143) -> (i32)  : i32 {
        %mul3A_161 = arith.constant 16 : i32
        %mul3A_162 = arith.muli %scan3A_159, %mul3A_161 : i32
        %add3A_163 = arith.addi %mul3A_142, %mul3A_162 : i32
        %get3A = arith.index_cast %add3A_163 : i32 to index
        %get3A_164 = tpu.vector_load %arg16[%get3A] {strides = array<i32>} : memref<1792xf32, #tpu.memory_space<vmem>>, vector<16xf32>,
        %get3A_165 = vector.shape_cast %get3A_164 : vector<16xf32> to vector<16xf32>
        %add3A_166 = arith.addi %mul3A_142, %mul3A_162 : i32
        %get3A_167 = arith.index_cast %add3A_166 : i32 to index
        %get3A_168 = tpu.vector_load %arg17[%get3A_167] {strides = array<i32>} : memref<1792xf32, #tpu.memory_space<vmem>>, vector<16xf32>,
        %get3A_169 = vector.shape_cast %get3A_168 : vector<16xf32> to vector<16xf32>
        %add3A_170 = arith.addi %mul3A_142, %mul3A_162 : i32
        %get3A_171 = arith.index_cast %add3A_170 : i32 to index
        %get3A_172 = tpu.vector_load %arg18[%get3A_171] {strides = array<i32>} : memref<1792xf32, #tpu.memory_space<vmem>>, vector<16xf32>,
        %get3A_173 = vector.shape_cast %get3A_172 : vector<16xf32> to vector<16xf32>
        %add3A_174 = arith.addi %mul3A_142, %mul3A_162 : i32
        %get3A_175 = arith.index_cast %add3A_174 : i32 to index
        %get3A_176 = tpu.vector_load %arg19[%get3A_175] {strides = array<i32>} : memref<1792xf32, #tpu.memory_space<vmem>>, vector<16xf32>,
        %get3A_177 = vector.shape_cast %get3A_176 : vector<16xf32> to vector<16xf32>
        %scan3A_178 = arith.constant 0 : i32
        %scan3A_179 = arith.constant 0 : i32
        %scan3A_180 = arith.constant 16 : i32
        %scan3A_181 = arith.addi %scan3A_179, %scan3A_180 : i32
        %scan3A_182 = arith.constant 1 : i32
        %scan3A_183 = scf.for %scan3A_186 = %scan3A_179 to %scan3A_181 step %scan3A_182 iter_args(%scan3A_187 = %scan3A_178) -> (i32)  : i32 {
          %add3A_188 = arith.addi %mul3A_162, %scan3A_186 : i32
          %broadcast_in_dim3A = vector.broadcast %scan3A_186 : i32 to vector<16x1xi32>
          %gather3A = vector.shape_cast %broadcast_in_dim3A : vector<16x1xi32> to vector<16xi32>
          %gather3A_189 = tpu.dynamic_gather %get3A_165[%gather3A] in [0] : vector<16xf32>, vector<16xi32> -> vector<16xf32>
          %broadcast_in_dim3A_190 = vector.broadcast %scan3A_186 : i32 to vector<16x1xi32>
          %gather3A_191 = vector.shape_cast %broadcast_in_dim3A_190 : vector<16x1xi32> to vector<16xi32>
          %gather3A_192 = tpu.dynamic_gather %get3A_169[%gather3A_191] in [0] : vector<16xf32>, vector<16xi32> -> vector<16xf32>
          %broadcast_in_dim3A_193 = vector.broadcast %scan3A_186 : i32 to vector<16x1xi32>
          %gather3A_194 = vector.shape_cast %broadcast_in_dim3A_193 : vector<16x1xi32> to vector<16xi32>
          %gather3A_195 = tpu.dynamic_gather %get3A_173[%gather3A_194] in [0] : vector<16xf32>, vector<16xi32> -> vector<16xf32>
          %broadcast_in_dim3A_196 = vector.broadcast %scan3A_186 : i32 to vector<16x1xi32>
          %gather3A_197 = vector.shape_cast %broadcast_in_dim3A_196 : vector<16x1xi32> to vector<16xi32>
          %gather3A_198 = tpu.dynamic_gather %get3A_177[%gather3A_197] in [0] : vector<16xf32>, vector<16xi32> -> vector<16xf32>
          %get3A_199 = arith.index_cast %add3A_188 : i32 to index
          %get3A_200 = arith.constant 0 : index
          %get3A_201 = tpu.vector_load %arg25[%get3A_199, %get3A_200] {strides = array<i32>} : memref<32x256xf32, #tpu.memory_space<vmem>>, vector<1x16xf32>,
          %get3A_202 = vector.shape_cast %get3A_201 : vector<1x16xf32> to vector<16xf32>
          %mul3A_203 = arith.mulf %gather3A_189, %get3A_202 : vector<16xf32>
          %get3A_204 = arith.index_cast %add3A_188 : i32 to index
          %get3A_205 = arith.constant 0 : index
          %get3A_206 = tpu.vector_load %arg26[%get3A_204, %get3A_205] {strides = array<i32>} : memref<32x256xf32, #tpu.memory_space<vmem>>, vector<1x16xf32>,
          %get3A_207 = vector.shape_cast %get3A_206 : vector<1x16xf32> to vector<16xf32>
          %mul3A_208 = arith.mulf %gather3A_192, %get3A_207 : vector<16xf32>
          %add3A_209 = arith.addf %mul3A_203, %mul3A_208 : vector<16xf32>
          %get3A_210 = arith.index_cast %add3A_188 : i32 to index
          %get3A_211 = arith.constant 0 : index
          %get3A_212 = tpu.vector_load %arg27[%get3A_210, %get3A_211] {strides = array<i32>} : memref<32x256xf32, #tpu.memory_space<vmem>>, vector<1x16xf32>,
          %get3A_213 = vector.shape_cast %get3A_212 : vector<1x16xf32> to vector<16xf32>
          %mul3A_214 = arith.mulf %gather3A_195, %get3A_213 : vector<16xf32>
          %add3A_215 = arith.addf %add3A_209, %mul3A_214 : vector<16xf32>
          %get3A_216 = arith.index_cast %add3A_188 : i32 to index
          %get3A_217 = arith.constant 0 : index
          %get3A_218 = tpu.vector_load %arg28[%get3A_216, %get3A_217] {strides = array<i32>} : memref<32x256xf32, #tpu.memory_space<vmem>>, vector<1x16xf32>,
          %get3A_219 = vector.shape_cast %get3A_218 : vector<1x16xf32> to vector<16xf32>
          %mul3A_220 = arith.mulf %gather3A_198, %get3A_219 : vector<16xf32>
          %add3A_221 = arith.addf %add3A_215, %mul3A_220 : vector<16xf32>
          %swap3A = arith.index_cast %add3A_188 : i32 to index
          %swap3A_222 = arith.constant 0 : index
          %swap3A_223 = tpu.vector_load %arg29[%swap3A, %swap3A_222] {strides = array<i32>} : memref<32x256xf32, #tpu.memory_space<vmem>>, vector<1x16xf32>,
          %swap3A_224 = vector.shape_cast %swap3A_223 : vector<1x16xf32> to vector<16xf32>
          %swap3A_225 = vector.shape_cast %add3A_221 : vector<16xf32> to vector<1x16xf32>
          tpu.vector_store %arg29[%swap3A, %swap3A_222], %swap3A_225 {strides = array<i32>} : memref<32x256xf32, #tpu.memory_space<vmem>>, vector<1x16xf32>,
          %get3A_226 = arith.index_cast %add3A_188 : i32 to index
          %get3A_227 = arith.constant 16 : index
          %get3A_228 = tpu.vector_load %arg25[%get3A_226, %get3A_227] {strides = array<i32>} : memref<32x256xf32, #tpu.memory_space<vmem>>, vector<1x16xf32>,
          %get3A_229 = vector.shape_cast %get3A_228 : vector<1x16xf32> to vector<16xf32>
          %mul3A_230 = arith.mulf %gather3A_189, %get3A_229 : vector<16xf32>
          %get3A_231 = arith.index_cast %add3A_188 : i32 to index
          %get3A_232 = arith.constant 16 : index
          %get3A_233 = tpu.vector_load %arg26[%get3A_231, %get3A_232] {strides = array<i32>} : memref<32x256xf32, #tpu.memory_space<vmem>>, vector<1x16xf32>,
          %get3A_234 = vector.shape_cast %get3A_233 : vector<1x16xf32> to vector<16xf32>
          %mul3A_235 = arith.mulf %gather3A_192, %get3A_234 : vector<16xf32>
          %add3A_236 = arith.addf %mul3A_230, %mul3A_235 : vector<16xf32>
          %get3A_237 = arith.index_cast %add3A_188 : i32 to index
          %get3A_238 = arith.constant 16 : index
          %get3A_239 = tpu.vector_load %arg27[%get3A_237, %get3A_238] {strides = array<i32>} : memref<32x256xf32, #tpu.memory_space<vmem>>, vector<1x16xf32>,
          %get3A_240 = vector.shape_cast %get3A_239 : vector<1x16xf32> to vector<16xf32>
          %mul3A_241 = arith.mulf %gather3A_195, %get3A_240 : vector<16xf32>
          %add3A_242 = arith.addf %add3A_236, %mul3A_241 : vector<16xf32>
          %get3A_243 = arith.index_cast %add3A_188 : i32 to index
          %get3A_244 = arith.constant 16 : index
          %get3A_245 = tpu.vector_load %arg28[%get3A_243, %get3A_244] {strides = array<i32>} : memref<32x256xf32, #tpu.memory_space<vmem>>, vector<1x16xf32>,
          %get3A_246 = vector.shape_cast %get3A_245 : vector<1x16xf32> to vector<16xf32>
          %mul3A_247 = arith.mulf %gather3A_198, %get3A_246 : vector<16xf32>
          %add3A_248 = arith.addf %add3A_242, %mul3A_247 : vector<16xf32>
          %swap3A_249 = arith.index_cast %add3A_188 : i32 to index
          %swap3A_250 = arith.constant 16 : index
          %swap3A_251 = tpu.vector_load %arg29[%swap3A_249, %swap3A_250] {strides = array<i32>} : memref<32x256xf32, #tpu.memory_space<vmem>>, vector<1x16xf32>,
          %swap3A_252 = vector.shape_cast %swap3A_251 : vector<1x16xf32> to vector<16xf32>
          %swap3A_253 = vector.shape_cast %add3A_248 : vector<16xf32> to vector<1x16xf32>
          tpu.vector_store %arg29[%swap3A_249, %swap3A_250], %swap3A_253 {strides = array<i32>} : memref<32x256xf32, #tpu.memory_space<vmem>>, vector<1x16xf32>,
          %get3A_254 = arith.index_cast %add3A_188 : i32 to index
          %get3A_255 = arith.constant 32 : index
          %get3A_256 = tpu.vector_load %arg25[%get3A_254, %get3A_255] {strides = array<i32>} : memref<32x256xf32, #tpu.memory_space<vmem>>, vector<1x16xf32>,
          %get3A_257 = vector.shape_cast %get3A_256 : vector<1x16xf32> to vector<16xf32>
          %mul3A_258 = arith.mulf %gather3A_189, %get3A_257 : vector<16xf32>
          %get3A_259 = arith.index_cast %add3A_188 : i32 to index
          %get3A_260 = arith.constant 32 : index
          %get3A_261 = tpu.vector_load %arg26[%get3A_259, %get3A_260] {strides = array<i32>} : memref<32x256xf32, #tpu.memory_space<vmem>>, vector<1x16xf32>,
          %get3A_262 = vector.shape_cast %get3A_261 : vector<1x16xf32> to vector<16xf32>
          %mul3A_263 = arith.mulf %gather3A_192, %get3A_262 : vector<16xf32>
          %add3A_264 = arith.addf %mul3A_258, %mul3A_263 : vector<16xf32>
          %get3A_265 = arith.index_cast %add3A_188 : i32 to index
          %get3A_266 = arith.constant 32 : index
          %get3A_267 = tpu.vector_load %arg27[%get3A_265, %get3A_266] {strides = array<i32>} : memref<32x256xf32, #tpu.memory_space<vmem>>, vector<1x16xf32>,
          %get3A_268 = vector.shape_cast %get3A_267 : vector<1x16xf32> to vector<16xf32>
          %mul3A_269 = arith.mulf %gather3A_195, %get3A_268 : vector<16xf32>
          %add3A_270 = arith.addf %add3A_264, %mul3A_269 : vector<16xf32>
          %get3A_271 = arith.index_cast %add3A_188 : i32 to index
          %get3A_272 = arith.constant 32 : index
          %get3A_273 = tpu.vector_load %arg28[%get3A_271, %get3A_272] {strides = array<i32>} : memref<32x256xf32, #tpu.memory_space<vmem>>, vector<1x16xf32>,
          %get3A_274 = vector.shape_cast %get3A_273 : vector<1x16xf32> to vector<16xf32>
          %mul3A_275 = arith.mulf %gather3A_198, %get3A_274 : vector<16xf32>
          %add3A_276 = arith.addf %add3A_270, %mul3A_275 : vector<16xf32>
          %swap3A_277 = arith.index_cast %add3A_188 : i32 to index
          %swap3A_278 = arith.constant 32 : index
          %swap3A_279 = tpu.vector_load %arg29[%swap3A_277, %swap3A_278] {strides = array<i32>} : memref<32x256xf32, #tpu.memory_space<vmem>>, vector<1x16xf32>,
          %swap3A_280 = vector.shape_cast %swap3A_279 : vector<1x16xf32> to vector<16xf32>
          %swap3A_281 = vector.shape_cast %add3A_276 : vector<16xf32> to vector<1x16xf32>
          tpu.vector_store %arg29[%swap3A_277, %swap3A_278], %swap3A_281 {strides = array<i32>} : memref<32x256xf32, #tpu.memory_space<vmem>>, vector<1x16xf32>,
          %get3A_282 = arith.index_cast %add3A_188 : i32 to index
          %get3A_283 = arith.constant 48 : index
          %get3A_284 = tpu.vector_load %arg25[%get3A_282, %get3A_283] {strides = array<i32>} : memref<32x256xf32, #tpu.memory_space<vmem>>, vector<1x16xf32>,
          %get3A_285 = vector.shape_cast %get3A_284 : vector<1x16xf32> to vector<16xf32>
          %mul3A_286 = arith.mulf %gather3A_189, %get3A_285 : vector<16xf32>
          %get3A_287 = arith.index_cast %add3A_188 : i32 to index
          %get3A_288 = arith.constant 48 : index
          %get3A_289 = tpu.vector_load %arg26[%get3A_287, %get3A_288] {strides = array<i32>} : memref<32x256xf32, #tpu.memory_space<vmem>>, vector<1x16xf32>,
          %get3A_290 = vector.shape_cast %get3A_289 : vector<1x16xf32> to vector<16xf32>
          %mul3A_291 = arith.mulf %gather3A_192, %get3A_290 : vector<16xf32>
          %add3A_292 = arith.addf %mul3A_286, %mul3A_291 : vector<16xf32>
          %get3A_293 = arith.index_cast %add3A_188 : i32 to index
          %get3A_294 = arith.constant 48 : index
          %get3A_295 = tpu.vector_load %arg27[%get3A_293, %get3A_294] {strides = array<i32>} : memref<32x256xf32, #tpu.memory_space<vmem>>, vector<1x16xf32>,
          %get3A_296 = vector.shape_cast %get3A_295 : vector<1x16xf32> to vector<16xf32>
          %mul3A_297 = arith.mulf %gather3A_195, %get3A_296 : vector<16xf32>
          %add3A_298 = arith.addf %add3A_292, %mul3A_297 : vector<16xf32>
          %get3A_299 = arith.index_cast %add3A_188 : i32 to index
          %get3A_300 = arith.constant 48 : index
          %get3A_301 = tpu.vector_load %arg28[%get3A_299, %get3A_300] {strides = array<i32>} : memref<32x256xf32, #tpu.memory_space<vmem>>, vector<1x16xf32>,
          %get3A_302 = vector.shape_cast %get3A_301 : vector<1x16xf32> to vector<16xf32>
          %mul3A_303 = arith.mulf %gather3A_198, %get3A_302 : vector<16xf32>
          %add3A_304 = arith.addf %add3A_298, %mul3A_303 : vector<16xf32>
          %swap3A_305 = arith.index_cast %add3A_188 : i32 to index
          %swap3A_306 = arith.constant 48 : index
          %swap3A_307 = tpu.vector_load %arg29[%swap3A_305, %swap3A_306] {strides = array<i32>} : memref<32x256xf32, #tpu.memory_space<vmem>>, vector<1x16xf32>,
          %swap3A_308 = vector.shape_cast %swap3A_307 : vector<1x16xf32> to vector<16xf32>
          %swap3A_309 = vector.shape_cast %add3A_304 : vector<16xf32> to vector<1x16xf32>
          tpu.vector_store %arg29[%swap3A_305, %swap3A_306], %swap3A_309 {strides = array<i32>} : memref<32x256xf32, #tpu.memory_space<vmem>>, vector<1x16xf32>,
          %get3A_310 = arith.index_cast %add3A_188 : i32 to index
          %get3A_311 = arith.constant 64 : index
          %get3A_312 = tpu.vector_load %arg25[%get3A_310, %get3A_311] {strides = array<i32>} : memref<32x256xf32, #tpu.memory_space<vmem>>, vector<1x16xf32>,
          %get3A_313 = vector.shape_cast %get3A_312 : vector<1x16xf32> to vector<16xf32>
          %mul3A_314 = arith.mulf %gather3A_189, %get3A_313 : vector<16xf32>
          %get3A_315 = arith.index_cast %add3A_188 : i32 to index
          %get3A_316 = arith.constant 64 : index
          %get3A_317 = tpu.vector_load %arg26[%get3A_315, %get3A_316] {strides = array<i32>} : memref<32x256xf32, #tpu.memory_space<vmem>>, vector<1x16xf32>,
          %get3A_318 = vector.shape_cast %get3A_317 : vector<1x16xf32> to vector<16xf32>
          %mul3A_319 = arith.mulf %gather3A_192, %get3A_318 : vector<16xf32>
          %add3A_320 = arith.addf %mul3A_314, %mul3A_319 : vector<16xf32>
          %get3A_321 = arith.index_cast %add3A_188 : i32 to index
          %get3A_322 = arith.constant 64 : index
          %get3A_323 = tpu.vector_load %arg27[%get3A_321, %get3A_322] {strides = array<i32>} : memref<32x256xf32, #tpu.memory_space<vmem>>, vector<1x16xf32>,
          %get3A_324 = vector.shape_cast %get3A_323 : vector<1x16xf32> to vector<16xf32>
          %mul3A_325 = arith.mulf %gather3A_195, %get3A_324 : vector<16xf32>
          %add3A_326 = arith.addf %add3A_320, %mul3A_325 : vector<16xf32>
          %get3A_327 = arith.index_cast %add3A_188 : i32 to index
          %get3A_328 = arith.constant 64 : index
          %get3A_329 = tpu.vector_load %arg28[%get3A_327, %get3A_328] {strides = array<i32>} : memref<32x256xf32, #tpu.memory_space<vmem>>, vector<1x16xf32>,
          %get3A_330 = vector.shape_cast %get3A_329 : vector<1x16xf32> to vector<16xf32>
          %mul3A_331 = arith.mulf %gather3A_198, %get3A_330 : vector<16xf32>
          %add3A_332 = arith.addf %add3A_326, %mul3A_331 : vector<16xf32>
          %swap3A_333 = arith.index_cast %add3A_188 : i32 to index
          %swap3A_334 = arith.constant 64 : index
          %swap3A_335 = tpu.vector_load %arg29[%swap3A_333, %swap3A_334] {strides = array<i32>} : memref<32x256xf32, #tpu.memory_space<vmem>>, vector<1x16xf32>,
          %swap3A_336 = vector.shape_cast %swap3A_335 : vector<1x16xf32> to vector<16xf32>
          %swap3A_337 = vector.shape_cast %add3A_332 : vector<16xf32> to vector<1x16xf32>
          tpu.vector_store %arg29[%swap3A_333, %swap3A_334], %swap3A_337 {strides = array<i32>} : memref<32x256xf32, #tpu.memory_space<vmem>>, vector<1x16xf32>,
          %get3A_338 = arith.index_cast %add3A_188 : i32 to index
          %get3A_339 = arith.constant 80 : index
          %get3A_340 = tpu.vector_load %arg25[%get3A_338, %get3A_339] {strides = array<i32>} : memref<32x256xf32, #tpu.memory_space<vmem>>, vector<1x16xf32>,
          %get3A_341 = vector.shape_cast %get3A_340 : vector<1x16xf32> to vector<16xf32>
          %mul3A_342 = arith.mulf %gather3A_189, %get3A_341 : vector<16xf32>
          %get3A_343 = arith.index_cast %add3A_188 : i32 to index
          %get3A_344 = arith.constant 80 : index
          %get3A_345 = tpu.vector_load %arg26[%get3A_343, %get3A_344] {strides = array<i32>} : memref<32x256xf32, #tpu.memory_space<vmem>>, vector<1x16xf32>,
          %get3A_346 = vector.shape_cast %get3A_345 : vector<1x16xf32> to vector<16xf32>
          %mul3A_347 = arith.mulf %gather3A_192, %get3A_346 : vector<16xf32>
          %add3A_348 = arith.addf %mul3A_342, %mul3A_347 : vector<16xf32>
          %get3A_349 = arith.index_cast %add3A_188 : i32 to index
          %get3A_350 = arith.constant 80 : index
          %get3A_351 = tpu.vector_load %arg27[%get3A_349, %get3A_350] {strides = array<i32>} : memref<32x256xf32, #tpu.memory_space<vmem>>, vector<1x16xf32>,
          %get3A_352 = vector.shape_cast %get3A_351 : vector<1x16xf32> to vector<16xf32>
          %mul3A_353 = arith.mulf %gather3A_195, %get3A_352 : vector<16xf32>
          %add3A_354 = arith.addf %add3A_348, %mul3A_353 : vector<16xf32>
          %get3A_355 = arith.index_cast %add3A_188 : i32 to index
          %get3A_356 = arith.constant 80 : index
          %get3A_357 = tpu.vector_load %arg28[%get3A_355, %get3A_356] {strides = array<i32>} : memref<32x256xf32, #tpu.memory_space<vmem>>, vector<1x16xf32>,
          %get3A_358 = vector.shape_cast %get3A_357 : vector<1x16xf32> to vector<16xf32>
          %mul3A_359 = arith.mulf %gather3A_198, %get3A_358 : vector<16xf32>
          %add3A_360 = arith.addf %add3A_354, %mul3A_359 : vector<16xf32>
          %swap3A_361 = arith.index_cast %add3A_188 : i32 to index
          %swap3A_362 = arith.constant 80 : index
          %swap3A_363 = tpu.vector_load %arg29[%swap3A_361, %swap3A_362] {strides = array<i32>} : memref<32x256xf32, #tpu.memory_space<vmem>>, vector<1x16xf32>,
          %swap3A_364 = vector.shape_cast %swap3A_363 : vector<1x16xf32> to vector<16xf32>
          %swap3A_365 = vector.shape_cast %add3A_360 : vector<16xf32> to vector<1x16xf32>
          tpu.vector_store %arg29[%swap3A_361, %swap3A_362], %swap3A_365 {strides = array<i32>} : memref<32x256xf32, #tpu.memory_space<vmem>>, vector<1x16xf32>,
          %get3A_366 = arith.index_cast %add3A_188 : i32 to index
          %get3A_367 = arith.constant 96 : index
          %get3A_368 = tpu.vector_load %arg25[%get3A_366, %get3A_367] {strides = array<i32>} : memref<32x256xf32, #tpu.memory_space<vmem>>, vector<1x16xf32>,
          %get3A_369 = vector.shape_cast %get3A_368 : vector<1x16xf32> to vector<16xf32>
          %mul3A_370 = arith.mulf %gather3A_189, %get3A_369 : vector<16xf32>
          %get3A_371 = arith.index_cast %add3A_188 : i32 to index
          %get3A_372 = arith.constant 96 : index
          %get3A_373 = tpu.vector_load %arg26[%get3A_371, %get3A_372] {strides = array<i32>} : memref<32x256xf32, #tpu.memory_space<vmem>>, vector<1x16xf32>,
          %get3A_374 = vector.shape_cast %get3A_373 : vector<1x16xf32> to vector<16xf32>
          %mul3A_375 = arith.mulf %gather3A_192, %get3A_374 : vector<16xf32>
          %add3A_376 = arith.addf %mul3A_370, %mul3A_375 : vector<16xf32>
          %get3A_377 = arith.index_cast %add3A_188 : i32 to index
          %get3A_378 = arith.constant 96 : index
          %get3A_379 = tpu.vector_load %arg27[%get3A_377, %get3A_378] {strides = array<i32>} : memref<32x256xf32, #tpu.memory_space<vmem>>, vector<1x16xf32>,
          %get3A_380 = vector.shape_cast %get3A_379 : vector<1x16xf32> to vector<16xf32>
          %mul3A_381 = arith.mulf %gather3A_195, %get3A_380 : vector<16xf32>
          %add3A_382 = arith.addf %add3A_376, %mul3A_381 : vector<16xf32>
          %get3A_383 = arith.index_cast %add3A_188 : i32 to index
          %get3A_384 = arith.constant 96 : index
          %get3A_385 = tpu.vector_load %arg28[%get3A_383, %get3A_384] {strides = array<i32>} : memref<32x256xf32, #tpu.memory_space<vmem>>, vector<1x16xf32>,
          %get3A_386 = vector.shape_cast %get3A_385 : vector<1x16xf32> to vector<16xf32>
          %mul3A_387 = arith.mulf %gather3A_198, %get3A_386 : vector<16xf32>
          %add3A_388 = arith.addf %add3A_382, %mul3A_387 : vector<16xf32>
          %swap3A_389 = arith.index_cast %add3A_188 : i32 to index
          %swap3A_390 = arith.constant 96 : index
          %swap3A_391 = tpu.vector_load %arg29[%swap3A_389, %swap3A_390] {strides = array<i32>} : memref<32x256xf32, #tpu.memory_space<vmem>>, vector<1x16xf32>,
          %swap3A_392 = vector.shape_cast %swap3A_391 : vector<1x16xf32> to vector<16xf32>
          %swap3A_393 = vector.shape_cast %add3A_388 : vector<16xf32> to vector<1x16xf32>
          tpu.vector_store %arg29[%swap3A_389, %swap3A_390], %swap3A_393 {strides = array<i32>} : memref<32x256xf32, #tpu.memory_space<vmem>>, vector<1x16xf32>,
          %get3A_394 = arith.index_cast %add3A_188 : i32 to index
          %get3A_395 = arith.constant 112 : index
          %get3A_396 = tpu.vector_load %arg25[%get3A_394, %get3A_395] {strides = array<i32>} : memref<32x256xf32, #tpu.memory_space<vmem>>, vector<1x16xf32>,
          %get3A_397 = vector.shape_cast %get3A_396 : vector<1x16xf32> to vector<16xf32>
          %mul3A_398 = arith.mulf %gather3A_189, %get3A_397 : vector<16xf32>
          %get3A_399 = arith.index_cast %add3A_188 : i32 to index
          %get3A_400 = arith.constant 112 : index
          %get3A_401 = tpu.vector_load %arg26[%get3A_399, %get3A_400] {strides = array<i32>} : memref<32x256xf32, #tpu.memory_space<vmem>>, vector<1x16xf32>,
          %get3A_402 = vector.shape_cast %get3A_401 : vector<1x16xf32> to vector<16xf32>
          %mul3A_403 = arith.mulf %gather3A_192, %get3A_402 : vector<16xf32>
          %add3A_404 = arith.addf %mul3A_398, %mul3A_403 : vector<16xf32>
          %get3A_405 = arith.index_cast %add3A_188 : i32 to index
          %get3A_406 = arith.constant 112 : index
          %get3A_407 = tpu.vector_load %arg27[%get3A_405, %get3A_406] {strides = array<i32>} : memref<32x256xf32, #tpu.memory_space<vmem>>, vector<1x16xf32>,
          %get3A_408 = vector.shape_cast %get3A_407 : vector<1x16xf32> to vector<16xf32>
          %mul3A_409 = arith.mulf %gather3A_195, %get3A_408 : vector<16xf32>
          %add3A_410 = arith.addf %add3A_404, %mul3A_409 : vector<16xf32>
          %get3A_411 = arith.index_cast %add3A_188 : i32 to index
          %get3A_412 = arith.constant 112 : index
          %get3A_413 = tpu.vector_load %arg28[%get3A_411, %get3A_412] {strides = array<i32>} : memref<32x256xf32, #tpu.memory_space<vmem>>, vector<1x16xf32>,
          %get3A_414 = vector.shape_cast %get3A_413 : vector<1x16xf32> to vector<16xf32>
          %mul3A_415 = arith.mulf %gather3A_198, %get3A_414 : vector<16xf32>
          %add3A_416 = arith.addf %add3A_410, %mul3A_415 : vector<16xf32>
          %swap3A_417 = arith.index_cast %add3A_188 : i32 to index
          %swap3A_418 = arith.constant 112 : index
          %swap3A_419 = tpu.vector_load %arg29[%swap3A_417, %swap3A_418] {strides = array<i32>} : memref<32x256xf32, #tpu.memory_space<vmem>>, vector<1x16xf32>,
          %swap3A_420 = vector.shape_cast %swap3A_419 : vector<1x16xf32> to vector<16xf32>
          %swap3A_421 = vector.shape_cast %add3A_416 : vector<16xf32> to vector<1x16xf32>
          tpu.vector_store %arg29[%swap3A_417, %swap3A_418], %swap3A_421 {strides = array<i32>} : memref<32x256xf32, #tpu.memory_space<vmem>>, vector<1x16xf32>,
          %get3A_422 = arith.index_cast %add3A_188 : i32 to index
          %get3A_423 = arith.constant 128 : index
          %get3A_424 = tpu.vector_load %arg25[%get3A_422, %get3A_423] {strides = array<i32>} : memref<32x256xf32, #tpu.memory_space<vmem>>, vector<1x16xf32>,
          %get3A_425 = vector.shape_cast %get3A_424 : vector<1x16xf32> to vector<16xf32>
          %mul3A_426 = arith.mulf %gather3A_189, %get3A_425 : vector<16xf32>
          %get3A_427 = arith.index_cast %add3A_188 : i32 to index
          %get3A_428 = arith.constant 128 : index
          %get3A_429 = tpu.vector_load %arg26[%get3A_427, %get3A_428] {strides = array<i32>} : memref<32x256xf32, #tpu.memory_space<vmem>>, vector<1x16xf32>,
          %get3A_430 = vector.shape_cast %get3A_429 : vector<1x16xf32> to vector<16xf32>
          %mul3A_431 = arith.mulf %gather3A_192, %get3A_430 : vector<16xf32>
          %add3A_432 = arith.addf %mul3A_426, %mul3A_431 : vector<16xf32>
          %get3A_433 = arith.index_cast %add3A_188 : i32 to index
          %get3A_434 = arith.constant 128 : index
          %get3A_435 = tpu.vector_load %arg27[%get3A_433, %get3A_434] {strides = array<i32>} : memref<32x256xf32, #tpu.memory_space<vmem>>, vector<1x16xf32>,
          %get3A_436 = vector.shape_cast %get3A_435 : vector<1x16xf32> to vector<16xf32>
          %mul3A_437 = arith.mulf %gather3A_195, %get3A_436 : vector<16xf32>
          %add3A_438 = arith.addf %add3A_432, %mul3A_437 : vector<16xf32>
          %get3A_439 = arith.index_cast %add3A_188 : i32 to index
          %get3A_440 = arith.constant 128 : index
          %get3A_441 = tpu.vector_load %arg28[%get3A_439, %get3A_440] {strides = array<i32>} : memref<32x256xf32, #tpu.memory_space<vmem>>, vector<1x16xf32>,
          %get3A_442 = vector.shape_cast %get3A_441 : vector<1x16xf32> to vector<16xf32>
          %mul3A_443 = arith.mulf %gather3A_198, %get3A_442 : vector<16xf32>
          %add3A_444 = arith.addf %add3A_438, %mul3A_443 : vector<16xf32>
          %swap3A_445 = arith.index_cast %add3A_188 : i32 to index
          %swap3A_446 = arith.constant 128 : index
          %swap3A_447 = tpu.vector_load %arg29[%swap3A_445, %swap3A_446] {strides = array<i32>} : memref<32x256xf32, #tpu.memory_space<vmem>>, vector<1x16xf32>,
          %swap3A_448 = vector.shape_cast %swap3A_447 : vector<1x16xf32> to vector<16xf32>
          %swap3A_449 = vector.shape_cast %add3A_444 : vector<16xf32> to vector<1x16xf32>
          tpu.vector_store %arg29[%swap3A_445, %swap3A_446], %swap3A_449 {strides = array<i32>} : memref<32x256xf32, #tpu.memory_space<vmem>>, vector<1x16xf32>,
          %get3A_450 = arith.index_cast %add3A_188 : i32 to index
          %get3A_451 = arith.constant 144 : index
          %get3A_452 = tpu.vector_load %arg25[%get3A_450, %get3A_451] {strides = array<i32>} : memref<32x256xf32, #tpu.memory_space<vmem>>, vector<1x16xf32>,
          %get3A_453 = vector.shape_cast %get3A_452 : vector<1x16xf32> to vector<16xf32>
          %mul3A_454 = arith.mulf %gather3A_189, %get3A_453 : vector<16xf32>
          %get3A_455 = arith.index_cast %add3A_188 : i32 to index
          %get3A_456 = arith.constant 144 : index
          %get3A_457 = tpu.vector_load %arg26[%get3A_455, %get3A_456] {strides = array<i32>} : memref<32x256xf32, #tpu.memory_space<vmem>>, vector<1x16xf32>,
          %get3A_458 = vector.shape_cast %get3A_457 : vector<1x16xf32> to vector<16xf32>
          %mul3A_459 = arith.mulf %gather3A_192, %get3A_458 : vector<16xf32>
          %add3A_460 = arith.addf %mul3A_454, %mul3A_459 : vector<16xf32>
          %get3A_461 = arith.index_cast %add3A_188 : i32 to index
          %get3A_462 = arith.constant 144 : index
          %get3A_463 = tpu.vector_load %arg27[%get3A_461, %get3A_462] {strides = array<i32>} : memref<32x256xf32, #tpu.memory_space<vmem>>, vector<1x16xf32>,
          %get3A_464 = vector.shape_cast %get3A_463 : vector<1x16xf32> to vector<16xf32>
          %mul3A_465 = arith.mulf %gather3A_195, %get3A_464 : vector<16xf32>
          %add3A_466 = arith.addf %add3A_460, %mul3A_465 : vector<16xf32>
          %get3A_467 = arith.index_cast %add3A_188 : i32 to index
          %get3A_468 = arith.constant 144 : index
          %get3A_469 = tpu.vector_load %arg28[%get3A_467, %get3A_468] {strides = array<i32>} : memref<32x256xf32, #tpu.memory_space<vmem>>, vector<1x16xf32>,
          %get3A_470 = vector.shape_cast %get3A_469 : vector<1x16xf32> to vector<16xf32>
          %mul3A_471 = arith.mulf %gather3A_198, %get3A_470 : vector<16xf32>
          %add3A_472 = arith.addf %add3A_466, %mul3A_471 : vector<16xf32>
          %swap3A_473 = arith.index_cast %add3A_188 : i32 to index
          %swap3A_474 = arith.constant 144 : index
          %swap3A_475 = tpu.vector_load %arg29[%swap3A_473, %swap3A_474] {strides = array<i32>} : memref<32x256xf32, #tpu.memory_space<vmem>>, vector<1x16xf32>,
          %swap3A_476 = vector.shape_cast %swap3A_475 : vector<1x16xf32> to vector<16xf32>
          %swap3A_477 = vector.shape_cast %add3A_472 : vector<16xf32> to vector<1x16xf32>
          tpu.vector_store %arg29[%swap3A_473, %swap3A_474], %swap3A_477 {strides = array<i32>} : memref<32x256xf32, #tpu.memory_space<vmem>>, vector<1x16xf32>,
          %get3A_478 = arith.index_cast %add3A_188 : i32 to index
          %get3A_479 = arith.constant 160 : index
          %get3A_480 = tpu.vector_load %arg25[%get3A_478, %get3A_479] {strides = array<i32>} : memref<32x256xf32, #tpu.memory_space<vmem>>, vector<1x16xf32>,
          %get3A_481 = vector.shape_cast %get3A_480 : vector<1x16xf32> to vector<16xf32>
          %mul3A_482 = arith.mulf %gather3A_189, %get3A_481 : vector<16xf32>
          %get3A_483 = arith.index_cast %add3A_188 : i32 to index
          %get3A_484 = arith.constant 160 : index
          %get3A_485 = tpu.vector_load %arg26[%get3A_483, %get3A_484] {strides = array<i32>} : memref<32x256xf32, #tpu.memory_space<vmem>>, vector<1x16xf32>,
          %get3A_486 = vector.shape_cast %get3A_485 : vector<1x16xf32> to vector<16xf32>
          %mul3A_487 = arith.mulf %gather3A_192, %get3A_486 : vector<16xf32>
          %add3A_488 = arith.addf %mul3A_482, %mul3A_487 : vector<16xf32>
          %get3A_489 = arith.index_cast %add3A_188 : i32 to index
          %get3A_490 = arith.constant 160 : index
          %get3A_491 = tpu.vector_load %arg27[%get3A_489, %get3A_490] {strides = array<i32>} : memref<32x256xf32, #tpu.memory_space<vmem>>, vector<1x16xf32>,
          %get3A_492 = vector.shape_cast %get3A_491 : vector<1x16xf32> to vector<16xf32>
          %mul3A_493 = arith.mulf %gather3A_195, %get3A_492 : vector<16xf32>
          %add3A_494 = arith.addf %add3A_488, %mul3A_493 : vector<16xf32>
          %get3A_495 = arith.index_cast %add3A_188 : i32 to index
          %get3A_496 = arith.constant 160 : index
          %get3A_497 = tpu.vector_load %arg28[%get3A_495, %get3A_496] {strides = array<i32>} : memref<32x256xf32, #tpu.memory_space<vmem>>, vector<1x16xf32>,
          %get3A_498 = vector.shape_cast %get3A_497 : vector<1x16xf32> to vector<16xf32>
          %mul3A_499 = arith.mulf %gather3A_198, %get3A_498 : vector<16xf32>
          %add3A_500 = arith.addf %add3A_494, %mul3A_499 : vector<16xf32>
          %swap3A_501 = arith.index_cast %add3A_188 : i32 to index
          %swap3A_502 = arith.constant 160 : index
          %swap3A_503 = tpu.vector_load %arg29[%swap3A_501, %swap3A_502] {strides = array<i32>} : memref<32x256xf32, #tpu.memory_space<vmem>>, vector<1x16xf32>,
          %swap3A_504 = vector.shape_cast %swap3A_503 : vector<1x16xf32> to vector<16xf32>
          %swap3A_505 = vector.shape_cast %add3A_500 : vector<16xf32> to vector<1x16xf32>
          tpu.vector_store %arg29[%swap3A_501, %swap3A_502], %swap3A_505 {strides = array<i32>} : memref<32x256xf32, #tpu.memory_space<vmem>>, vector<1x16xf32>,
          %get3A_506 = arith.index_cast %add3A_188 : i32 to index
          %get3A_507 = arith.constant 176 : index
          %get3A_508 = tpu.vector_load %arg25[%get3A_506, %get3A_507] {strides = array<i32>} : memref<32x256xf32, #tpu.memory_space<vmem>>, vector<1x16xf32>,
          %get3A_509 = vector.shape_cast %get3A_508 : vector<1x16xf32> to vector<16xf32>
          %mul3A_510 = arith.mulf %gather3A_189, %get3A_509 : vector<16xf32>
          %get3A_511 = arith.index_cast %add3A_188 : i32 to index
          %get3A_512 = arith.constant 176 : index
          %get3A_513 = tpu.vector_load %arg26[%get3A_511, %get3A_512] {strides = array<i32>} : memref<32x256xf32, #tpu.memory_space<vmem>>, vector<1x16xf32>,
          %get3A_514 = vector.shape_cast %get3A_513 : vector<1x16xf32> to vector<16xf32>
          %mul3A_515 = arith.mulf %gather3A_192, %get3A_514 : vector<16xf32>
          %add3A_516 = arith.addf %mul3A_510, %mul3A_515 : vector<16xf32>
          %get3A_517 = arith.index_cast %add3A_188 : i32 to index
          %get3A_518 = arith.constant 176 : index
          %get3A_519 = tpu.vector_load %arg27[%get3A_517, %get3A_518] {strides = array<i32>} : memref<32x256xf32, #tpu.memory_space<vmem>>, vector<1x16xf32>,
          %get3A_520 = vector.shape_cast %get3A_519 : vector<1x16xf32> to vector<16xf32>
          %mul3A_521 = arith.mulf %gather3A_195, %get3A_520 : vector<16xf32>
          %add3A_522 = arith.addf %add3A_516, %mul3A_521 : vector<16xf32>
          %get3A_523 = arith.index_cast %add3A_188 : i32 to index
          %get3A_524 = arith.constant 176 : index
          %get3A_525 = tpu.vector_load %arg28[%get3A_523, %get3A_524] {strides = array<i32>} : memref<32x256xf32, #tpu.memory_space<vmem>>, vector<1x16xf32>,
          %get3A_526 = vector.shape_cast %get3A_525 : vector<1x16xf32> to vector<16xf32>
          %mul3A_527 = arith.mulf %gather3A_198, %get3A_526 : vector<16xf32>
          %add3A_528 = arith.addf %add3A_522, %mul3A_527 : vector<16xf32>
          %swap3A_529 = arith.index_cast %add3A_188 : i32 to index
          %swap3A_530 = arith.constant 176 : index
          %swap3A_531 = tpu.vector_load %arg29[%swap3A_529, %swap3A_530] {strides = array<i32>} : memref<32x256xf32, #tpu.memory_space<vmem>>, vector<1x16xf32>,
          %swap3A_532 = vector.shape_cast %swap3A_531 : vector<1x16xf32> to vector<16xf32>
          %swap3A_533 = vector.shape_cast %add3A_528 : vector<16xf32> to vector<1x16xf32>
          tpu.vector_store %arg29[%swap3A_529, %swap3A_530], %swap3A_533 {strides = array<i32>} : memref<32x256xf32, #tpu.memory_space<vmem>>, vector<1x16xf32>,
          %get3A_534 = arith.index_cast %add3A_188 : i32 to index
          %get3A_535 = arith.constant 192 : index
          %get3A_536 = tpu.vector_load %arg25[%get3A_534, %get3A_535] {strides = array<i32>} : memref<32x256xf32, #tpu.memory_space<vmem>>, vector<1x16xf32>,
          %get3A_537 = vector.shape_cast %get3A_536 : vector<1x16xf32> to vector<16xf32>
          %mul3A_538 = arith.mulf %gather3A_189, %get3A_537 : vector<16xf32>
          %get3A_539 = arith.index_cast %add3A_188 : i32 to index
          %get3A_540 = arith.constant 192 : index
          %get3A_541 = tpu.vector_load %arg26[%get3A_539, %get3A_540] {strides = array<i32>} : memref<32x256xf32, #tpu.memory_space<vmem>>, vector<1x16xf32>,
          %get3A_542 = vector.shape_cast %get3A_541 : vector<1x16xf32> to vector<16xf32>
          %mul3A_543 = arith.mulf %gather3A_192, %get3A_542 : vector<16xf32>
          %add3A_544 = arith.addf %mul3A_538, %mul3A_543 : vector<16xf32>
          %get3A_545 = arith.index_cast %add3A_188 : i32 to index
          %get3A_546 = arith.constant 192 : index
          %get3A_547 = tpu.vector_load %arg27[%get3A_545, %get3A_546] {strides = array<i32>} : memref<32x256xf32, #tpu.memory_space<vmem>>, vector<1x16xf32>,
          %get3A_548 = vector.shape_cast %get3A_547 : vector<1x16xf32> to vector<16xf32>
          %mul3A_549 = arith.mulf %gather3A_195, %get3A_548 : vector<16xf32>
          %add3A_550 = arith.addf %add3A_544, %mul3A_549 : vector<16xf32>
          %get3A_551 = arith.index_cast %add3A_188 : i32 to index
          %get3A_552 = arith.constant 192 : index
          %get3A_553 = tpu.vector_load %arg28[%get3A_551, %get3A_552] {strides = array<i32>} : memref<32x256xf32, #tpu.memory_space<vmem>>, vector<1x16xf32>,
          %get3A_554 = vector.shape_cast %get3A_553 : vector<1x16xf32> to vector<16xf32>
          %mul3A_555 = arith.mulf %gather3A_198, %get3A_554 : vector<16xf32>
          %add3A_556 = arith.addf %add3A_550, %mul3A_555 : vector<16xf32>
          %swap3A_557 = arith.index_cast %add3A_188 : i32 to index
          %swap3A_558 = arith.constant 192 : index
          %swap3A_559 = tpu.vector_load %arg29[%swap3A_557, %swap3A_558] {strides = array<i32>} : memref<32x256xf32, #tpu.memory_space<vmem>>, vector<1x16xf32>,
          %swap3A_560 = vector.shape_cast %swap3A_559 : vector<1x16xf32> to vector<16xf32>
          %swap3A_561 = vector.shape_cast %add3A_556 : vector<16xf32> to vector<1x16xf32>
          tpu.vector_store %arg29[%swap3A_557, %swap3A_558], %swap3A_561 {strides = array<i32>} : memref<32x256xf32, #tpu.memory_space<vmem>>, vector<1x16xf32>,
          %get3A_562 = arith.index_cast %add3A_188 : i32 to index
          %get3A_563 = arith.constant 208 : index
          %get3A_564 = tpu.vector_load %arg25[%get3A_562, %get3A_563] {strides = array<i32>} : memref<32x256xf32, #tpu.memory_space<vmem>>, vector<1x16xf32>,
          %get3A_565 = vector.shape_cast %get3A_564 : vector<1x16xf32> to vector<16xf32>
          %mul3A_566 = arith.mulf %gather3A_189, %get3A_565 : vector<16xf32>
          %get3A_567 = arith.index_cast %add3A_188 : i32 to index
          %get3A_568 = arith.constant 208 : index
          %get3A_569 = tpu.vector_load %arg26[%get3A_567, %get3A_568] {strides = array<i32>} : memref<32x256xf32, #tpu.memory_space<vmem>>, vector<1x16xf32>,
          %get3A_570 = vector.shape_cast %get3A_569 : vector<1x16xf32> to vector<16xf32>
          %mul3A_571 = arith.mulf %gather3A_192, %get3A_570 : vector<16xf32>
          %add3A_572 = arith.addf %mul3A_566, %mul3A_571 : vector<16xf32>
          %get3A_573 = arith.index_cast %add3A_188 : i32 to index
          %get3A_574 = arith.constant 208 : index
          %get3A_575 = tpu.vector_load %arg27[%get3A_573, %get3A_574] {strides = array<i32>} : memref<32x256xf32, #tpu.memory_space<vmem>>, vector<1x16xf32>,
          %get3A_576 = vector.shape_cast %get3A_575 : vector<1x16xf32> to vector<16xf32>
          %mul3A_577 = arith.mulf %gather3A_195, %get3A_576 : vector<16xf32>
          %add3A_578 = arith.addf %add3A_572, %mul3A_577 : vector<16xf32>
          %get3A_579 = arith.index_cast %add3A_188 : i32 to index
          %get3A_580 = arith.constant 208 : index
          %get3A_581 = tpu.vector_load %arg28[%get3A_579, %get3A_580] {strides = array<i32>} : memref<32x256xf32, #tpu.memory_space<vmem>>, vector<1x16xf32>,
          %get3A_582 = vector.shape_cast %get3A_581 : vector<1x16xf32> to vector<16xf32>
          %mul3A_583 = arith.mulf %gather3A_198, %get3A_582 : vector<16xf32>
          %add3A_584 = arith.addf %add3A_578, %mul3A_583 : vector<16xf32>
          %swap3A_585 = arith.index_cast %add3A_188 : i32 to index
          %swap3A_586 = arith.constant 208 : index
          %swap3A_587 = tpu.vector_load %arg29[%swap3A_585, %swap3A_586] {strides = array<i32>} : memref<32x256xf32, #tpu.memory_space<vmem>>, vector<1x16xf32>,
          %swap3A_588 = vector.shape_cast %swap3A_587 : vector<1x16xf32> to vector<16xf32>
          %swap3A_589 = vector.shape_cast %add3A_584 : vector<16xf32> to vector<1x16xf32>
          tpu.vector_store %arg29[%swap3A_585, %swap3A_586], %swap3A_589 {strides = array<i32>} : memref<32x256xf32, #tpu.memory_space<vmem>>, vector<1x16xf32>,
          %get3A_590 = arith.index_cast %add3A_188 : i32 to index
          %get3A_591 = arith.constant 224 : index
          %get3A_592 = tpu.vector_load %arg25[%get3A_590, %get3A_591] {strides = array<i32>} : memref<32x256xf32, #tpu.memory_space<vmem>>, vector<1x16xf32>,
          %get3A_593 = vector.shape_cast %get3A_592 : vector<1x16xf32> to vector<16xf32>
          %mul3A_594 = arith.mulf %gather3A_189, %get3A_593 : vector<16xf32>
          %get3A_595 = arith.index_cast %add3A_188 : i32 to index
          %get3A_596 = arith.constant 224 : index
          %get3A_597 = tpu.vector_load %arg26[%get3A_595, %get3A_596] {strides = array<i32>} : memref<32x256xf32, #tpu.memory_space<vmem>>, vector<1x16xf32>,
          %get3A_598 = vector.shape_cast %get3A_597 : vector<1x16xf32> to vector<16xf32>
          %mul3A_599 = arith.mulf %gather3A_192, %get3A_598 : vector<16xf32>
          %add3A_600 = arith.addf %mul3A_594, %mul3A_599 : vector<16xf32>
          %get3A_601 = arith.index_cast %add3A_188 : i32 to index
          %get3A_602 = arith.constant 224 : index
          %get3A_603 = tpu.vector_load %arg27[%get3A_601, %get3A_602] {strides = array<i32>} : memref<32x256xf32, #tpu.memory_space<vmem>>, vector<1x16xf32>,
          %get3A_604 = vector.shape_cast %get3A_603 : vector<1x16xf32> to vector<16xf32>
          %mul3A_605 = arith.mulf %gather3A_195, %get3A_604 : vector<16xf32>
          %add3A_606 = arith.addf %add3A_600, %mul3A_605 : vector<16xf32>
          %get3A_607 = arith.index_cast %add3A_188 : i32 to index
          %get3A_608 = arith.constant 224 : index
          %get3A_609 = tpu.vector_load %arg28[%get3A_607, %get3A_608] {strides = array<i32>} : memref<32x256xf32, #tpu.memory_space<vmem>>, vector<1x16xf32>,
          %get3A_610 = vector.shape_cast %get3A_609 : vector<1x16xf32> to vector<16xf32>
          %mul3A_611 = arith.mulf %gather3A_198, %get3A_610 : vector<16xf32>
          %add3A_612 = arith.addf %add3A_606, %mul3A_611 : vector<16xf32>
          %swap3A_613 = arith.index_cast %add3A_188 : i32 to index
          %swap3A_614 = arith.constant 224 : index
          %swap3A_615 = tpu.vector_load %arg29[%swap3A_613, %swap3A_614] {strides = array<i32>} : memref<32x256xf32, #tpu.memory_space<vmem>>, vector<1x16xf32>,
          %swap3A_616 = vector.shape_cast %swap3A_615 : vector<1x16xf32> to vector<16xf32>
          %swap3A_617 = vector.shape_cast %add3A_612 : vector<16xf32> to vector<1x16xf32>
          tpu.vector_store %arg29[%swap3A_613, %swap3A_614], %swap3A_617 {strides = array<i32>} : memref<32x256xf32, #tpu.memory_space<vmem>>, vector<1x16xf32>,
          %get3A_618 = arith.index_cast %add3A_188 : i32 to index
          %get3A_619 = arith.constant 240 : index
          %get3A_620 = tpu.vector_load %arg25[%get3A_618, %get3A_619] {strides = array<i32>} : memref<32x256xf32, #tpu.memory_space<vmem>>, vector<1x16xf32>,
          %get3A_621 = vector.shape_cast %get3A_620 : vector<1x16xf32> to vector<16xf32>
          %mul3A_622 = arith.mulf %gather3A_189, %get3A_621 : vector<16xf32>
          %get3A_623 = arith.index_cast %add3A_188 : i32 to index
          %get3A_624 = arith.constant 240 : index
          %get3A_625 = tpu.vector_load %arg26[%get3A_623, %get3A_624] {strides = array<i32>} : memref<32x256xf32, #tpu.memory_space<vmem>>, vector<1x16xf32>,
          %get3A_626 = vector.shape_cast %get3A_625 : vector<1x16xf32> to vector<16xf32>
          %mul3A_627 = arith.mulf %gather3A_192, %get3A_626 : vector<16xf32>
          %add3A_628 = arith.addf %mul3A_622, %mul3A_627 : vector<16xf32>
          %get3A_629 = arith.index_cast %add3A_188 : i32 to index
          %get3A_630 = arith.constant 240 : index
          %get3A_631 = tpu.vector_load %arg27[%get3A_629, %get3A_630] {strides = array<i32>} : memref<32x256xf32, #tpu.memory_space<vmem>>, vector<1x16xf32>,
          %get3A_632 = vector.shape_cast %get3A_631 : vector<1x16xf32> to vector<16xf32>
          %mul3A_633 = arith.mulf %gather3A_195, %get3A_632 : vector<16xf32>
          %add3A_634 = arith.addf %add3A_628, %mul3A_633 : vector<16xf32>
          %get3A_635 = arith.index_cast %add3A_188 : i32 to index
          %get3A_636 = arith.constant 240 : index
          %get3A_637 = tpu.vector_load %arg28[%get3A_635, %get3A_636] {strides = array<i32>} : memref<32x256xf32, #tpu.memory_space<vmem>>, vector<1x16xf32>,
          %get3A_638 = vector.shape_cast %get3A_637 : vector<1x16xf32> to vector<16xf32>
          %mul3A_639 = arith.mulf %gather3A_198, %get3A_638 : vector<16xf32>
          %add3A_640 = arith.addf %add3A_634, %mul3A_639 : vector<16xf32>
          %swap3A_641 = arith.index_cast %add3A_188 : i32 to index
          %swap3A_642 = arith.constant 240 : index
          %swap3A_643 = tpu.vector_load %arg29[%swap3A_641, %swap3A_642] {strides = array<i32>} : memref<32x256xf32, #tpu.memory_space<vmem>>, vector<1x16xf32>,
          %swap3A_644 = vector.shape_cast %swap3A_643 : vector<1x16xf32> to vector<16xf32>
          %swap3A_645 = vector.shape_cast %add3A_640 : vector<16xf32> to vector<1x16xf32>
          tpu.vector_store %arg29[%swap3A_641, %swap3A_642], %swap3A_645 {strides = array<i32>} : memref<32x256xf32, #tpu.memory_space<vmem>>, vector<1x16xf32>,
          %scan3A_646 = arith.constant 0 : i32
          scf.yield %scan3A_646 : i32
        }
        %scan3A_184 = arith.constant 16 : i32
        %scan3A_185 = arith.constant 0 : i32
        scf.yield %scan3A_185 : i32
      }
      %scan3A_149 = arith.constant 2 : i32
      %add3A_150 = arith.constant 1 : i32
      %add3A_151 = arith.addi %add3A_41, %add3A_150 : i32
      %mul3A_152 = arith.constant 32 : i32
      %mul3A_153 = arith.muli %add3A_151, %mul3A_152 : i32
      %add3A_154 = arith.addi %mul3A_2, %mul3A_153 : i32
      %dma_start3A_155 = arith.constant 0 : i32
      %dma_start3A_156 = tpu.memref_slice %arg11[%add3A_154, %dma_start3A_155] : memref<57344x256xf32, #tpu.memory_space<hbm>> -> memref<32x256xf32, #tpu.memory_space<hbm>>
      %dma_start3A_157 = arith.constant 0 : i32
      %dma_start3A_158 = tpu.memref_slice %arg11[%add3A_154, %dma_start3A_157] : memref<57344x256xf32, #tpu.memory_space<hbm>> -> memref<32x256xf32, #tpu.memory_space<hbm>>
      tpu.enqueue_dma source(%arg29 : memref<32x256xf32, #tpu.memory_space<vmem>>) target(%dma_start3A_158 : memref<32x256xf32, #tpu.memory_space<hbm>>) target_semaphore(%arg33 : memref<!tpu.dma_semaphore, #tpu.memory_space<semaphore_mem>>)
    }
    %scan3A_25 = arith.constant 28 : i32
    %dma_wait3A = arith.constant 0 : i32
    %dma_wait3A_26 = arith.constant 0 : i32
    %dma_wait3A_27 = tpu.memref_slice %arg11[%dma_wait3A, %dma_wait3A_26] : memref<57344x256xf32, #tpu.memory_space<hbm>> -> memref<32x256xf32, #tpu.memory_space<hbm>>
    %dma_wait3A_28 = arith.constant 0 : i32
    %dma_wait3A_29 = arith.constant 0 : i32
    %dma_wait3A_30 = tpu.memref_slice %arg11[%dma_wait3A_28, %dma_wait3A_29] : memref<57344x256xf32, #tpu.memory_space<hbm>> -> memref<32x256xf32, #tpu.memory_space<hbm>>
    tpu.wait_dma2 semaphore(%arg32 : memref<!tpu.dma_semaphore, #tpu.memory_space<semaphore_mem>>) src(%arg24 : memref<32x256xf32, #tpu.memory_space<vmem>>) dst(%dma_wait3A_30 : memref<32x256xf32, #tpu.memory_space<hbm>>)
    %dma_wait3A_31 = arith.constant 0 : i32
    %dma_wait3A_32 = arith.constant 0 : i32
    %dma_wait3A_33 = tpu.memref_slice %arg11[%dma_wait3A_31, %dma_wait3A_32] : memref<57344x256xf32, #tpu.memory_space<hbm>> -> memref<32x256xf32, #tpu.memory_space<hbm>>
    %dma_wait3A_34 = arith.constant 0 : i32
    %dma_wait3A_35 = arith.constant 0 : i32
    %dma_wait3A_36 = tpu.memref_slice %arg11[%dma_wait3A_34, %dma_wait3A_35] : memref<57344x256xf32, #tpu.memory_space<hbm>> -> memref<32x256xf32, #tpu.memory_space<hbm>>
    tpu.wait_dma2 semaphore(%arg33 : memref<!tpu.dma_semaphore, #tpu.memory_space<semaphore_mem>>) src(%arg29 : memref<32x256xf32, #tpu.memory_space<vmem>>) dst(%dma_wait3A_36 : memref<32x256xf32, #tpu.memory_space<hbm>>)
    return
  }
}

module attributes {stable_mosaic.version = 14 : i64} {
  func.func @_index_kernel(%arg0: memref<1x3xf32, #tpu.memory_space<vmem>>, %arg1: memref<1024x4xf32, #tpu.memory_space<vmem>>, %arg2: memref<1024x64xi32, #tpu.memory_space<vmem>>, %arg3: memref<1024x64xi32, #tpu.memory_space<vmem>>, %arg4: memref<1024x64xi32, #tpu.memory_space<vmem>>, %arg5: memref<1024x64xi32, #tpu.memory_space<vmem>>, %arg6: memref<1024x64xf32, #tpu.memory_space<vmem>>, %arg7: memref<1024x64xf32, #tpu.memory_space<vmem>>, %arg8: memref<1024x64xf32, #tpu.memory_space<vmem>>, %arg9: memref<1024x64xf32, #tpu.memory_space<vmem>>) attributes {dimension_semantics = [], scalar_prefetch = 0 : i64, scratch_operands = 0 : i64, tpu.core_type = #tpu.core_type<tc>} {
    %get3A = arith.constant 0 : index
    %get3A_0 = arith.constant 0 : index
    %get3A_1 = vector.load %arg0[%get3A, %get3A_0] : memref<1x3xf32, #tpu.memory_space<vmem>>, vector<1x1xf32>
    %get3A_2 = vector.extract %get3A_1[0, 0] : f32 from vector<1x1xf32>
    %get3A_3 = arith.constant 0 : index
    %get3A_4 = arith.constant 1 : index
    %get3A_5 = vector.load %arg0[%get3A_3, %get3A_4] : memref<1x3xf32, #tpu.memory_space<vmem>>, vector<1x1xf32>
    %get3A_6 = vector.extract %get3A_5[0, 0] : f32 from vector<1x1xf32>
    %get3A_7 = arith.constant 0 : index
    %get3A_8 = arith.constant 0 : index
    %get3A_9 = vector.load %arg1[%get3A_7, %get3A_8] : memref<1024x4xf32, #tpu.memory_space<vmem>>, vector<1024x4xf32>
    %slice3A = vector.extract_strided_slice %get3A_9 {offsets = [0, 0], sizes = [1024, 1], strides = [1, 1]} : vector<1024x4xf32> to vector<1024x1xf32>
    %slice3A_10 = vector.extract_strided_slice %get3A_9 {offsets = [0, 1], sizes = [1024, 1], strides = [1, 1]} : vector<1024x4xf32> to vector<1024x1xf32>
    %slice3A_11 = vector.extract_strided_slice %get3A_9 {offsets = [0, 2], sizes = [1024, 1], strides = [1, 1]} : vector<1024x4xf32> to vector<1024x1xf32>
    %slice3A_12 = vector.extract_strided_slice %get3A_9 {offsets = [0, 3], sizes = [1024, 1], strides = [1, 1]} : vector<1024x4xf32> to vector<1024x1xf32>
    %sub3A = arith.subf %slice3A_12, %slice3A_10 : vector<1024x1xf32>
    %sub3A_13 = arith.subf %slice3A_11, %slice3A : vector<1024x1xf32>
    %mul3A = arith.mulf %get3A_2, %get3A_6 : f32
    %mul3A_14 = arith.mulf %sub3A, %sub3A_13 : vector<1024x1xf32>
    %sqrt3A = math.sqrt %mul3A_14 : vector<1024x1xf32>
    %sqrt3A_15 = math.sqrt %mul3A : f32
    %div3A = vector.broadcast %sqrt3A_15 : f32 to vector<1024x1xf32>
    %div3A_16 = arith.divf %sqrt3A, %div3A : vector<1024x1xf32>
    %log3A = math.log %div3A_16 : vector<1024x1xf32>
    %log3A_17 = arith.constant 2.000000e+00 : f32
    %log3A_18 = math.log %log3A_17 : f32
    %div3A_19 = vector.broadcast %log3A_18 : f32 to vector<1024x1xf32>
    %div3A_20 = arith.divf %log3A, %div3A_19 : vector<1024x1xf32>
    %round3A = math.roundeven %div3A_20 : vector<1024x1xf32>
    %add3A = arith.constant 4.000000e+00 : f32
    %add3A_21 = vector.broadcast %add3A : f32 to vector<1024x1xf32>
    %add3A_22 = arith.addf %add3A_21, %round3A : vector<1024x1xf32>
    %max3A = arith.constant 2.000000e+00 : f32
    %max3A_23 = vector.broadcast %max3A : f32 to vector<1024x1xf32>
    %max3A_24 = arith.maximumf %max3A_23, %add3A_22 : vector<1024x1xf32>
    %min3A = arith.constant 5.000000e+00 : f32
    %min3A_25 = vector.broadcast %min3A : f32 to vector<1024x1xf32>
    %min3A_26 = arith.minimumf %min3A_25, %max3A_24 : vector<1024x1xf32>
    %convert_element_type3A = arith.fptosi %min3A_26 : vector<1024x1xf32> to vector<1024x1xi32>
    %sub3A_27 = arith.constant 2 : i32
    %sub3A_28 = vector.broadcast %sub3A_27 : i32 to vector<1024x1xi32>
    %sub3A_29 = arith.subi %convert_element_type3A, %sub3A_28 : vector<1024x1xi32>
    %broadcast_in_dim3A = arith.constant 256 : i32
    %broadcast_in_dim3A_30 = vector.broadcast %broadcast_in_dim3A : i32 to vector<1024x1xi32>
    %shift_right_logical3A = arith.shrui %broadcast_in_dim3A_30, %sub3A_29 : vector<1024x1xi32>
    %eq3A = arith.constant 0 : i32
    %eq3A_31 = vector.broadcast %eq3A : i32 to vector<1024x1xi32>
    %eq3A_32 = arith.cmpi eq, %sub3A_29, %eq3A_31 : vector<1024x1xi32>
    %eq3A_33 = arith.constant 1 : i32
    %eq3A_34 = vector.broadcast %eq3A_33 : i32 to vector<1024x1xi32>
    %eq3A_35 = arith.cmpi eq, %sub3A_29, %eq3A_34 : vector<1024x1xi32>
    %eq3A_36 = arith.constant 2 : i32
    %eq3A_37 = vector.broadcast %eq3A_36 : i32 to vector<1024x1xi32>
    %eq3A_38 = arith.cmpi eq, %sub3A_29, %eq3A_37 : vector<1024x1xi32>
    %jit3A = arith.constant 81920 : i32
    %jit3A_39 = arith.constant 86016 : i32
    %broadcast_in_dim3A_40 = vector.broadcast %jit3A : i32 to vector<1024x1xi32>
    %broadcast_in_dim3A_41 = vector.broadcast %jit3A_39 : i32 to vector<1024x1xi32>
    %select_n3A = arith.select %eq3A_38, %broadcast_in_dim3A_40, %broadcast_in_dim3A_41 : vector<1024x1xi1>, vector<1024x1xi32>
    %jit3A_42 = arith.constant 65536 : i32
    %broadcast_in_dim3A_43 = vector.broadcast %jit3A_42 : i32 to vector<1024x1xi32>
    %select_n3A_44 = arith.select %eq3A_35, %broadcast_in_dim3A_43, %select_n3A : vector<1024x1xi1>, vector<1024x1xi32>
    %jit3A_45 = arith.constant 0 : i32
    %broadcast_in_dim3A_46 = vector.broadcast %jit3A_45 : i32 to vector<1024x1xi32>
    %select_n3A_47 = arith.select %eq3A_32, %broadcast_in_dim3A_46, %select_n3A_44 : vector<1024x1xi1>, vector<1024x1xi32>
    %sub3A_48 = arith.constant 1 : i32
    %sub3A_49 = vector.broadcast %sub3A_48 : i32 to vector<1024x1xi32>
    %sub3A_50 = arith.subi %shift_right_logical3A, %sub3A_49 : vector<1024x1xi32>
    %convert_element_type3A_51 = arith.sitofp %sub3A_50 : vector<1024x1xi32> to vector<1024x1xf32>
    %sub3A_52 = arith.constant 1.000000e+00 : f32
    %sub3A_53 = arith.subf %get3A_6, %sub3A_52 : f32
    %div3A_54 = vector.broadcast %sub3A_53 : f32 to vector<1024x1xf32>
    %div3A_55 = arith.divf %slice3A, %div3A_54 : vector<1024x1xf32>
    %sub3A_56 = arith.constant 1.000000e+00 : f32
    %sub3A_57 = arith.subf %get3A_6, %sub3A_56 : f32
    %div3A_58 = vector.broadcast %sub3A_57 : f32 to vector<1024x1xf32>
    %div3A_59 = arith.divf %slice3A_11, %div3A_58 : vector<1024x1xf32>
    %sub3A_60 = arith.constant 1.000000e+00 : f32
    %sub3A_61 = arith.subf %get3A_2, %sub3A_60 : f32
    %div3A_62 = vector.broadcast %sub3A_61 : f32 to vector<1024x1xf32>
    %div3A_63 = arith.divf %slice3A_10, %div3A_62 : vector<1024x1xf32>
    %sub3A_64 = arith.constant 1.000000e+00 : f32
    %sub3A_65 = arith.subf %get3A_2, %sub3A_64 : f32
    %div3A_66 = vector.broadcast %sub3A_65 : f32 to vector<1024x1xf32>
    %div3A_67 = arith.divf %slice3A_12, %div3A_66 : vector<1024x1xf32>
    %iota3A = tpu.iota {dimensions = array<i32: 1>} : vector<1024x64xi32>
    %jit3A_68 = arith.constant 8 : i32
    %div3A_69 = vector.broadcast %jit3A_68 : i32 to vector<1024x64xi32>
    %div3A_70 = arith.divsi %iota3A, %div3A_69 : vector<1024x64xi32>
    %sign3A = arith.constant 0 : i32
    %sign3A_71 = vector.broadcast %sign3A : i32 to vector<1024x64xi32>
    %sign3A_72 = arith.cmpi sgt, %iota3A, %sign3A_71 : vector<1024x64xi32>
    %sign3A_73 = arith.extui %sign3A_72 : vector<1024x64xi1> to vector<1024x64xi32>
    %sign3A_74 = arith.constant 0 : i32
    %sign3A_75 = vector.broadcast %sign3A_74 : i32 to vector<1024x64xi32>
    %sign3A_76 = arith.cmpi slt, %iota3A, %sign3A_75 : vector<1024x64xi32>
    %sign3A_77 = arith.extui %sign3A_76 : vector<1024x64xi1> to vector<1024x64xi32>
    %sign3A_78 = arith.subi %sign3A_73, %sign3A_77 : vector<1024x64xi32>
    %sign3A_79 = arith.constant 0 : i32
    %sign3A_80 = arith.cmpi sgt, %jit3A_68, %sign3A_79 : i32
    %sign3A_81 = arith.extui %sign3A_80 : i1 to i32
    %sign3A_82 = arith.constant 0 : i32
    %sign3A_83 = arith.cmpi slt, %jit3A_68, %sign3A_82 : i32
    %sign3A_84 = arith.extui %sign3A_83 : i1 to i32
    %sign3A_85 = arith.subi %sign3A_81, %sign3A_84 : i32
    %ne3A = vector.broadcast %sign3A_85 : i32 to vector<1024x64xi32>
    %ne3A_86 = arith.cmpi ne, %sign3A_78, %ne3A : vector<1024x64xi32>
    %rem3A = vector.broadcast %jit3A_68 : i32 to vector<1024x64xi32>
    %rem3A_87 = arith.remsi %iota3A, %rem3A : vector<1024x64xi32>
    %ne3A_88 = arith.constant 0 : i32
    %ne3A_89 = vector.broadcast %ne3A_88 : i32 to vector<1024x64xi32>
    %ne3A_90 = arith.cmpi ne, %rem3A_87, %ne3A_89 : vector<1024x64xi32>
    %and3A = arith.andi %ne3A_86, %ne3A_90 : vector<1024x64xi1>
    %sub3A_91 = arith.constant 1 : i32
    %sub3A_92 = vector.broadcast %sub3A_91 : i32 to vector<1024x64xi32>
    %sub3A_93 = arith.subi %div3A_70, %sub3A_92 : vector<1024x64xi32>
    %select_n3A_94 = arith.select %and3A, %sub3A_93, %div3A_70 : vector<1024x64xi1>, vector<1024x64xi32>
    %min3A_95 = arith.constant 6 : i32
    %min3A_96 = vector.broadcast %min3A_95 : i32 to vector<1024x64xi32>
    %min3A_97 = arith.minsi %select_n3A_94, %min3A_96 : vector<1024x64xi32>
    %convert_element_type3A_98 = arith.sitofp %min3A_97 : vector<1024x64xi32> to vector<1024x64xf32>
    %div3A_99 = arith.constant 6.000000e+00 : f32
    %div3A_100 = vector.broadcast %div3A_99 : f32 to vector<1024x64xf32>
    %div3A_101 = arith.divf %convert_element_type3A_98, %div3A_100 : vector<1024x64xf32>
    %jit3A_102 = arith.constant 8 : i32
    %eq3A_103 = arith.constant 0 : i32
    %eq3A_104 = arith.cmpi eq, %jit3A_102, %eq3A_103 : i32
    %jit3A_105 = arith.constant 1 : i32
    %select_n3A_106 = arith.select %eq3A_104, %jit3A_105, %jit3A_102 : i32
    %rem3A_107 = vector.broadcast %select_n3A_106 : i32 to vector<1024x64xi32>
    %rem3A_108 = arith.remsi %iota3A, %rem3A_107 : vector<1024x64xi32>
    %ne3A_109 = arith.constant 0 : i32
    %ne3A_110 = vector.broadcast %ne3A_109 : i32 to vector<1024x64xi32>
    %ne3A_111 = arith.cmpi ne, %rem3A_108, %ne3A_110 : vector<1024x64xi32>
    %lt3A = arith.constant 0 : i32
    %lt3A_112 = vector.broadcast %lt3A : i32 to vector<1024x64xi32>
    %lt3A_113 = arith.cmpi slt, %rem3A_108, %lt3A_112 : vector<1024x64xi32>
    %lt3A_114 = arith.constant 0 : i32
    %lt3A_115 = arith.cmpi slt, %select_n3A_106, %lt3A_114 : i32
    %ne3A_116 = vector.broadcast %lt3A_115 : i1 to vector<1024x64xi1>
    %ne3A_117 = vector.broadcast %ne3A_116 : vector<1024x64xi1> to vector<1024x64xi1>
    %ne3A_118 = arith.xori %lt3A_113, %ne3A_117 : vector<1024x64xi1>
    %and3A_119 = arith.andi %ne3A_118, %ne3A_111 : vector<1024x64xi1>
    %add3A_120 = vector.broadcast %select_n3A_106 : i32 to vector<1024x64xi32>
    %add3A_121 = arith.addi %rem3A_108, %add3A_120 : vector<1024x64xi32>
    %select_n3A_122 = arith.select %and3A_119, %add3A_121, %rem3A_108 : vector<1024x64xi1>, vector<1024x64xi32>
    %min3A_123 = arith.constant 6 : i32
    %min3A_124 = vector.broadcast %min3A_123 : i32 to vector<1024x64xi32>
    %min3A_125 = arith.minsi %select_n3A_122, %min3A_124 : vector<1024x64xi32>
    %convert_element_type3A_126 = arith.sitofp %min3A_125 : vector<1024x64xi32> to vector<1024x64xf32>
    %div3A_127 = arith.constant 6.000000e+00 : f32
    %div3A_128 = vector.broadcast %div3A_127 : f32 to vector<1024x64xf32>
    %div3A_129 = arith.divf %convert_element_type3A_126, %div3A_128 : vector<1024x64xf32>
    %sub3A_130 = arith.subf %div3A_67, %div3A_63 : vector<1024x1xf32>
    %mul3A_131 = vector.broadcast %sub3A_130 : vector<1024x1xf32> to vector<1024x64xf32>
    %mul3A_132 = arith.mulf %div3A_101, %mul3A_131 : vector<1024x64xf32>
    %add3A_133 = vector.broadcast %div3A_63 : vector<1024x1xf32> to vector<1024x64xf32>
    %add3A_134 = arith.addf %add3A_133, %mul3A_132 : vector<1024x64xf32>
    %mul3A_135 = vector.broadcast %convert_element_type3A_51 : vector<1024x1xf32> to vector<1024x64xf32>
    %mul3A_136 = arith.mulf %add3A_134, %mul3A_135 : vector<1024x64xf32>
    %sub3A_137 = arith.subf %div3A_59, %div3A_55 : vector<1024x1xf32>
    %mul3A_138 = vector.broadcast %sub3A_137 : vector<1024x1xf32> to vector<1024x64xf32>
    %mul3A_139 = arith.mulf %div3A_129, %mul3A_138 : vector<1024x64xf32>
    %add3A_140 = vector.broadcast %div3A_55 : vector<1024x1xf32> to vector<1024x64xf32>
    %add3A_141 = arith.addf %add3A_140, %mul3A_139 : vector<1024x64xf32>
    %mul3A_142 = vector.broadcast %convert_element_type3A_51 : vector<1024x1xf32> to vector<1024x64xf32>
    %mul3A_143 = arith.mulf %add3A_141, %mul3A_142 : vector<1024x64xf32>
    %floor3A = math.floor %mul3A_136 : vector<1024x64xf32>
    %floor3A_144 = math.floor %mul3A_143 : vector<1024x64xf32>
    %jit3A_145 = arith.constant 0 : i32
    %convert_element_type3A_146 = arith.sitofp %jit3A_145 : i32 to f32
    %max3A_147 = vector.broadcast %convert_element_type3A_146 : f32 to vector<1024x64xf32>
    %max3A_148 = arith.maximumf %max3A_147, %floor3A : vector<1024x64xf32>
    %min3A_149 = vector.broadcast %convert_element_type3A_51 : vector<1024x1xf32> to vector<1024x64xf32>
    %min3A_150 = arith.minimumf %min3A_149, %max3A_148 : vector<1024x64xf32>
    %convert_element_type3A_151 = arith.fptosi %min3A_150 : vector<1024x64xf32> to vector<1024x64xi32>
    %add3A_152 = arith.constant 1.000000e+00 : f32
    %add3A_153 = vector.broadcast %add3A_152 : f32 to vector<1024x64xf32>
    %add3A_154 = arith.addf %floor3A, %add3A_153 : vector<1024x64xf32>
    %jit3A_155 = arith.constant 0 : i32
    %convert_element_type3A_156 = arith.sitofp %jit3A_155 : i32 to f32
    %max3A_157 = vector.broadcast %convert_element_type3A_156 : f32 to vector<1024x64xf32>
    %max3A_158 = arith.maximumf %max3A_157, %add3A_154 : vector<1024x64xf32>
    %min3A_159 = vector.broadcast %convert_element_type3A_51 : vector<1024x1xf32> to vector<1024x64xf32>
    %min3A_160 = arith.minimumf %min3A_159, %max3A_158 : vector<1024x64xf32>
    %convert_element_type3A_161 = arith.fptosi %min3A_160 : vector<1024x64xf32> to vector<1024x64xi32>
    %jit3A_162 = arith.constant 0 : i32
    %convert_element_type3A_163 = arith.sitofp %jit3A_162 : i32 to f32
    %max3A_164 = vector.broadcast %convert_element_type3A_163 : f32 to vector<1024x64xf32>
    %max3A_165 = arith.maximumf %max3A_164, %floor3A_144 : vector<1024x64xf32>
    %min3A_166 = vector.broadcast %convert_element_type3A_51 : vector<1024x1xf32> to vector<1024x64xf32>
    %min3A_167 = arith.minimumf %min3A_166, %max3A_165 : vector<1024x64xf32>
    %convert_element_type3A_168 = arith.fptosi %min3A_167 : vector<1024x64xf32> to vector<1024x64xi32>
    %add3A_169 = arith.constant 1.000000e+00 : f32
    %add3A_170 = vector.broadcast %add3A_169 : f32 to vector<1024x64xf32>
    %add3A_171 = arith.addf %floor3A_144, %add3A_170 : vector<1024x64xf32>
    %jit3A_172 = arith.constant 0 : i32
    %convert_element_type3A_173 = arith.sitofp %jit3A_172 : i32 to f32
    %max3A_174 = vector.broadcast %convert_element_type3A_173 : f32 to vector<1024x64xf32>
    %max3A_175 = arith.maximumf %max3A_174, %add3A_171 : vector<1024x64xf32>
    %min3A_176 = vector.broadcast %convert_element_type3A_51 : vector<1024x1xf32> to vector<1024x64xf32>
    %min3A_177 = arith.minimumf %min3A_176, %max3A_175 : vector<1024x64xf32>
    %convert_element_type3A_178 = arith.fptosi %min3A_177 : vector<1024x64xf32> to vector<1024x64xi32>
    %sub3A_179 = arith.subf %mul3A_136, %floor3A : vector<1024x64xf32>
    %jit3A_180 = arith.constant 0.000000e+00 : f32
    %jit3A_181 = arith.constant 1.000000e+00 : f32
    %max3A_182 = vector.broadcast %jit3A_180 : f32 to vector<1024x64xf32>
    %max3A_183 = arith.maximumf %max3A_182, %sub3A_179 : vector<1024x64xf32>
    %min3A_184 = vector.broadcast %jit3A_181 : f32 to vector<1024x64xf32>
    %min3A_185 = arith.minimumf %min3A_184, %max3A_183 : vector<1024x64xf32>
    %sub3A_186 = arith.subf %mul3A_143, %floor3A_144 : vector<1024x64xf32>
    %jit3A_187 = arith.constant 0.000000e+00 : f32
    %jit3A_188 = arith.constant 1.000000e+00 : f32
    %max3A_189 = vector.broadcast %jit3A_187 : f32 to vector<1024x64xf32>
    %max3A_190 = arith.maximumf %max3A_189, %sub3A_186 : vector<1024x64xf32>
    %min3A_191 = vector.broadcast %jit3A_188 : f32 to vector<1024x64xf32>
    %min3A_192 = arith.minimumf %min3A_191, %max3A_190 : vector<1024x64xf32>
    %mul3A_193 = vector.broadcast %shift_right_logical3A : vector<1024x1xi32> to vector<1024x64xi32>
    %mul3A_194 = arith.muli %convert_element_type3A_151, %mul3A_193 : vector<1024x64xi32>
    %add3A_195 = vector.broadcast %select_n3A_47 : vector<1024x1xi32> to vector<1024x64xi32>
    %add3A_196 = arith.addi %add3A_195, %mul3A_194 : vector<1024x64xi32>
    %mul3A_197 = vector.broadcast %shift_right_logical3A : vector<1024x1xi32> to vector<1024x64xi32>
    %mul3A_198 = arith.muli %convert_element_type3A_161, %mul3A_197 : vector<1024x64xi32>
    %add3A_199 = vector.broadcast %select_n3A_47 : vector<1024x1xi32> to vector<1024x64xi32>
    %add3A_200 = arith.addi %add3A_199, %mul3A_198 : vector<1024x64xi32>
    %add3A_201 = arith.addi %add3A_196, %convert_element_type3A_168 : vector<1024x64xi32>
    %swap3A = arith.constant 0 : index
    %swap3A_202 = arith.constant 0 : index
    %swap3A_203 = vector.load %arg2[%swap3A, %swap3A_202] : memref<1024x64xi32, #tpu.memory_space<vmem>>, vector<1024x64xi32>
    tpu.vector_store %arg2[%swap3A, %swap3A_202], %add3A_201 {strides = array<i32>} : memref<1024x64xi32, #tpu.memory_space<vmem>>, vector<1024x64xi32>,
    %add3A_204 = arith.addi %add3A_196, %convert_element_type3A_178 : vector<1024x64xi32>
    %swap3A_205 = arith.constant 0 : index
    %swap3A_206 = arith.constant 0 : index
    %swap3A_207 = vector.load %arg3[%swap3A_205, %swap3A_206] : memref<1024x64xi32, #tpu.memory_space<vmem>>, vector<1024x64xi32>
    tpu.vector_store %arg3[%swap3A_205, %swap3A_206], %add3A_204 {strides = array<i32>} : memref<1024x64xi32, #tpu.memory_space<vmem>>, vector<1024x64xi32>,
    %add3A_208 = arith.addi %add3A_200, %convert_element_type3A_168 : vector<1024x64xi32>
    %swap3A_209 = arith.constant 0 : index
    %swap3A_210 = arith.constant 0 : index
    %swap3A_211 = vector.load %arg4[%swap3A_209, %swap3A_210] : memref<1024x64xi32, #tpu.memory_space<vmem>>, vector<1024x64xi32>
    tpu.vector_store %arg4[%swap3A_209, %swap3A_210], %add3A_208 {strides = array<i32>} : memref<1024x64xi32, #tpu.memory_space<vmem>>, vector<1024x64xi32>,
    %add3A_212 = arith.addi %add3A_200, %convert_element_type3A_178 : vector<1024x64xi32>
    %swap3A_213 = arith.constant 0 : index
    %swap3A_214 = arith.constant 0 : index
    %swap3A_215 = vector.load %arg5[%swap3A_213, %swap3A_214] : memref<1024x64xi32, #tpu.memory_space<vmem>>, vector<1024x64xi32>
    tpu.vector_store %arg5[%swap3A_213, %swap3A_214], %add3A_212 {strides = array<i32>} : memref<1024x64xi32, #tpu.memory_space<vmem>>, vector<1024x64xi32>,
    %sub3A_216 = arith.constant 1.000000e+00 : f32
    %sub3A_217 = vector.broadcast %sub3A_216 : f32 to vector<1024x64xf32>
    %sub3A_218 = arith.subf %sub3A_217, %min3A_185 : vector<1024x64xf32>
    %sub3A_219 = arith.constant 1.000000e+00 : f32
    %sub3A_220 = vector.broadcast %sub3A_219 : f32 to vector<1024x64xf32>
    %sub3A_221 = arith.subf %sub3A_220, %min3A_192 : vector<1024x64xf32>
    %mul3A_222 = arith.mulf %sub3A_218, %sub3A_221 : vector<1024x64xf32>
    %swap3A_223 = arith.constant 0 : index
    %swap3A_224 = arith.constant 0 : index
    %swap3A_225 = vector.load %arg6[%swap3A_223, %swap3A_224] : memref<1024x64xf32, #tpu.memory_space<vmem>>, vector<1024x64xf32>
    tpu.vector_store %arg6[%swap3A_223, %swap3A_224], %mul3A_222 {strides = array<i32>} : memref<1024x64xf32, #tpu.memory_space<vmem>>, vector<1024x64xf32>,
    %sub3A_226 = arith.constant 1.000000e+00 : f32
    %sub3A_227 = vector.broadcast %sub3A_226 : f32 to vector<1024x64xf32>
    %sub3A_228 = arith.subf %sub3A_227, %min3A_185 : vector<1024x64xf32>
    %mul3A_229 = arith.mulf %sub3A_228, %min3A_192 : vector<1024x64xf32>
    %swap3A_230 = arith.constant 0 : index
    %swap3A_231 = arith.constant 0 : index
    %swap3A_232 = vector.load %arg7[%swap3A_230, %swap3A_231] : memref<1024x64xf32, #tpu.memory_space<vmem>>, vector<1024x64xf32>
    tpu.vector_store %arg7[%swap3A_230, %swap3A_231], %mul3A_229 {strides = array<i32>} : memref<1024x64xf32, #tpu.memory_space<vmem>>, vector<1024x64xf32>,
    %sub3A_233 = arith.constant 1.000000e+00 : f32
    %sub3A_234 = vector.broadcast %sub3A_233 : f32 to vector<1024x64xf32>
    %sub3A_235 = arith.subf %sub3A_234, %min3A_192 : vector<1024x64xf32>
    %mul3A_236 = arith.mulf %min3A_185, %sub3A_235 : vector<1024x64xf32>
    %swap3A_237 = arith.constant 0 : index
    %swap3A_238 = arith.constant 0 : index
    %swap3A_239 = vector.load %arg8[%swap3A_237, %swap3A_238] : memref<1024x64xf32, #tpu.memory_space<vmem>>, vector<1024x64xf32>
    tpu.vector_store %arg8[%swap3A_237, %swap3A_238], %mul3A_236 {strides = array<i32>} : memref<1024x64xf32, #tpu.memory_space<vmem>>, vector<1024x64xf32>,
    %mul3A_240 = arith.mulf %min3A_185, %min3A_192 : vector<1024x64xf32>
    %swap3A_241 = arith.constant 0 : index
    %swap3A_242 = arith.constant 0 : index
    %swap3A_243 = vector.load %arg9[%swap3A_241, %swap3A_242] : memref<1024x64xf32, #tpu.memory_space<vmem>>, vector<1024x64xf32>
    tpu.vector_store %arg9[%swap3A_241, %swap3A_242], %mul3A_240 {strides = array<i32>} : memref<1024x64xf32, #tpu.memory_space<vmem>>, vector<1024x64xf32>,
    return
  }
}

</mosaic_0001>

<sc_bundles>
// kernel: kernel.4.cloned.1.call-start
scs
__scs_entry_jumppad:
0x0: {  	(pc) =	sbr.rel $0x88, $3  }
0x1: {  	(tag) =	ssettag $0x0;
	lr =	simm.s32 $0x1  }
0x2: {  	[smem:$0x3F9B] =	sst lr;
	_ =	strace $0xD0000000  }
0x3: {  	_ = 	snop  }
0x4: {  	_ = 	snop  }
0x5: {  	_ = 	snop  }
0x6: {  	_ = 	snop  }
0x7: {  	_ = 	snop  }
__scs_overlays_trampoline_lowered:
0x8: {  	[smem:$0x3FAA] =	sst s0  }
0x9: {  	[smem:$0x3FAB] =	sst s1  }
0xa: {  	[smem:$0x3FAC] =	sst s2  }
0xb: {  	[smem:$0x3FAD] =	sst s3  }
0xc: {  	[smem:$0x3FAE] =	sst s4  }
0xd: {  	[smem:$0x3FAF] =	sst s5  }
0xe: {  	[smem:$0x3FB0] =	sst s6  }
0xf: {  	[smem:$0x3FB1] =	sst s7  }
0x10: {  	[smem:$0x3FB2] =	sst s8  }
0x11: {  	[smem:$0x3FB3] =	sst s9;
	s0 =	simm.s32 @!p0 $0x0  }
0x12: {  	s1 =	sld [smem:$0x3F99];
	s0 =	simm.s32 @p0 $0x1  }
0x13: {  	[smem:$0x3FB4] =	sst s0;
	s0 =	simm.s32 @!p1 $0x0  }
0x14: {  	s2 =	sld [smem:$0x3F98];
	s0 =	simm.s32 @p1 $0x1  }
0x15: {  	[smem:$0x3FB5] =	sst s0;
	s0 =	simm.s32 @!p2 $0x0  }
0x16: {  	s3 =	sld [smem:$0x3FDB];
	s0 =	simm.s32 @p2 $0x1  }
0x17: {  	s4 =	simm.s32 $0x1BF5;
	[smem:$0x3FB7] =	sst s0  }
0x18: {  	s0 =	sld [smem:$0x3F9A];
	_ =	swait.ge [sflag:s4], $0x0  }
0x19: {  	s7 =	sld [smem:$0x3F9B]  }
0x1a: {  	s8 =	sadd.s32 $0xFFFFE003, lr  }
0x1b: {  	s9 =	sadd.s32 $0xFFFFFEF7, lr;
	s5 =	simm.s32 $0xFFFFFFFF;
	p2 =	slt.u32 s8, $0xFFFFF086  }
0x1c: {  	p1 =	slt.u32 s9, $0xF7A;
	s5 =	simm.s32 @!p2 $0x0  }
0x1d: {  	s5 =	simm.s32 @p1 $0x1;
	p0 =	seq.s32 s7, s2  }
0x1e: {  	s7 =	smul.u32 @!p0 $0xF7A, s2;
	p2 =	seq.s32 @!p0 s5, $0x0  }
0x1f: {  	s9 =	smul.u32 $0xF7A, s1;
	s8 =	simm.s32 @!p0 $0x1BF5;
	p2 =	por !p2, p0  }
0x20: {  	[sflag:s8] =	ssyncset.s32 @!p0 $0xFFFFF086;
	s6 =	sadd.s32 @!p0 s3, s7;
	s7 =	simm.s32 @!p0 $0x108  }
0x21: {  	s3 =	sadd.s32 s3, s9;
	s6 =	sadd.s32 @!p0 $0x88, s6;
	s7 =	simm.s32 @p2 $0x1082  }
0x22: {  	[simem:s7], [sflag:s8] =	dma.local @!p0 [hbm:s6], $0xF7A  }
0x23: {  	s9 =	sor.u32 $0xD0000000, s2;
	s6 =	simm.s32 $0x108;
	_ =	swait.ge @!p0 [sflag:s8], $0x0  }
0x24: {  	s3 =	sadd.s32 $0x88, s3;
	s6 =	simm.s32 @!p1 $0x1082;
	[sflag:s4] =	ssyncset.s32 $0xFFFFF086  }
0x25: {  	[simem:s6], [sflag:s4] =	dma.local [hbm:s3], $0xF7A  }
0x26: {  	[smem:$0x3F9B] =	sst s1;
	(tag) =	ssettag s2;
	_ =	strace s9  }
0x27: {  	s1 =	sld [smem:$0x3FAB]  }
0x28: {  	s2 =	sld [smem:$0x3FAC]  }
0x29: {  	s4 =	sld [smem:$0x3FAE]  }
0x2a: {  	p0 =	seq.s32 s5, $0x0;
	s5 =	sld [smem:$0x3FAF]  }
0x2b: {  	s6 =	sld [smem:$0x3FB0]  }
0x2c: {  	s7 =	sld [smem:$0x3FB1]  }
0x2d: {  	s3 =	simm.s32 $0x108;
	s8 =	sld [smem:$0x3FB2]  }
0x2e: {  	s3 =	simm.s32 @!p0 $0x1082;
	s9 =	sld [smem:$0x3FB3]  }
0x2f: {  	lr =	sadd.s32 s0, s3;
	s0 =	sld [smem:$0x3FAA]  }
0x30: {  	s3 =	sld [smem:$0x3FAD]  }
0x31: {  	[smem:$0x3FB6] =	sst s10  }
0x32: {  	s10 =	sld [smem:$0x3FB4];
	_ =	sdelay $0x3  }
0x33: {  	p0 =	seq.s32 s10, $0x1;
	s10 =	sld [smem:$0x3FB6];
	_ =	sdelay $0x3  }
0x34: {  	[smem:$0x3FB6] =	sst s10  }
0x35: {  	s10 =	sld [smem:$0x3FB5];
	_ =	sdelay $0x3  }
0x36: {  	p1 =	seq.s32 s10, $0x1;
	s10 =	sld [smem:$0x3FB6];
	_ =	sdelay $0x3  }
0x37: {  	[smem:$0x3FB6] =	sst s10  }
0x38: {  	s10 =	sld [smem:$0x3FB7]  }
0x39: {  	_ = 	snop;
	(pc) =	sbr.ind lr, $3  }
0x3a: {  	_ = 	snop  }
0x3b: {  	_ = 	snop  }
0x3c: {  	p2 =	seq.s32 s10, $0x1;
	s10 =	sld [smem:$0x3FB6]  }
0x3d: {  	_ =	shalt  }
0x3e: {  	_ =	shalt  }
0x3f: {  	_ =	shalt  }
0x40: {  	_ =	shalt  }
0x41: {  	_ =	shalt  }
0x42: {  	_ =	shalt  }
0x43: {  	_ =	shalt  }
0x44: {  	_ =	shalt  }
0x45: {  	_ =	shalt  }
0x46: {  	_ =	shalt  }
0x47: {  	_ =	shalt  }
0x48: {  	_ =	shalt  }
0x49: {  	_ =	shalt  }
0x4a: {  	_ =	shalt  }
0x4b: {  	_ =	shalt  }
0x4c: {  	_ =	shalt  }
0x4d: {  	_ =	shalt  }
0x4e: {  	_ =	shalt  }
0x4f: {  	_ =	shalt  }
0x50: {  	_ =	shalt  }
0x51: {  	_ =	shalt  }
0x52: {  	_ =	shalt  }
0x53: {  	_ =	shalt  }
0x54: {  	_ =	shalt  }
0x55: {  	_ =	shalt  }
0x56: {  	_ =	shalt  }
0x57: {  	_ =	shalt  }
0x58: {  	_ =	shalt  }
0x59: {  	_ =	shalt  }
0x5a: {  	_ =	shalt  }
0x5b: {  	_ =	shalt  }
0x5c: {  	_ =	shalt  }
0x5d: {  	_ =	shalt  }
0x5e: {  	_ =	shalt  }
0x5f: {  	_ =	shalt  }
0x60: {  	_ =	shalt  }
0x61: {  	_ =	shalt  }
0x62: {  	_ =	shalt  }
0x63: {  	_ =	shalt  }
0x64: {  	_ =	shalt  }
0x65: {  	_ =	shalt  }
0x66: {  	_ =	shalt  }
0x67: {  	_ =	shalt  }
0x68: {  	_ =	shalt  }
0x69: {  	_ =	shalt  }
0x6a: {  	_ =	shalt  }
0x6b: {  	_ =	shalt  }
0x6c: {  	_ =	shalt  }
0x6d: {  	_ =	shalt  }
0x6e: {  	_ =	shalt  }
0x6f: {  	_ =	shalt  }
0x70: {  	_ =	shalt  }
0x71: {  	_ =	shalt  }
0x72: {  	_ =	shalt  }
0x73: {  	_ =	shalt  }
0x74: {  	_ =	shalt  }
0x75: {  	_ =	shalt  }
0x76: {  	_ =	shalt  }
0x77: {  	_ =	shalt  }
0x78: {  	_ =	shalt  }
0x79: {  	_ =	shalt  }
0x7a: {  	_ =	shalt  }
0x7b: {  	_ =	shalt  }
0x7c: {  	_ =	shalt  }
0x7d: {  	_ =	shalt  }
0x7e: {  	_ =	shalt  }
0x7f: {  	_ =	shalt  }
0x80: {  	_ =	shalt  }
0x81: {  	_ =	shalt  }
0x82: {  	_ =	shalt  }
0x83: {  	_ =	shalt  }
0x84: {  	_ =	shalt  }
0x85: {  	_ =	shalt  }
0x86: {  	_ =	shalt  }
0x87: {  	_ =	shalt  }
.Lfunc_end0:
.L_simem_size_0:
called_computation.1_lowered:
.L_overlay_start_0:
0x88: {  	s2 =	sld [smem:$0x3FD9]  }
0x89: {  	s3 =	sld [smem:$0x3FFE];
	_ =	sdelay $0x1  }
0x8a: {  	s1 =	srdreg.scid  }
0x8b: {  	s0 =	sand.u32 $0x1, s1  }
0x8c: {  	s17 =	sshll.u32 s0, $0xA;
	s2 =	sadd.s32 s3, s2  }
0x8d: {  	s2 =	sadd.s32 s2, s17  }
0x8e: {  	[smem:$0x3FC2] =	sst s2  }
0x8f: {  	_ = 	snop  }
0x90: {  	s2 =	sld [smem:$0x3FD0];
	(tm) =	ssettm $0x1  }
0x91: {  	s18 =	sld [smem:$0x3FFB];
	_ =	sdelay $0x3  }
0x92: {  	_ =	strace s18  }
0x93: {  	s3 =	sld [smem:$0x3FFC];
	_ =	sdelay $0x3  }
0x94: {  	_ =	strace s3  }
0x95: {  	s3 =	sld [smem:$0x3FFD];
	_ =	sdelay $0x3  }
0x96: {  	_ =	strace s3  }
0x97: {  	_ =	strace $0x8FFFFFFF  }
0x98: {  	s19 =	sld [smem:$0x3FDB];
	_ =	sdelay $0x1  }
0x99: {  	s4 =	simm.s32 $_scs_section_size  }
0x9a: {  	s5 =	simm.s32 $_size__tile_overlayer_lowered;
	s6 =	simm.s32 $_tile_overlayer_lowered  }
0x9b: {  	s22 =	simm.s32 $0x1BFF;
	s21 =	sshll.u32 s6, $0x1;
	s3 =	sadd.s32 s4, s19  }
0x9c: {  	s7 =	simm.s32 $0x0;
	s20 =	sshll.u32 s5, $0x1;
	s5 =	sadd.s32 s21, s3  }
0x9d: {  	[timem:s7], [sflag:s22] =	dma.local [hbm:s5], s20  }
0x9e: {  	_ =	swait.ge [sflag:s22], s20  }
0x9f: {  	s4 =	ssub.s32 $0x0, s20;
	[sflag:s22] =	ssyncset.done $0x0  }
0xa0: {  	[sflag:s22] =	ssyncadd.s32 s4;
	_ =	sdelay $0x1  }
0xa1: {  	s23 =	simm.s32 $0x1B8B  }
0xa2: {  	_ =	swait.ge [sflag:s23], $0x1  }
0xa3: {  	[sflag:s23] =	ssyncset.done $0x0  }
0xa4: {  	s25 =	simm.s32 $0x1B8E;
	s24 =	sld [smem:$0x3FFE];
	[sflag:s23] =	ssyncadd.s32 $0xFFFFFFFF  }
0xa5: {  	s26 =	simm.s32 $execute0_lowered;
	[smem:$0x3FD2] =	sst s25  }
0xa6: {  	s5 =	sshll.u32 s26, $0x1;
	_ =	strace $0x80000046;
	[dreg:$0x1] =	wrdreg $0xFFFFFFFF  }
0xa7: {  	s28 =	simm.s32 $_size_execute0_lowered;
	s3 =	sadd.s32 s3, s5;
	[dreg:$0x0] =	wrdreg $0x0  }
0xa8: {  	s5 =	sshll.u32 s28, $0x1;
	[dreg:$0x2] =	wrdreg s3  }
0xa9: {  	[dreg:$0x3] =	wrdreg s5  }
0xaa: {  	[dreg:$0x4] =	wrdreg $0xC0  }
0xab: {  	_ =	task [dreg:s7], $0x5FFFF  }
0xac: {  	[dreg:$0x1] =	wrdreg $0xFFFFFFFF  }
0xad: {  	[dreg:$0x0] =	wrdreg $0x60  }
0xae: {  	[dreg:$0x2] =	wrdreg s24  }
0xaf: {  	[dreg:$0x3] =	wrdreg s2  }
0xb0: {  	[dreg:$0x4] =	wrdreg $0x9  }
0xb1: {  	_ =	task.clear_ibuf [dreg:s7], $0x5FFFF;
	_ =	strace $0x90000046  }
0xb2: {  	s29 =	simm.s32 $0x9;
	_ =	strace $0x80000048  }
0xb3: {  	_ =	swait.ge [sflag:s29], $0x1  }
0xb4: {  	[sflag:s29] =	ssyncadd.s32 $0xFFFFFFFF  }
0xb5: {  	_ =	strace $0x90000048  }
0xb6: {  	_ =	sfence  }
0xb7: {  	s30 =	sld [smem:$0x0];
	_ =	sdelay $0x2  }
0xb8: {  	s31 =	sshll.u32 s1, $0xD;
	s1 =	sshrl.u32 s1, $0x2  }
0xb9: {  	s3 =	sand.u32 $0x4000, s31;
	s1 =	sadd.s32 s1, s30  }
0xba: {  	s0 =	sor.u32 s3, s0;
	s1 =	sshll.u32 s1, $0x11  }
0xbb: {  	s0 =	sor.u32 s1, s0  }
0xbc: {  	s0 =	sadd.s32 $0x8F2B, s0  }
0xbd: {  	[sflag:s0] =	ssyncadd.remote.s32 $0x1  }
0xbe: {  	_ =	sfence.sel $0xFFFF  }
0xbf: {  	[dreg:$0x0] =	wrdreg $0xFFFFFFFF;
	(pc) =	sbr.abs _section_cstart, $3  }
0xc0: {  	[dreg:$0x1] =	wrdreg $0xFFFFFFFF  }
0xc1: {  	_ =	task.clear_ibuf [dreg:s7], $0x2FFFF;
	_ =	strace $0x9FFFFFFF  }
0xc2: {  	(tm) =	ssettm $0x7FFFFFFF  }
0xc3: {  	_ =	shalt  }
tec
execute0_lowered:
.L_overlay_start_1:
0x0: {  	(tag) =	ssettag $0x1  }
0x1: {  	s0 =	rddreg [dreg:$0x0];
	s1 =	srdreg.scid  }
0x2: {  	s2 =	stileid.u32;
	s6 =	rddreg [dreg:$0x1];
	s9 =	simm.s32 $0xF800  }
0x3: {  	s10 =	simm.s32 $0x10000;
	s1 =	sand.u32 $0x1, s1;
	s3 =	sshll.u32 s2, $0x1  }
0x4: {  	s11 =	simm.s32 $0x10800;
	s12 =	simm.s32 $0x11000;
	s3 =	sor.u32 s1, s3  }
0x5: {  	s13 =	simm.s32 $0x11800;
	s14 =	simm.s32 $0x12000;
	s3 =	smul.u32 $0x700, s3  }
0x6: {  	s28 =	simm.s32 $0x14800;
	s29 =	simm.s32 $0x15000;
	s30 =	simm.s32 $0x1  }
0x7: {  	s31 =	simm.s32 $0xB800;
	s2 =	simm.s32 $0x0;
	s7 =	sshrl.u32 s3, $0x3  }
0x8: {  	[smem:$0x7FF] =	sst s2;
	s8 =	sadd.s32 s7, s0;
	s19 =	sadd.s32 s6, s7  }
0x9: {  	_ =	strace $0x80000047;
	[dreg:$0x3] =	wrdreg s19;
	s20 =	sadd.s32 $0xC00, s8  }
0xa: {  	s4 =	sadd.s32 $0xD000, s0;
	s21 =	sadd.s32 $0x2800, s8;
	[dreg:$0x4] =	wrdreg s20  }
0xb: {  	s5 =	sadd.s32 $0x2B5000, s0;
	s22 =	sadd.s32 $0x4400, s8;
	[dreg:$0x5] =	wrdreg s21  }
0xc: {  	s1 =	ssub.s32 $0x2, s1;
	s23 =	sadd.s32 $0x6000, s8;
	[dreg:$0x6] =	wrdreg s22  }
0xd: {  	s18 =	sshrl.u32 s1, $0x1;
	s24 =	sadd.s32 $0x7C00, s8;
	[dreg:$0x7] =	wrdreg s23  }
0xe: {  	s0 =	ssub.s32 s1, s18;
	s25 =	sadd.s32 $0x9800, s8;
	[dreg:$0x8] =	wrdreg s24  }
0xf: {  	s1 =	simm.s32 $0x2;
	s26 =	sadd.s32 $0xB400, s8;
	[dreg:$0x9] =	wrdreg s25  }
0x10: {  	v2 =	vlaneseq.u32;
	s0 =	smax.u32 s0, $0x1;
	s8 =	simm.s32 $0x0;
	[dreg:$0xa] =	wrdreg s26  }
0x11: {  	vm0 =	vmmov $0xffff;
	v1 =	vshrl.u32 v2, $0x3;
	[dreg:$0xb] =	wrdreg s0;
	s23 =	simm.s32 $0x12800;
	s24 =	simm.s32 $0x13000  }
0x12: {  	v0 =	vand.u32 $0x7, v2;
	v2 =	vor.u32 $0x8, v2;
	v1 =	vmul.u32 $0x8, v1;
	s25 =	simm.s32 $0x13800;
	s26 =	simm.s32 $0x14000;
	s0 =	simm.s32 $0x15800  }
.LBB2_1:
0x13: {  	[dreg:$0xc] =	wrdreg s8  }
0x14: {  	s6 =	rddreg [dreg:$0x3];
	s7 =	simm.s32 $0x5  }
0x15: {  	[tilespmem:s2], [sflag:$0x5] =	stream.linear.gather [hbm4b:s6+s2], $0x700, $0x38;
	[tilespmem:$0x17800] =	vst v63  }
0x16: {  	_ =	swait.ge [sflag:s7], $0x700  }
0x17: {  	[sflag:s7] =	ssyncset.done $0x0  }
0x18: {  	s20 =	simm.s32 $0x700;
	s19 =	rddreg [dreg:$0x4];
	[sflag:s7] =	ssyncadd.s32 $0xFFFFF900  }
0x19: {  	[tilespmem:s20], [sflag:$0x5] =	stream.linear.gather [hbm4b:s19+s2], $0x700, $0x38;
	[tilespmem:$0x17800] =	vst v63  }
0x1a: {  	_ =	swait.ge [sflag:s7], $0x700  }
0x1b: {  	[sflag:s7] =	ssyncset.done $0x0  }
0x1c: {  	s22 =	simm.s32 $0xE00;
	s21 =	rddreg [dreg:$0x5];
	[sflag:s7] =	ssyncadd.s32 $0xFFFFF900  }
0x1d: {  	[tilespmem:s22], [sflag:$0x5] =	stream.linear.gather [hbm4b:s21+s2], $0x700, $0x38;
	[tilespmem:$0x17800] =	vst v63  }
0x1e: {  	_ =	swait.ge [sflag:s7], $0x700  }
0x1f: {  	[sflag:s7] =	ssyncset.done $0x0  }
0x20: {  	s16 =	simm.s32 $0x1500;
	s15 =	rddreg [dreg:$0x6];
	[sflag:s7] =	ssyncadd.s32 $0xFFFFF900  }
0x21: {  	[tilespmem:s16], [sflag:$0x5] =	stream.linear.gather [hbm4b:s15+s2], $0x700, $0x38;
	[tilespmem:$0x17800] =	vst v63  }
0x22: {  	_ =	swait.ge [sflag:s7], $0x700  }
0x23: {  	[sflag:s7] =	ssyncset.done $0x0  }
0x24: {  	s18 =	simm.s32 $0x1C00;
	s17 =	rddreg [dreg:$0x7];
	[sflag:s7] =	ssyncadd.s32 $0xFFFFF900  }
0x25: {  	[tilespmem:s18], [sflag:$0x5] =	stream.linear.gather [hbm4b:s17+s2], $0x700, $0x38;
	[tilespmem:$0x17800] =	vst v63  }
0x26: {  	_ =	swait.ge [sflag:s7], $0x700  }
0x27: {  	[sflag:s7] =	ssyncset.done $0x0  }
0x28: {  	s20 =	simm.s32 $0x2300;
	s19 =	rddreg [dreg:$0x8];
	[sflag:s7] =	ssyncadd.s32 $0xFFFFF900  }
0x29: {  	[tilespmem:s20], [sflag:$0x5] =	stream.linear.gather [hbm4b:s19+s2], $0x700, $0x38;
	[tilespmem:$0x17800] =	vst v63  }
0x2a: {  	_ =	swait.ge [sflag:s7], $0x700  }
0x2b: {  	[sflag:s7] =	ssyncset.done $0x0  }
0x2c: {  	s22 =	simm.s32 $0x2A00;
	s21 =	rddreg [dreg:$0x9];
	[sflag:s7] =	ssyncadd.s32 $0xFFFFF900  }
0x2d: {  	[tilespmem:s22], [sflag:$0x5] =	stream.linear.gather [hbm4b:s21+s2], $0x700, $0x38;
	[tilespmem:$0x17800] =	vst v63  }
0x2e: {  	_ =	swait.ge [sflag:s7], $0x700  }
0x2f: {  	[sflag:s7] =	ssyncset.done $0x0  }
0x30: {  	s16 =	simm.s32 $0x3100;
	s15 =	rddreg [dreg:$0xa];
	[sflag:s7] =	ssyncadd.s32 $0xFFFFF900  }
0x31: {  	[tilespmem:s16], [sflag:$0x5] =	stream.linear.gather [hbm4b:s15+s2], $0x700, $0x38;
	[tilespmem:$0x17800] =	vst v63  }
0x32: {  	_ =	swait.ge [sflag:s7], $0x700  }
0x33: {  	[sflag:s7] =	ssyncset.done $0x0  }
0x34: {  	[sflag:s7] =	ssyncadd.s32 $0xFFFFF900  }
0x35: {  	v3 =	vld [tilespmem:$0x0];
	_ =	sdelay $0x4  }
0x36: {  	v4 =	vshll.u32 v3, $0x1  }
0x37: {  	v3 =	vand.u32 $0x7, v3;
	v4 =	vand.u32 $0xFFFFFFF0, v4  }
0x38: {  	v3 =	vor.u32 v3, v4  }
0x39: {  	v4 =	vperm.xlane v3, v0;
	_ =	sdelay $0x1  }
0x3a: {  	v3 =	vperm.xlane v3, v2;
	v4 =	vadd.s32 v1, v4;
	_ =	sdelay $0x1  }
0x3b: {  	v3 =	vadd.s32 v1, v3;
	_ =	sdelay $0x1  }
0x3c: {  	s17 =	simm.s32 $0x3800  }
0x3d: {  	[tilespmem:s17], [sflag:$0x1] =	stream.indirect_vreg.gather [hbm4b:s4+s2], $0x80, v4, vm0, $0xb8;
	[tilespmem:$0x17800] =	vst v63  }
0x3e: {  	s18 =	simm.s32 $0x4000  }
0x3f: {  	[tilespmem:s18], [sflag:$0x1] =	stream.indirect_vreg.gather [hbm4b:s4+s2], $0x80, v3, vm0, $0xb8;
	[tilespmem:$0x17800] =	vst v63  }
0x40: {  	v3 =	vld [tilespmem:$0x10];
	_ =	sdelay $0x4  }
0x41: {  	v57 =	vshll.u32 v3, $0x1  }
0x42: {  	v3 =	vand.u32 $0x7, v3;
	v4 =	vand.u32 $0xFFFFFFF0, v57  }
0x43: {  	v3 =	vor.u32 v3, v4  }
0x44: {  	v4 =	vperm.xlane v3, v0;
	_ =	sdelay $0x1  }
0x45: {  	v3 =	vperm.xlane v3, v2;
	v4 =	vadd.s32 v1, v4;
	_ =	sdelay $0x1  }
0x46: {  	v3 =	vadd.s32 v1, v3;
	_ =	sdelay $0x1  }
0x47: {  	s19 =	simm.s32 $0x4800  }
0x48: {  	[tilespmem:s19], [sflag:$0x1] =	stream.indirect_vreg.gather [hbm4b:s4+s2], $0x80, v4, vm0, $0xb8;
	[tilespmem:$0x17800] =	vst v63  }
0x49: {  	s20 =	simm.s32 $0x5000  }
0x4a: {  	[tilespmem:s20], [sflag:$0x1] =	stream.indirect_vreg.gather [hbm4b:s4+s2], $0x80, v3, vm0, $0xb8;
	[tilespmem:$0x17800] =	vst v63  }
0x4b: {  	v3 =	vld [tilespmem:$0x700];
	_ =	sdelay $0x4  }
0x4c: {  	v58 =	vshll.u32 v3, $0x1  }
0x4d: {  	v3 =	vand.u32 $0x7, v3;
	v4 =	vand.u32 $0xFFFFFFF0, v58  }
0x4e: {  	v3 =	vor.u32 v3, v4  }
0x4f: {  	v4 =	vperm.xlane v3, v0;
	_ =	sdelay $0x1  }
0x50: {  	v3 =	vperm.xlane v3, v2;
	v4 =	vadd.s32 v1, v4;
	_ =	sdelay $0x1  }
0x51: {  	v3 =	vadd.s32 v1, v3;
	_ =	sdelay $0x1  }
0x52: {  	s21 =	simm.s32 $0x5800  }
0x53: {  	[tilespmem:s21], [sflag:$0x1] =	stream.indirect_vreg.gather [hbm4b:s4+s2], $0x80, v4, vm0, $0xb8;
	[tilespmem:$0x17800] =	vst v63  }
0x54: {  	s22 =	simm.s32 $0x6000  }
0x55: {  	[tilespmem:s22], [sflag:$0x1] =	stream.indirect_vreg.gather [hbm4b:s4+s2], $0x80, v3, vm0, $0xb8;
	[tilespmem:$0x17800] =	vst v63  }
0x56: {  	v3 =	vld [tilespmem:$0x710];
	_ =	sdelay $0x4  }
0x57: {  	v59 =	vshll.u32 v3, $0x1  }
0x58: {  	v3 =	vand.u32 $0x7, v3;
	v4 =	vand.u32 $0xFFFFFFF0, v59  }
0x59: {  	v3 =	vor.u32 v3, v4  }
0x5a: {  	v4 =	vperm.xlane v3, v0;
	_ =	sdelay $0x1  }
0x5b: {  	v3 =	vperm.xlane v3, v2;
	v4 =	vadd.s32 v1, v4;
	_ =	sdelay $0x1  }
0x5c: {  	v3 =	vadd.s32 v1, v3;
	_ =	sdelay $0x1  }
0x5d: {  	s7 =	simm.s32 $0x6800  }
0x5e: {  	[tilespmem:s7], [sflag:$0x1] =	stream.indirect_vreg.gather [hbm4b:s4+s2], $0x80, v4, vm0, $0xb8;
	[tilespmem:$0x17800] =	vst v63  }
0x5f: {  	s8 =	simm.s32 $0x7000  }
0x60: {  	[tilespmem:s8], [sflag:$0x1] =	stream.indirect_vreg.gather [hbm4b:s4+s2], $0x80, v3, vm0, $0xb8;
	[tilespmem:$0x17800] =	vst v63  }
0x61: {  	v3 =	vld [tilespmem:$0xE00];
	_ =	sdelay $0x4  }
0x62: {  	v60 =	vshll.u32 v3, $0x1  }
0x63: {  	v3 =	vand.u32 $0x7, v3;
	v4 =	vand.u32 $0xFFFFFFF0, v60  }
0x64: {  	v3 =	vor.u32 v3, v4  }
0x65: {  	v4 =	vperm.xlane v3, v0;
	_ =	sdelay $0x1  }
0x66: {  	v3 =	vperm.xlane v3, v2;
	v4 =	vadd.s32 v1, v4;
	_ =	sdelay $0x1  }
0x67: {  	v3 =	vadd.s32 v1, v3;
	_ =	sdelay $0x1  }
0x68: {  	s15 =	simm.s32 $0x7800  }
0x69: {  	[tilespmem:s15], [sflag:$0x1] =	stream.indirect_vreg.gather [hbm4b:s4+s2], $0x80, v4, vm0, $0xb8;
	[tilespmem:$0x17800] =	vst v63  }
0x6a: {  	s16 =	simm.s32 $0x8000  }
0x6b: {  	[tilespmem:s16], [sflag:$0x1] =	stream.indirect_vreg.gather [hbm4b:s4+s2], $0x80, v3, vm0, $0xb8;
	[tilespmem:$0x17800] =	vst v63  }
0x6c: {  	v3 =	vld [tilespmem:$0xE10];
	_ =	sdelay $0x4  }
0x6d: {  	v61 =	vshll.u32 v3, $0x1  }
0x6e: {  	v3 =	vand.u32 $0x7, v3;
	v4 =	vand.u32 $0xFFFFFFF0, v61  }
0x6f: {  	v3 =	vor.u32 v3, v4  }
0x70: {  	v4 =	vperm.xlane v3, v0;
	_ =	sdelay $0x1  }
0x71: {  	v3 =	vperm.xlane v3, v2;
	v4 =	vadd.s32 v1, v4;
	_ =	sdelay $0x1  }
0x72: {  	v3 =	vadd.s32 v1, v3;
	_ =	sdelay $0x1  }
0x73: {  	s17 =	simm.s32 $0x8800  }
0x74: {  	[tilespmem:s17], [sflag:$0x1] =	stream.indirect_vreg.gather [hbm4b:s4+s2], $0x80, v4, vm0, $0xb8;
	[tilespmem:$0x17800] =	vst v63  }
0x75: {  	s18 =	simm.s32 $0x9000  }
0x76: {  	[tilespmem:s18], [sflag:$0x1] =	stream.indirect_vreg.gather [hbm4b:s4+s2], $0x80, v3, vm0, $0xb8;
	[tilespmem:$0x17800] =	vst v63  }
0x77: {  	v3 =	vld [tilespmem:$0x1500];
	_ =	sdelay $0x4  }
0x78: {  	v62 =	vshll.u32 v3, $0x1  }
0x79: {  	v3 =	vand.u32 $0x7, v3;
	v4 =	vand.u32 $0xFFFFFFF0, v62  }
0x7a: {  	v3 =	vor.u32 v3, v4  }
0x7b: {  	v4 =	vperm.xlane v3, v0;
	_ =	sdelay $0x1  }
0x7c: {  	v3 =	vperm.xlane v3, v2;
	v4 =	vadd.s32 v1, v4;
	_ =	sdelay $0x1  }
0x7d: {  	v3 =	vadd.s32 v1, v3;
	_ =	sdelay $0x1  }
0x7e: {  	s19 =	simm.s32 $0x9800  }
0x7f: {  	[tilespmem:s19], [sflag:$0x1] =	stream.indirect_vreg.gather [hbm4b:s4+s2], $0x80, v4, vm0, $0xb8;
	[tilespmem:$0x17800] =	vst v63  }
0x80: {  	s20 =	simm.s32 $0xA000  }
0x81: {  	[tilespmem:s20], [sflag:$0x1] =	stream.indirect_vreg.gather [hbm4b:s4+s2], $0x80, v3, vm0, $0xb8;
	[tilespmem:$0x17800] =	vst v63  }
0x82: {  	v3 =	vld [tilespmem:$0x1510];
	_ =	sdelay $0x4  }
0x83: {  	v63 =	vshll.u32 v3, $0x1  }
0x84: {  	v3 =	vand.u32 $0x7, v3;
	v4 =	vand.u32 $0xFFFFFFF0, v63  }
0x85: {  	v3 =	vor.u32 v3, v4  }
0x86: {  	v4 =	vperm.xlane v3, v0;
	_ =	sdelay $0x1  }
0x87: {  	v3 =	vperm.xlane v3, v2;
	v4 =	vadd.s32 v1, v4;
	_ =	sdelay $0x1  }
0x88: {  	v3 =	vadd.s32 v1, v3;
	_ =	sdelay $0x1  }
0x89: {  	s21 =	simm.s32 $0xA800  }
0x8a: {  	[tilespmem:s21], [sflag:$0x1] =	stream.indirect_vreg.gather [hbm4b:s4+s2], $0x80, v4, vm0, $0xb8;
	[tilespmem:$0x17800] =	vst v63  }
0x8b: {  	s22 =	simm.s32 $0xB000;
	s16 =	simm.s32 $0x0  }
0x8c: {  	[tilespmem:s22], [sflag:$0x1] =	stream.indirect_vreg.gather [hbm4b:s4+s2], $0x80, v3, vm0, $0xb8;
	[tilespmem:$0x17800] =	vst v63  }
.LBB2_2:
0x8d: {  	s18 =	sshll.u32 s16, $0x6  }
0x8e: {  	v3 =	vld [tilespmem:s18+$0x20];
	_ =	sdelay $0x4  }
0x8f: {  	v4 =	vshll.u32 v3, $0x1  }
0x90: {  	v3 =	vand.u32 $0x7, v3;
	v4 =	vand.u32 $0xFFFFFFF0, v4  }
0x91: {  	v3 =	vor.u32 v3, v4  }
0x92: {  	v4 =	vperm.xlane v3, v0;
	_ =	sdelay $0x1  }
0x93: {  	v3 =	vperm.xlane v3, v2;
	v4 =	vadd.s32 v1, v4;
	_ =	sdelay $0x1  }
0x94: {  	v3 =	vadd.s32 v1, v3;
	_ =	sdelay $0x1  }
0x95: {  	s6 =	simm.s32 $0xD800  }
0x96: {  	[tilespmem:s6], [sflag:$0x2] =	stream.indirect_vreg.gather [hbm4b:s4+s2], $0x80, v4, vm0, $0xb8;
	[tilespmem:$0x17800] =	vst v63  }
0x97: {  	s20 =	simm.s32 $0xE000  }
0x98: {  	[tilespmem:s20], [sflag:$0x2] =	stream.indirect_vreg.gather [hbm4b:s4+s2], $0x80, v3, vm0, $0xb8;
	[tilespmem:$0x17800] =	vst v63  }
0x99: {  	v3 =	vld [tilespmem:s18+$0x30];
	_ =	sdelay $0x4  }
0x9a: {  	v57 =	vshll.u32 v3, $0x1  }
0x9b: {  	v3 =	vand.u32 $0x7, v3;
	v4 =	vand.u32 $0xFFFFFFF0, v57  }
0x9c: {  	v3 =	vor.u32 v3, v4  }
0x9d: {  	v4 =	vperm.xlane v3, v0;
	_ =	sdelay $0x1  }
0x9e: {  	v3 =	vperm.xlane v3, v2;
	v4 =	vadd.s32 v1, v4;
	_ =	sdelay $0x1  }
0x9f: {  	v3 =	vadd.s32 v1, v3;
	_ =	sdelay $0x1  }
0xa0: {  	s21 =	simm.s32 $0xE800  }
0xa1: {  	[tilespmem:s21], [sflag:$0x2] =	stream.indirect_vreg.gather [hbm4b:s4+s2], $0x80, v4, vm0, $0xb8;
	[tilespmem:$0x17800] =	vst v63  }
0xa2: {  	s22 =	simm.s32 $0xF000  }
0xa3: {  	[tilespmem:s22], [sflag:$0x2] =	stream.indirect_vreg.gather [hbm4b:s4+s2], $0x80, v3, vm0, $0xb8;
	[tilespmem:$0x17800] =	vst v63  }
0xa4: {  	v3 =	vld [tilespmem:s18+$0x720];
	_ =	sdelay $0x4  }
0xa5: {  	v58 =	vshll.u32 v3, $0x1  }
0xa6: {  	v3 =	vand.u32 $0x7, v3;
	v4 =	vand.u32 $0xFFFFFFF0, v58  }
0xa7: {  	v3 =	vor.u32 v3, v4  }
0xa8: {  	v4 =	vperm.xlane v3, v0;
	_ =	sdelay $0x1  }
0xa9: {  	v3 =	vperm.xlane v3, v2;
	v4 =	vadd.s32 v1, v4;
	_ =	sdelay $0x1  }
0xaa: {  	v3 =	vadd.s32 v1, v3;
	_ =	sdelay $0x2  }
0xab: {  	[tilespmem:s9], [sflag:$0x2] =	stream.indirect_vreg.gather [hbm4b:s4+s2], $0x80, v4, vm0, $0xb8;
	[tilespmem:$0x17800] =	vst v63  }
0xac: {  	_ = 	snop  }
0xad: {  	[tilespmem:s10], [sflag:$0x2] =	stream.indirect_vreg.gather [hbm4b:s4+s2], $0x80, v3, vm0, $0xb8;
	[tilespmem:$0x17800] =	vst v63  }
0xae: {  	v3 =	vld [tilespmem:s18+$0x730];
	_ =	sdelay $0x4  }
0xaf: {  	v59 =	vshll.u32 v3, $0x1  }
0xb0: {  	v3 =	vand.u32 $0x7, v3;
	v4 =	vand.u32 $0xFFFFFFF0, v59  }
0xb1: {  	v3 =	vor.u32 v3, v4  }
0xb2: {  	v4 =	vperm.xlane v3, v0;
	_ =	sdelay $0x1  }
0xb3: {  	v3 =	vperm.xlane v3, v2;
	v4 =	vadd.s32 v1, v4;
	_ =	sdelay $0x1  }
0xb4: {  	v3 =	vadd.s32 v1, v3;
	_ =	sdelay $0x2  }
0xb5: {  	[tilespmem:s11], [sflag:$0x2] =	stream.indirect_vreg.gather [hbm4b:s4+s2], $0x80, v4, vm0, $0xb8;
	[tilespmem:$0x17800] =	vst v63  }
0xb6: {  	_ = 	snop  }
0xb7: {  	[tilespmem:s12], [sflag:$0x2] =	stream.indirect_vreg.gather [hbm4b:s4+s2], $0x80, v3, vm0, $0xb8;
	[tilespmem:$0x17800] =	vst v63  }
0xb8: {  	v3 =	vld [tilespmem:s18+$0xE20];
	_ =	sdelay $0x4  }
0xb9: {  	v60 =	vshll.u32 v3, $0x1  }
0xba: {  	v3 =	vand.u32 $0x7, v3;
	v4 =	vand.u32 $0xFFFFFFF0, v60  }
0xbb: {  	v3 =	vor.u32 v3, v4  }
0xbc: {  	v4 =	vperm.xlane v3, v0;
	_ =	sdelay $0x1  }
0xbd: {  	v3 =	vperm.xlane v3, v2;
	v4 =	vadd.s32 v1, v4;
	_ =	sdelay $0x1  }
0xbe: {  	v3 =	vadd.s32 v1, v3;
	_ =	sdelay $0x2  }
0xbf: {  	[tilespmem:s13], [sflag:$0x2] =	stream.indirect_vreg.gather [hbm4b:s4+s2], $0x80, v4, vm0, $0xb8;
	[tilespmem:$0x17800] =	vst v63  }
0xc0: {  	_ = 	snop  }
0xc1: {  	[tilespmem:s14], [sflag:$0x2] =	stream.indirect_vreg.gather [hbm4b:s4+s2], $0x80, v3, vm0, $0xb8;
	[tilespmem:$0x17800] =	vst v63  }
0xc2: {  	v3 =	vld [tilespmem:s18+$0xE30];
	_ =	sdelay $0x4  }
0xc3: {  	v61 =	vshll.u32 v3, $0x1  }
0xc4: {  	v3 =	vand.u32 $0x7, v3;
	v4 =	vand.u32 $0xFFFFFFF0, v61  }
0xc5: {  	v3 =	vor.u32 v3, v4  }
0xc6: {  	v4 =	vperm.xlane v3, v0;
	_ =	sdelay $0x1  }
0xc7: {  	v3 =	vperm.xlane v3, v2;
	v4 =	vadd.s32 v1, v4;
	_ =	sdelay $0x1  }
0xc8: {  	v3 =	vadd.s32 v1, v3;
	_ =	sdelay $0x2  }
0xc9: {  	[tilespmem:s23], [sflag:$0x2] =	stream.indirect_vreg.gather [hbm4b:s4+s2], $0x80, v4, vm0, $0xb8;
	[tilespmem:$0x17800] =	vst v63  }
0xca: {  	_ = 	snop  }
0xcb: {  	[tilespmem:s24], [sflag:$0x2] =	stream.indirect_vreg.gather [hbm4b:s4+s2], $0x80, v3, vm0, $0xb8;
	[tilespmem:$0x17800] =	vst v63  }
0xcc: {  	v3 =	vld [tilespmem:s18+$0x1520];
	_ =	sdelay $0x4  }
0xcd: {  	v62 =	vshll.u32 v3, $0x1  }
0xce: {  	v3 =	vand.u32 $0x7, v3;
	v4 =	vand.u32 $0xFFFFFFF0, v62  }
0xcf: {  	v3 =	vor.u32 v3, v4  }
0xd0: {  	v4 =	vperm.xlane v3, v0;
	_ =	sdelay $0x1  }
0xd1: {  	v3 =	vperm.xlane v3, v2;
	v4 =	vadd.s32 v1, v4;
	_ =	sdelay $0x1  }
0xd2: {  	v3 =	vadd.s32 v1, v3;
	_ =	sdelay $0x2  }
0xd3: {  	[tilespmem:s25], [sflag:$0x2] =	stream.indirect_vreg.gather [hbm4b:s4+s2], $0x80, v4, vm0, $0xb8;
	[tilespmem:$0x17800] =	vst v63  }
0xd4: {  	_ = 	snop  }
0xd5: {  	[tilespmem:s26], [sflag:$0x2] =	stream.indirect_vreg.gather [hbm4b:s4+s2], $0x80, v3, vm0, $0xb8;
	[tilespmem:$0x17800] =	vst v63  }
0xd6: {  	v3 =	vld [tilespmem:s18+$0x1530];
	_ =	sdelay $0x4  }
0xd7: {  	v63 =	vshll.u32 v3, $0x1  }
0xd8: {  	v3 =	vand.u32 $0x7, v3;
	v4 =	vand.u32 $0xFFFFFFF0, v63  }
0xd9: {  	v3 =	vor.u32 v3, v4  }
0xda: {  	v4 =	vperm.xlane v3, v0;
	_ =	sdelay $0x1  }
0xdb: {  	v3 =	vperm.xlane v3, v2;
	v4 =	vadd.s32 v1, v4;
	_ =	sdelay $0x1  }
0xdc: {  	v3 =	vadd.s32 v1, v3;
	_ =	sdelay $0x2  }
0xdd: {  	[tilespmem:s28], [sflag:$0x2] =	stream.indirect_vreg.gather [hbm4b:s4+s2], $0x80, v4, vm0, $0xb8;
	[tilespmem:$0x17800] =	vst v63  }
0xde: {  	_ = 	snop  }
0xdf: {  	[tilespmem:s29], [sflag:$0x2] =	stream.indirect_vreg.gather [hbm4b:s4+s2], $0x80, v3, vm0, $0xb8;
	[tilespmem:$0x17800] =	vst v63  }
0xe0: {  	_ =	swait.ge [sflag:s30], $0x2000  }
0xe1: {  	[sflag:s30] =	ssyncset.done $0x0  }
0xe2: {  	[sflag:s30] =	ssyncadd.s32 $0xFFFFE000  }
0xe3: {  	_ =	swait.ge [sflag:s30], $0x2000  }
0xe4: {  	[sflag:s30] =	ssyncset.done $0x0  }
0xe5: {  	[sflag:s30] =	ssyncadd.s32 $0xFFFFE000  }
0xe6: {  	_ =	swait.ge [sflag:s30], $0x2000  }
0xe7: {  	[sflag:s30] =	ssyncset.done $0x0  }
0xe8: {  	[sflag:s30] =	ssyncadd.s32 $0xFFFFE000  }
0xe9: {  	_ =	swait.ge [sflag:s30], $0x2000  }
0xea: {  	p0 =	seq.s32 s16, $0x0;
	[sflag:s30] =	ssyncset.done $0x0  }
0xeb: {  	s6 =	simm.s32 @!p0 $0x3;
	[sflag:s30] =	ssyncadd.s32 $0xFFFFE000  }
0xec: {  	_ =	swait.ge @!p0 [sflag:s6], $0x2000  }
0xed: {  	s19 =	simm.s32 $0x0;
	p2 =	por $0x1, $0x1;
	[sflag:s6] =	ssyncset.done @!p0 $0x0  }
0xee: {  	s17 =	sor.u32 $0x20, s18;
	[sflag:s6] =	ssyncadd.s32 @!p0 $0xFFFFE000;
	s6 =	simm.s32 $0x0  }
.LBB2_3:
0xef: {  	s7 =	sor.u32 s18, s6  }
0xf0: {  	v6 =	vld [tilespmem:s7+$0x1C00]  }
0xf1: {  	s22 =	sshll.u32 s6, $0x8;
	v5 =	vld [tilespmem:s7+$0x2300]  }
0xf2: {  	s20 =	sand.u32 $0x380, s19;
	v4 =	vld [tilespmem:s7+$0x2A00];
	s15 =	sand.u32 $0x1800, s22  }
0xf3: {  	v3 =	vld [tilespmem:s7+$0x3100];
	s20 =	sor.u32 s20, s15  }
0xf4: {  	v7 =	vld [tilespmem:s20+$0x3C70]  }
0xf5: {  	v9 =	vld [tilespmem:s20+$0x5C70]  }
0xf6: {  	v10 =	vld [tilespmem:s20+$0x3800]  }
0xf7: {  	v12 =	vld [tilespmem:s20+$0x7C70]  }
0xf8: {  	v13 =	vld [tilespmem:s20+$0x5800]  }
0xf9: {  	v16 =	vld [tilespmem:s20+$0x9C70]  }
0xfa: {  	v17 =	vld [tilespmem:s20+$0x3810]  }
0xfb: {  	v19 =	vld [tilespmem:s20+$0x5810]  }
0xfc: {  	v20 =	vld [tilespmem:s20+$0x3820]  }
0xfd: {  	v21 =	vld [tilespmem:s20+$0x3840]  }
0xfe: {  	v22 =	vld [tilespmem:s20+$0x3850]  }
0xff: {  	v23 =	vld [tilespmem:s20+$0x3860]  }
0x100: {  	v24 =	vld [tilespmem:s20+$0x5860]  }
0x101: {  	v25 =	vld [tilespmem:s20+$0x3870]  }
0x102: {  	v26 =	vld [tilespmem:s20+$0x5870]  }
0x103: {  	v27 =	vld [tilespmem:s20+$0x3C00]  }
0x104: {  	v28 =	vld [tilespmem:s20+$0x5C00]  }
0x105: {  	v29 =	vld [tilespmem:s20+$0x3C10]  }
0x106: {  	v30 =	vld [tilespmem:s20+$0x5C10]  }
0x107: {  	v31 =	vld [tilespmem:s20+$0x3C20]  }
0x108: {  	v32 =	vld [tilespmem:s20+$0x5C20]  }
0x109: {  	v33 =	vld [tilespmem:s20+$0x3C30]  }
0x10a: {  	v8 =	vmov s19;
	v34 =	vld [tilespmem:s20+$0x5C30]  }
0x10b: {  	v8 =	vand.u32 $0xF, v8;
	v35 =	vld [tilespmem:s20+$0x3C40]  }
0x10c: {  	v11 =	vbroadcast v8, $0x0;
	v36 =	vld [tilespmem:s20+$0x5C40]  }
0x10d: {  	v37 =	vld [tilespmem:s20+$0x3C50]  }
0x10e: {  	v38 =	vld [tilespmem:s20+$0x5C50];
	v14 =	vperm.xlane v6, v11;
	v15 =	vperm.xlane v5, v11  }
0x10f: {  	v39 =	vld [tilespmem:s20+$0x3C60];
	v8 =	vperm.xlane v4, v11  }
0x110: {  	v40 =	vld [tilespmem:s20+$0x5C60];
	v18 =	vmul.f32 v7, v14;
	v9 =	vmul.f32 v9, v15  }
0x111: {  	v41 =	vld [tilespmem:s20+$0x7800];
	v7 =	vperm.xlane v3, v11;
	v11 =	vmul.f32 v12, v8  }
0x112: {  	v42 =	vld [tilespmem:s20+$0x7810];
	v10 =	vmul.f32 v10, v14;
	v13 =	vmul.f32 v13, v15  }
0x113: {  	v43 =	vld [tilespmem:s20+$0x7820];
	v17 =	vmul.f32 v17, v14;
	v19 =	vmul.f32 v19, v15  }
0x114: {  	v45 =	vld [tilespmem:s20+$0x7840];
	v52 =	vmul.f32 v26, v15;
	v53 =	vmul.f32 v28, v15  }
0x115: {  	v60 =	vld [tilespmem:s20+$0x9800];
	v54 =	vmul.f32 v29, v14;
	v55 =	vmul.f32 v30, v15;
	v9 =	vadd.f32 v9, v18  }
0x116: {  	v12 =	vld [tilespmem:s20+$0x5820];
	v56 =	vmul.f32 v31, v14;
	v57 =	vmul.f32 v32, v15  }
0x117: {  	v32 =	vld [tilespmem:s20+$0x7C60];
	v58 =	vmul.f32 v33, v14;
	v9 =	vadd.f32 v11, v9;
	v11 =	vmul.f32 v16, v7  }
0x118: {  	v59 =	vmul.f32 v34, v15;
	v61 =	vmul.f32 v35, v14;
	v18 =	vld [tilespmem:s20+$0x3830]  }
0x119: {  	v62 =	vmul.f32 v36, v15;
	v47 =	vmul.f32 v37, v14;
	v16 =	vld [tilespmem:s20+$0x5830];
	v9 =	vadd.f32 v11, v9  }
0x11a: {  	v48 =	vmul.f32 v38, v15;
	v50 =	vmul.f32 v41, v8;
	v10 =	vadd.f32 v13, v10;
	v11 =	vld [tilespmem:s20+$0x5840]  }
0x11b: {  	v13 =	vmul.f32 v20, v14;
	v17 =	vadd.f32 v19, v17;
	v29 =	vadd.f32 v59, v58;
	[tilespmem:s20+$0xBC70] =	vst v9;
	v9 =	vld [tilespmem:s20+$0x5850]  }
0x11c: {  	v44 =	vld [tilespmem:s20+$0x7830];
	v34 =	vmul.f32 v60, v7;
	v59 =	vmul.f32 v45, v8;
	v10 =	vadd.f32 v50, v10  }
0x11d: {  	v20 =	vld [tilespmem:s20+$0x7860];
	v31 =	vadd.f32 v62, v61;
	v12 =	vmul.f32 v12, v15;
	v62 =	vmul.f32 v32, v8  }
0x11e: {  	v46 =	vld [tilespmem:s20+$0x7850];
	v10 =	vadd.f32 v34, v10;
	v18 =	vmul.f32 v18, v14;
	v16 =	vmul.f32 v16, v15  }
0x11f: {  	v63 =	vld [tilespmem:s20+$0x9810];
	v12 =	vadd.f32 v12, v13;
	v13 =	vmul.f32 v21, v14;
	v11 =	vmul.f32 v11, v15  }
0x120: {  	v49 =	vld [tilespmem:s20+$0x9820];
	v16 =	vadd.f32 v16, v18;
	v18 =	vmul.f32 v22, v14;
	v9 =	vmul.f32 v9, v15  }
0x121: {  	v51 =	vld [tilespmem:s20+$0x9830];
	v11 =	vadd.f32 v11, v13;
	v13 =	vmul.f32 v23, v14;
	v23 =	vmul.f32 v24, v15  }
0x122: {  	v28 =	vld [tilespmem:s20+$0x7C40];
	v33 =	vadd.f32 v48, v47;
	[tilespmem:s20+$0xB800] =	vst v10;
	v10 =	vmul.f32 v20, v8;
	v15 =	vmul.f32 v40, v15  }
0x123: {  	v19 =	vld [tilespmem:s20+$0x7870];
	v9 =	vadd.f32 v9, v18;
	v18 =	vmul.f32 v25, v14;
	v13 =	vadd.f32 v23, v13  }
0x124: {  	v21 =	vld [tilespmem:s20+$0x7C00];
	v23 =	vmul.f32 v27, v14;
	v25 =	vadd.f32 v55, v54;
	v27 =	vadd.f32 v57, v56  }
0x125: {  	v14 =	vmul.f32 v39, v14;
	v54 =	vmul.f32 v43, v8;
	v57 =	vld [tilespmem:s20+$0x9860];
	v11 =	vadd.f32 v59, v11  }
0x126: {  	v18 =	vadd.f32 v52, v18;
	v23 =	vadd.f32 v53, v23;
	v52 =	vmul.f32 v42, v8;
	v53 =	vld [tilespmem:s20+$0x9840]  }
0x127: {  	v22 =	vld [tilespmem:s20+$0x7C10];
	v56 =	vadd.f32 v15, v14;
	v15 =	vmul.f32 v44, v8;
	v12 =	vadd.f32 v54, v12  }
0x128: {  	v24 =	vld [tilespmem:s20+$0x7C20];
	v20 =	vadd.f32 v10, v13;
	v14 =	vadd.f32 v52, v17;
	v17 =	vmul.f32 v63, v7  }
0x129: {  	v55 =	vld [tilespmem:s20+$0x9850];
	v13 =	vmul.f32 v21, v8;
	v15 =	vadd.f32 v15, v16;
	v16 =	vmul.f32 v46, v8  }
0x12a: {  	v26 =	vld [tilespmem:s20+$0x7C30];
	v63 =	vmul.f32 v57, v7;
	v14 =	vadd.f32 v17, v14;
	v17 =	vmul.f32 v49, v7  }
0x12b: {  	v30 =	vld [tilespmem:s20+$0x7C50];
	v9 =	vadd.f32 v16, v9;
	v16 =	vmul.f32 v19, v8;
	v21 =	vmul.f32 v53, v7  }
0x12c: {  	v58 =	vld [tilespmem:s20+$0x9870];
	v20 =	vadd.f32 v63, v20;
	v10 =	vadd.f32 v17, v12;
	v12 =	vmul.f32 v51, v7  }
0x12d: {  	v60 =	vld [tilespmem:s20+$0x9C00];
	[tilespmem:s20+$0xB810] =	vst v14;
	v61 =	vadd.f32 v16, v18;
	v14 =	vmul.f32 v22, v8;
	v22 =	vmul.f32 v28, v8  }
0x12e: {  	v19 =	vld [tilespmem:s20+$0x9C10];
	v11 =	vadd.f32 v21, v11;
	v21 =	vmul.f32 v55, v7;
	[tilespmem:s20+$0xB820] =	vst v10;
	v10 =	vmul.f32 v24, v8  }
0x12f: {  	v16 =	vld [tilespmem:s20+$0x9C20];
	v18 =	vadd.f32 v12, v15;
	v15 =	vadd.f32 v13, v23;
	v13 =	vmul.f32 v26, v8  }
0x130: {  	v17 =	vld [tilespmem:s20+$0x9C30];
	v23 =	vmul.f32 v30, v8;
	v21 =	vadd.f32 v21, v9;
	v12 =	vadd.f32 v10, v27  }
0x131: {  	s6 =	sadd.s32 $0x100, s22;
	s15 =	simm.s32 $0x80;
	[tilespmem:s20+$0xB830] =	vst v18;
	v10 =	vadd.f32 v13, v29;
	v18 =	vld [tilespmem:s20+$0x9C40];
	v13 =	vadd.f32 v22, v31;
	v22 =	vmul.f32 v58, v7  }
0x132: {  	p1 =	por p2, p2;
	s8 =	sand.u32 $0x1800, s6;
	s22 =	sand.u32 $0x380, s15;
	v14 =	vadd.f32 v14, v25;
	v8 =	vld [tilespmem:s20+$0x9C50];
	v9 =	vadd.f32 v62, v56;
	[tilespmem:s20+$0xB850] =	vst v21;
	v21 =	vmul.f32 v60, v7  }
0x133: {  	s21 =	simm.s32 $0x1;
	s7 =	simm.s32 $0x2;
	s22 =	sor.u32 s22, s8;
	[tilespmem:s20+$0xB840] =	vst v11;
	v11 =	vadd.f32 v23, v33;
	v23 =	vadd.f32 v22, v61;
	v22 =	vmul.f32 v19, v7;
	v19 =	vld [tilespmem:s20+$0x9C60]  }
.LBB2_4:
0x134: {  	p2 =	sne.s32 s7, $0xF;
	v24 =	vmov s21;
	v25 =	vld [tilespmem:s22+$0x3C70];
	[tilespmem:s20+$0xB860] =	vst v20;
	v15 =	vadd.f32 v21, v15;
	v16 =	vmul.f32 v16, v7;
	s21 =	smov.u32 s7  }
0x135: {  	v20 =	vand.u32 $0xF, v24;
	v21 =	vld [tilespmem:s22+$0x5C70];
	[tilespmem:s20+$0xB870] =	vst v23;
	v14 =	vadd.f32 v22, v14;
	v17 =	vmul.f32 v17, v7  }
0x136: {  	v20 =	vbroadcast v20, $0x0;
	v22 =	vld [tilespmem:s22+$0x3800];
	[tilespmem:s20+$0xBC00] =	vst v15;
	v15 =	vadd.f32 v16, v12;
	v16 =	vmul.f32 v18, v7  }
0x137: {  	v18 =	vld [tilespmem:s22+$0x7C70];
	[tilespmem:s20+$0xBC10] =	vst v14;
	v14 =	vadd.f32 v17, v10;
	v17 =	vmul.f32 v8, v7  }
0x138: {  	v12 =	vperm.xlane v6, v20;
	v10 =	vperm.xlane v5, v20;
	v23 =	vld [tilespmem:s22+$0x5800];
	[tilespmem:s20+$0xBC20] =	vst v15;
	v13 =	vadd.f32 v16, v13  }
0x139: {  	v8 =	vperm.xlane v4, v20;
	v7 =	vmul.f32 v19, v7;
	v15 =	vld [tilespmem:s22+$0x9C70];
	[tilespmem:s20+$0xBC30] =	vst v14;
	v11 =	vadd.f32 v17, v11  }
0x13a: {  	v14 =	vld [tilespmem:s22+$0x3810];
	v16 =	vmul.f32 v25, v12;
	v17 =	vmul.f32 v21, v10;
	[tilespmem:s20+$0xBC40] =	vst v13  }
0x13b: {  	v9 =	vadd.f32 v7, v9;
	v13 =	vmul.f32 v22, v12;
	v19 =	vld [tilespmem:s22+$0x5810];
	[tilespmem:s20+$0xBC50] =	vst v11  }
0x13c: {  	v7 =	vperm.xlane v3, v20;
	v11 =	vld [tilespmem:s22+$0x3820];
	v16 =	vadd.f32 v17, v16;
	v17 =	vmul.f32 v18, v8  }
0x13d: {  	v18 =	vmul.f32 v23, v10;
	v20 =	vld [tilespmem:s22+$0x5820];
	[tilespmem:s20+$0xBC60] =	vst v9;
	s20 =	smov.u32 s22  }
0x13e: {  	v9 =	vld [tilespmem:s20+$0x3830];
	v16 =	vadd.f32 v17, v16;
	v15 =	vmul.f32 v15, v7  }
0x13f: {  	v13 =	vadd.f32 v18, v13;
	v14 =	vmul.f32 v14, v12;
	v17 =	vld [tilespmem:s20+$0x5830]  }
0x140: {  	v18 =	vmul.f32 v19, v10;
	v19 =	vld [tilespmem:s20+$0x3840];
	v15 =	vadd.f32 v15, v16  }
0x141: {  	v11 =	vmul.f32 v11, v12;
	v16 =	vld [tilespmem:s20+$0x5840]  }
0x142: {  	v14 =	vadd.f32 v18, v14;
	v18 =	vmul.f32 v20, v10;
	v20 =	vld [tilespmem:s20+$0x3850];
	[tilespmem:s20+$0xBC70] =	vst v15  }
0x143: {  	v9 =	vmul.f32 v9, v12;
	v15 =	vld [tilespmem:s20+$0x5850]  }
0x144: {  	v11 =	vadd.f32 v18, v11;
	v17 =	vmul.f32 v17, v10;
	v18 =	vld [tilespmem:s20+$0x3860]  }
0x145: {  	v19 =	vmul.f32 v19, v12;
	v21 =	vld [tilespmem:s20+$0x5860]  }
0x146: {  	v9 =	vadd.f32 v17, v9;
	v16 =	vmul.f32 v16, v10;
	v17 =	vld [tilespmem:s20+$0x3870]  }
0x147: {  	v20 =	vmul.f32 v20, v12;
	v22 =	vld [tilespmem:s20+$0x5870]  }
0x148: {  	v16 =	vadd.f32 v16, v19;
	v15 =	vmul.f32 v15, v10;
	v19 =	vld [tilespmem:s20+$0x3C00]  }
0x149: {  	v18 =	vmul.f32 v18, v12;
	v23 =	vld [tilespmem:s20+$0x5C00]  }
0x14a: {  	v15 =	vadd.f32 v15, v20;
	v20 =	vmul.f32 v21, v10;
	v21 =	vld [tilespmem:s20+$0x3C10]  }
0x14b: {  	v17 =	vmul.f32 v17, v12;
	v24 =	vld [tilespmem:s20+$0x5C10]  }
0x14c: {  	v18 =	vadd.f32 v20, v18;
	v20 =	vmul.f32 v22, v10;
	v22 =	vld [tilespmem:s20+$0x3C20]  }
0x14d: {  	v19 =	vmul.f32 v19, v12;
	v25 =	vld [tilespmem:s20+$0x5C20]  }
0x14e: {  	v17 =	vadd.f32 v20, v17;
	v20 =	vmul.f32 v23, v10;
	v23 =	vld [tilespmem:s20+$0x3C30]  }
0x14f: {  	v21 =	vmul.f32 v21, v12;
	v26 =	vld [tilespmem:s20+$0x5C30]  }
0x150: {  	v19 =	vadd.f32 v20, v19;
	v20 =	vmul.f32 v24, v10;
	v24 =	vld [tilespmem:s20+$0x3C40]  }
0x151: {  	v22 =	vmul.f32 v22, v12;
	v27 =	vld [tilespmem:s20+$0x5C40]  }
0x152: {  	v20 =	vadd.f32 v20, v21;
	v21 =	vmul.f32 v25, v10;
	v25 =	vld [tilespmem:s20+$0x3C50]  }
0x153: {  	v23 =	vmul.f32 v23, v12;
	v28 =	vld [tilespmem:s20+$0x5C50]  }
0x154: {  	v21 =	vadd.f32 v21, v22;
	v22 =	vmul.f32 v26, v10;
	v26 =	vld [tilespmem:s20+$0x3C60]  }
0x155: {  	v24 =	vmul.f32 v24, v12;
	v29 =	vld [tilespmem:s20+$0x5C60]  }
0x156: {  	v30 =	vld [tilespmem:s20+$0x7800];
	v22 =	vadd.f32 v22, v23;
	v23 =	vmul.f32 v27, v10  }
0x157: {  	v27 =	vld [tilespmem:s20+$0x7810];
	v25 =	vmul.f32 v25, v12  }
0x158: {  	v31 =	vld [tilespmem:s20+$0x7820];
	v23 =	vadd.f32 v23, v24;
	v24 =	vmul.f32 v28, v10  }
0x159: {  	v28 =	vld [tilespmem:s20+$0x7830];
	v12 =	vmul.f32 v26, v12  }
0x15a: {  	v26 =	vld [tilespmem:s20+$0x7840];
	v24 =	vadd.f32 v24, v25;
	v10 =	vmul.f32 v29, v10  }
0x15b: {  	v25 =	vmul.f32 v30, v8;
	v29 =	vld [tilespmem:s20+$0x7850]  }
0x15c: {  	v27 =	vmul.f32 v27, v8;
	v30 =	vld [tilespmem:s20+$0x7860];
	v32 =	vadd.f32 v10, v12  }
0x15d: {  	v25 =	vadd.f32 v25, v13;
	v10 =	vmul.f32 v31, v8;
	v12 =	vld [tilespmem:s20+$0x7870]  }
0x15e: {  	v27 =	vadd.f32 v27, v14;
	v13 =	vmul.f32 v28, v8;
	v14 =	vld [tilespmem:s20+$0x7C00]  }
0x15f: {  	v28 =	vadd.f32 v10, v11;
	v10 =	vmul.f32 v26, v8;
	v11 =	vld [tilespmem:s20+$0x7C10]  }
0x160: {  	v26 =	vadd.f32 v13, v9;
	v9 =	vmul.f32 v29, v8;
	v13 =	vld [tilespmem:s20+$0x7C20]  }
0x161: {  	v29 =	vadd.f32 v10, v16;
	v10 =	vmul.f32 v30, v8;
	v16 =	vld [tilespmem:s20+$0x7C30]  }
0x162: {  	v30 =	vadd.f32 v9, v15;
	v9 =	vmul.f32 v12, v8;
	v31 =	vld [tilespmem:s20+$0x7C40]  }
0x163: {  	v33 =	vadd.f32 v10, v18;
	v10 =	vmul.f32 v14, v8;
	v18 =	vld [tilespmem:s20+$0x7C50]  }
0x164: {  	v34 =	vadd.f32 v9, v17;
	v9 =	vmul.f32 v11, v8;
	v11 =	vld [tilespmem:s20+$0x7C60]  }
0x165: {  	v17 =	vld [tilespmem:s20+$0x9800];
	v15 =	vadd.f32 v10, v19;
	v10 =	vmul.f32 v13, v8  }
0x166: {  	v19 =	vld [tilespmem:s20+$0x9810];
	v14 =	vadd.f32 v9, v20;
	v9 =	vmul.f32 v16, v8  }
0x167: {  	v16 =	vld [tilespmem:s20+$0x9820];
	v12 =	vadd.f32 v10, v21;
	v13 =	vmul.f32 v31, v8  }
0x168: {  	v20 =	vld [tilespmem:s20+$0x9830];
	v10 =	vadd.f32 v9, v22;
	v9 =	vmul.f32 v18, v8  }
0x169: {  	v18 =	vld [tilespmem:s20+$0x9840];
	v13 =	vadd.f32 v13, v23;
	v8 =	vmul.f32 v11, v8  }
0x16a: {  	v17 =	vmul.f32 v17, v7;
	v21 =	vld [tilespmem:s20+$0x9850];
	v11 =	vadd.f32 v9, v24  }
0x16b: {  	v19 =	vmul.f32 v19, v7;
	v22 =	vld [tilespmem:s20+$0x9860];
	v9 =	vadd.f32 v8, v32  }
0x16c: {  	v8 =	vadd.f32 v17, v25;
	v16 =	vmul.f32 v16, v7;
	v23 =	vld [tilespmem:s20+$0x9870]  }
0x16d: {  	v17 =	vadd.f32 v19, v27;
	v19 =	vmul.f32 v20, v7;
	v24 =	vld [tilespmem:s20+$0x9C00]  }
0x16e: {  	[tilespmem:s20+$0xB800] =	vst v8;
	v8 =	vadd.f32 v16, v28;
	v18 =	vmul.f32 v18, v7;
	v25 =	vld [tilespmem:s20+$0x9C10]  }
.Ltmp0:
0x16f: {  	[tilespmem:s20+$0xB810] =	vst v17;
	v19 =	vadd.f32 v19, v26;
	v20 =	vmul.f32 v21, v7;
	v16 =	vld [tilespmem:s20+$0x9C20];
	(pc) =	sbr.rel @p2 .LBB2_4-.Ltmp0, $4  }
0x170: {  	[tilespmem:s20+$0xB820] =	vst v8;
	v8 =	vadd.f32 v18, v29;
	v21 =	vmul.f32 v22, v7;
	v17 =	vld [tilespmem:s20+$0x9C30]  }
0x171: {  	s15 =	sadd.s32 $0x80, s15;
	s6 =	sadd.s32 $0x100, s6;
	[tilespmem:s20+$0xB830] =	vst v19;
	v19 =	vadd.f32 v20, v30;
	v22 =	vmul.f32 v23, v7;
	v18 =	vld [tilespmem:s20+$0x9C40]  }
0x172: {  	s8 =	sand.u32 $0x380, s15;
	s22 =	sand.u32 $0x1800, s6;
	[tilespmem:s20+$0xB840] =	vst v8;
	v20 =	vadd.f32 v21, v33;
	v21 =	vmul.f32 v24, v7;
	v8 =	vld [tilespmem:s20+$0x9C50]  }
0x173: {  	s7 =	sadd.s32 $0x1, s7;
	s22 =	sor.u32 s8, s22;
	[tilespmem:s20+$0xB850] =	vst v19;
	v23 =	vadd.f32 v22, v34;
	v22 =	vmul.f32 v25, v7;
	v19 =	vld [tilespmem:s20+$0x9C60]  }
0x174: {  	v24 =	vld [tilespmem:s22+$0x3C70];
	[tilespmem:s20+$0xB860] =	vst v20;
	v15 =	vadd.f32 v21, v15;
	v16 =	vmul.f32 v16, v7  }
0x175: {  	v20 =	vld [tilespmem:s22+$0x5C70];
	[tilespmem:s20+$0xB870] =	vst v23;
	v14 =	vadd.f32 v22, v14;
	v17 =	vmul.f32 v17, v7  }
0x176: {  	v63 =	vld [tilespmem:s22+$0x3800];
	[tilespmem:s20+$0xBC00] =	vst v15;
	v12 =	vadd.f32 v16, v12;
	v18 =	vmul.f32 v18, v7  }
0x177: {  	v15 =	vld [tilespmem:s22+$0x7C70];
	[tilespmem:s20+$0xBC10] =	vst v14;
	v10 =	vadd.f32 v17, v10;
	v8 =	vmul.f32 v8, v7  }
0x178: {  	v14 =	vld [tilespmem:s22+$0x5800];
	[tilespmem:s20+$0xBC20] =	vst v12;
	v13 =	vadd.f32 v18, v13  }
0x179: {  	v45 =	vmul.f32 v19, v7;
	v44 =	vld [tilespmem:s22+$0x9C70];
	[tilespmem:s20+$0xBC30] =	vst v10;
	v8 =	vadd.f32 v8, v11  }
0x17a: {  	v10 =	vld [tilespmem:s22+$0x3810];
	[tilespmem:s20+$0xBC40] =	vst v13  }
0x17b: {  	v7 =	vadd.f32 v45, v9;
	v46 =	vld [tilespmem:s22+$0x5810];
	[tilespmem:s20+$0xBC50] =	vst v8  }
0x17c: {  	v49 =	vld [tilespmem:s22+$0x3820]  }
0x17d: {  	v50 =	vld [tilespmem:s22+$0x5820];
	[tilespmem:s20+$0xBC60] =	vst v7  }
0x17e: {  	v7 =	vld [tilespmem:s22+$0x3830]  }
0x17f: {  	v53 =	vld [tilespmem:s22+$0x5830]  }
0x180: {  	v54 =	vld [tilespmem:s22+$0x3840]  }
0x181: {  	v55 =	vld [tilespmem:s22+$0x5840]  }
0x182: {  	v56 =	vld [tilespmem:s22+$0x3850]  }
0x183: {  	v57 =	vld [tilespmem:s22+$0x5850]  }
0x184: {  	v58 =	vld [tilespmem:s22+$0x3860]  }
0x185: {  	v59 =	vld [tilespmem:s22+$0x5860]  }
0x186: {  	v60 =	vld [tilespmem:s22+$0x3870]  }
0x187: {  	v61 =	vld [tilespmem:s22+$0x5870]  }
0x188: {  	v23 =	vld [tilespmem:s22+$0x3C00]  }
0x189: {  	v62 =	vld [tilespmem:s22+$0x5C00]  }
0x18a: {  	v25 =	vld [tilespmem:s22+$0x3C10]  }
0x18b: {  	v42 =	vmov s21;
	v26 =	vld [tilespmem:s22+$0x5C10]  }
0x18c: {  	v43 =	vand.u32 $0xF, v42;
	v27 =	vld [tilespmem:s22+$0x3C20]  }
0x18d: {  	v12 =	vbroadcast v43, $0x0;
	v28 =	vld [tilespmem:s22+$0x5C20]  }
0x18e: {  	v29 =	vld [tilespmem:s22+$0x3C30]  }
0x18f: {  	v6 =	vperm.xlane v6, v12;
	v30 =	vld [tilespmem:s22+$0x5C30]  }
0x190: {  	v5 =	vperm.xlane v5, v12;
	v4 =	vperm.xlane v4, v12;
	v31 =	vld [tilespmem:s22+$0x3C40]  }
0x191: {  	v3 =	vperm.xlane v3, v12;
	v47 =	vmul.f32 v24, v6;
	v32 =	vld [tilespmem:s22+$0x5C40]  }
0x192: {  	v48 =	vmul.f32 v20, v5;
	v51 =	vmul.f32 v15, v4;
	v33 =	vld [tilespmem:s22+$0x3C50]  }
0x193: {  	v21 =	vmul.f32 v63, v6;
	v34 =	vld [tilespmem:s22+$0x5C50];
	v14 =	vmul.f32 v14, v5  }
0x194: {  	v35 =	vld [tilespmem:s22+$0x3C60];
	v52 =	vmul.f32 v44, v3;
	v10 =	vmul.f32 v10, v6  }
0x195: {  	v36 =	vld [tilespmem:s22+$0x5C60];
	v11 =	vmul.f32 v46, v5;
	v9 =	vmul.f32 v49, v6  }
0x196: {  	v37 =	vld [tilespmem:s22+$0x7800];
	v17 =	vmul.f32 v50, v5;
	v7 =	vmul.f32 v7, v6  }
0x197: {  	v38 =	vld [tilespmem:s22+$0x7810];
	v8 =	vadd.f32 v48, v47;
	v13 =	vmul.f32 v53, v5;
	v15 =	vmul.f32 v54, v6  }
0x198: {  	v39 =	vld [tilespmem:s22+$0x7820];
	v63 =	vmul.f32 v55, v5;
	v46 =	vmul.f32 v56, v6  }
0x199: {  	v40 =	vld [tilespmem:s22+$0x7830];
	v8 =	vadd.f32 v51, v8;
	v47 =	vmul.f32 v58, v6;
	v48 =	vmul.f32 v59, v5  }
0x19a: {  	v41 =	vld [tilespmem:s22+$0x7840];
	v49 =	vmul.f32 v60, v6;
	v50 =	vmul.f32 v61, v5  }
0x19b: {  	v42 =	vld [tilespmem:s22+$0x7850];
	v8 =	vadd.f32 v52, v8;
	v51 =	vmul.f32 v23, v6;
	v52 =	vmul.f32 v62, v5  }
0x19c: {  	v43 =	vld [tilespmem:s22+$0x7860];
	v53 =	vmul.f32 v25, v6;
	v54 =	vmul.f32 v26, v5  }
0x19d: {  	v45 =	vld [tilespmem:s22+$0x7C00];
	v14 =	vadd.f32 v14, v21;
	v55 =	vmul.f32 v27, v6;
	v58 =	vmul.f32 v29, v6  }
0x19e: {  	v16 =	vld [tilespmem:s22+$0x7C20];
	v10 =	vadd.f32 v11, v10;
	v60 =	vmul.f32 v30, v5;
	v61 =	vmul.f32 v31, v6  }
0x19f: {  	v18 =	vld [tilespmem:s22+$0x7C30];
	v9 =	vadd.f32 v17, v9;
	[tilespmem:s22+$0xBC70] =	vst v8;
	v8 =	vmul.f32 v57, v5;
	v7 =	vadd.f32 v13, v7  }
0x1a0: {  	v20 =	vld [tilespmem:s22+$0x7C40];
	v11 =	vadd.f32 v63, v15;
	v13 =	vadd.f32 v48, v47;
	v57 =	vmul.f32 v28, v5  }
0x1a1: {  	v44 =	vld [tilespmem:s22+$0x7870];
	v15 =	vadd.f32 v50, v49;
	v63 =	vmul.f32 v32, v5;
	v48 =	vmul.f32 v38, v4  }
0x1a2: {  	v21 =	vld [tilespmem:s22+$0x7C10];
	v12 =	vadd.f32 v52, v51;
	v51 =	vmul.f32 v33, v6;
	v52 =	vmul.f32 v34, v5  }
0x1a3: {  	v23 =	vld [tilespmem:s22+$0x7C50];
	v17 =	vadd.f32 v54, v53;
	v54 =	vmul.f32 v39, v4;
	v6 =	vmul.f32 v35, v6  }
0x1a4: {  	v56 =	vld [tilespmem:s22+$0x9800];
	v22 =	vadd.f32 v60, v58;
	v5 =	vmul.f32 v36, v5;
	v33 =	vmul.f32 v43, v4  }
0x1a5: {  	v59 =	vld [tilespmem:s22+$0x9810];
	v38 =	vmul.f32 v45, v4;
	v45 =	vmul.f32 v18, v4;
	v8 =	vadd.f32 v8, v46  }
0x1a6: {  	v62 =	vld [tilespmem:s22+$0x9820];
	v46 =	vmul.f32 v37, v4;
	v19 =	vadd.f32 v57, v55;
	v24 =	vadd.f32 v63, v61  }
0x1a7: {  	v47 =	vld [tilespmem:s22+$0x9830];
	v10 =	vadd.f32 v48, v10;
	v32 =	vadd.f32 v52, v51;
	v61 =	vmul.f32 v42, v4  }
0x1a8: {  	v49 =	vld [tilespmem:s22+$0x9840];
	v9 =	vadd.f32 v54, v9;
	v37 =	vmul.f32 v44, v4;
	v42 =	vmul.f32 v16, v4  }
0x1a9: {  	v50 =	vld [tilespmem:s22+$0x9850];
	v5 =	vadd.f32 v5, v6;
	v48 =	vmul.f32 v20, v4;
	v27 =	vmul.f32 v56, v3  }
0x1aa: {  	v53 =	vld [tilespmem:s22+$0x9860];
	v12 =	vadd.f32 v38, v12;
	v29 =	vmul.f32 v59, v3;
	v56 =	vmul.f32 v40, v4  }
0x1ab: {  	v60 =	vld [tilespmem:s22+$0x9C10];
	v58 =	vmul.f32 v62, v3;
	v59 =	vmul.f32 v41, v4;
	v14 =	vadd.f32 v46, v14  }
0x1ac: {  	v43 =	vld [tilespmem:s22+$0x9C40];
	v40 =	vmul.f32 v21, v4;
	v8 =	vadd.f32 v61, v8;
	v10 =	vadd.f32 v29, v10  }
0x1ad: {  	v55 =	vld [tilespmem:s22+$0x9870];
	v7 =	vadd.f32 v56, v7;
	v9 =	vadd.f32 v58, v9;
	v62 =	vmul.f32 v47, v3  }
0x1ae: {  	v57 =	vld [tilespmem:s22+$0x9C00];
	v63 =	vadd.f32 v59, v11;
	v36 =	vmul.f32 v49, v3;
	v14 =	vadd.f32 v27, v14;
	[tilespmem:s22+$0xB810] =	vst v10  }
0x1af: {  	v34 =	vld [tilespmem:s22+$0x9C20];
	v11 =	vadd.f32 v33, v13;
	v41 =	vmul.f32 v50, v3;
	v7 =	vadd.f32 v62, v7;
	[tilespmem:s22+$0xB820] =	vst v9  }
0x1b0: {  	v25 =	vld [tilespmem:s22+$0x7C60];
	v44 =	vmul.f32 v53, v3;
	v13 =	vadd.f32 v42, v19;
	v6 =	vadd.f32 v36, v63;
	[tilespmem:s22+$0xB800] =	vst v14  }
0x1b1: {  	v39 =	vld [tilespmem:s22+$0x9C30];
	v56 =	vadd.f32 v48, v24;
	v59 =	vmul.f32 v43, v3;
	v8 =	vadd.f32 v41, v8;
	[tilespmem:s22+$0xB830] =	vst v7  }
0x1b2: {  	v47 =	vld [tilespmem:s22+$0x9C50];
	v10 =	vadd.f32 v37, v15;
	v46 =	vmul.f32 v55, v3;
	v9 =	vadd.f32 v44, v11;
	[tilespmem:s22+$0xB840] =	vst v6  }
0x1b3: {  	v52 =	vld [tilespmem:s22+$0x9C60];
	v51 =	vmul.f32 v60, v3;
	v49 =	vmul.f32 v57, v3;
	v62 =	vadd.f32 v59, v56;
	[tilespmem:s22+$0xB850] =	vst v8  }
0x1b4: {  	v53 =	vmul.f32 v23, v4;
	v55 =	vmul.f32 v34, v3;
	v50 =	vadd.f32 v46, v10;
	[tilespmem:s22+$0xB860] =	vst v9  }
0x1b5: {  	v4 =	vmul.f32 v25, v4;
	v7 =	vadd.f32 v40, v17;
	v54 =	vadd.f32 v49, v12;
	[tilespmem:s22+$0xBC40] =	vst v62  }
0x1b6: {  	v57 =	vmul.f32 v39, v3;
	v6 =	vadd.f32 v45, v22;
	v58 =	vadd.f32 v55, v13;
	[tilespmem:s22+$0xB870] =	vst v50  }
0x1b7: {  	v60 =	vadd.f32 v53, v32;
	v61 =	vmul.f32 v47, v3;
	v7 =	vadd.f32 v51, v7;
	[tilespmem:s22+$0xBC00] =	vst v54  }
.Ltmp1:
0x1b8: {  	v4 =	vadd.f32 v4, v5;
	v3 =	vmul.f32 v52, v3;
	v6 =	vadd.f32 v57, v6;
	[tilespmem:s22+$0xBC20] =	vst v58;
	(pc) =	sbr.rel @p1 .LBB2_3-.Ltmp1, $4  }
0x1b9: {  	v63 =	vadd.f32 v61, v60;
	[tilespmem:s22+$0xBC10] =	vst v7  }
0x1ba: {  	v3 =	vadd.f32 v3, v4;
	[tilespmem:s22+$0xBC30] =	vst v6  }
0x1bb: {  	[tilespmem:s22+$0xBC50] =	vst v63  }
0x1bc: {  	s6 =	simm.s32 $0x10;
	p2 =	por $0x0, $0x0;
	[tilespmem:s22+$0xBC60] =	vst v3  }
0x1bd: {  	p1 =	seq.s32 s16, $0x1B  }
.Ltmp2:
0x1be: {  	_ = 	snop;
	(pc) =	sbr.rel @p1 .LBB2_8-.Ltmp2, $4  }
0x1bf: {  	s6 =	sadd.s32 s3, s18  }
0x1c0: {  	s6 =	sshll.u32 s6, $0x5  }
0x1c1: {  	s6 =	sadd.s32 s5, s6  }
0x1c2: {  	[hbm4b:s6+s2] =	stream.linear.scatter [tilespmem:s31], [sflag:$0x3], $0x2000, $0x38;
	[tilespmem:$0x17800] =	vst v63  }
0x1c3: {  	v3 =	vld [tilespmem:s18+$0x40];
	_ =	sdelay $0x4  }
0x1c4: {  	v4 =	vshll.u32 v3, $0x1  }
0x1c5: {  	v3 =	vand.u32 $0x7, v3;
	v4 =	vand.u32 $0xFFFFFFF0, v4  }
0x1c6: {  	v3 =	vor.u32 v3, v4  }
0x1c7: {  	v4 =	vperm.xlane v3, v0;
	_ =	sdelay $0x1  }
0x1c8: {  	v3 =	vperm.xlane v3, v2;
	v4 =	vadd.s32 v1, v4;
	_ =	sdelay $0x1  }
0x1c9: {  	v3 =	vadd.s32 v1, v3;
	_ =	sdelay $0x1  }
0x1ca: {  	s6 =	simm.s32 $0x3800  }
0x1cb: {  	[tilespmem:s6], [sflag:$0x1] =	stream.indirect_vreg.gather [hbm4b:s4+s2], $0x80, v4, vm0, $0xb8;
	[tilespmem:$0x17800] =	vst v63  }
0x1cc: {  	s22 =	simm.s32 $0x4000  }
0x1cd: {  	[tilespmem:s22], [sflag:$0x1] =	stream.indirect_vreg.gather [hbm4b:s4+s2], $0x80, v3, vm0, $0xb8;
	[tilespmem:$0x17800] =	vst v63  }
0x1ce: {  	v3 =	vld [tilespmem:s18+$0x50];
	_ =	sdelay $0x4  }
0x1cf: {  	v57 =	vshll.u32 v3, $0x1  }
0x1d0: {  	v3 =	vand.u32 $0x7, v3;
	v4 =	vand.u32 $0xFFFFFFF0, v57  }
0x1d1: {  	v3 =	vor.u32 v3, v4  }
0x1d2: {  	v4 =	vperm.xlane v3, v0;
	_ =	sdelay $0x1  }
0x1d3: {  	v3 =	vperm.xlane v3, v2;
	v4 =	vadd.s32 v1, v4;
	_ =	sdelay $0x1  }
0x1d4: {  	v3 =	vadd.s32 v1, v3;
	_ =	sdelay $0x1  }
0x1d5: {  	s7 =	simm.s32 $0x4800  }
0x1d6: {  	[tilespmem:s7], [sflag:$0x1] =	stream.indirect_vreg.gather [hbm4b:s4+s2], $0x80, v4, vm0, $0xb8;
	[tilespmem:$0x17800] =	vst v63  }
0x1d7: {  	s8 =	simm.s32 $0x5000  }
0x1d8: {  	[tilespmem:s8], [sflag:$0x1] =	stream.indirect_vreg.gather [hbm4b:s4+s2], $0x80, v3, vm0, $0xb8;
	[tilespmem:$0x17800] =	vst v63  }
0x1d9: {  	v3 =	vld [tilespmem:s18+$0x740];
	_ =	sdelay $0x4  }
0x1da: {  	v58 =	vshll.u32 v3, $0x1  }
0x1db: {  	v3 =	vand.u32 $0x7, v3;
	v4 =	vand.u32 $0xFFFFFFF0, v58  }
0x1dc: {  	v3 =	vor.u32 v3, v4  }
0x1dd: {  	v4 =	vperm.xlane v3, v0;
	_ =	sdelay $0x1  }
0x1de: {  	v3 =	vperm.xlane v3, v2;
	v4 =	vadd.s32 v1, v4;
	_ =	sdelay $0x1  }
0x1df: {  	v3 =	vadd.s32 v1, v3;
	_ =	sdelay $0x1  }
0x1e0: {  	s15 =	simm.s32 $0x5800  }
0x1e1: {  	[tilespmem:s15], [sflag:$0x1] =	stream.indirect_vreg.gather [hbm4b:s4+s2], $0x80, v4, vm0, $0xb8;
	[tilespmem:$0x17800] =	vst v63  }
0x1e2: {  	s19 =	simm.s32 $0x6000  }
0x1e3: {  	[tilespmem:s19], [sflag:$0x1] =	stream.indirect_vreg.gather [hbm4b:s4+s2], $0x80, v3, vm0, $0xb8;
	[tilespmem:$0x17800] =	vst v63  }
0x1e4: {  	v3 =	vld [tilespmem:s18+$0x750];
	_ =	sdelay $0x4  }
0x1e5: {  	v59 =	vshll.u32 v3, $0x1  }
0x1e6: {  	v3 =	vand.u32 $0x7, v3;
	v4 =	vand.u32 $0xFFFFFFF0, v59  }
0x1e7: {  	v3 =	vor.u32 v3, v4  }
0x1e8: {  	v4 =	vperm.xlane v3, v0;
	_ =	sdelay $0x1  }
0x1e9: {  	v3 =	vperm.xlane v3, v2;
	v4 =	vadd.s32 v1, v4;
	_ =	sdelay $0x1  }
0x1ea: {  	v3 =	vadd.s32 v1, v3;
	_ =	sdelay $0x1  }
0x1eb: {  	s20 =	simm.s32 $0x6800  }
0x1ec: {  	[tilespmem:s20], [sflag:$0x1] =	stream.indirect_vreg.gather [hbm4b:s4+s2], $0x80, v4, vm0, $0xb8;
	[tilespmem:$0x17800] =	vst v63  }
0x1ed: {  	s21 =	simm.s32 $0x7000  }
0x1ee: {  	[tilespmem:s21], [sflag:$0x1] =	stream.indirect_vreg.gather [hbm4b:s4+s2], $0x80, v3, vm0, $0xb8;
	[tilespmem:$0x17800] =	vst v63  }
0x1ef: {  	v3 =	vld [tilespmem:s18+$0xE40];
	_ =	sdelay $0x4  }
0x1f0: {  	v60 =	vshll.u32 v3, $0x1  }
0x1f1: {  	v3 =	vand.u32 $0x7, v3;
	v4 =	vand.u32 $0xFFFFFFF0, v60  }
0x1f2: {  	v3 =	vor.u32 v3, v4  }
0x1f3: {  	v4 =	vperm.xlane v3, v0;
	_ =	sdelay $0x1  }
0x1f4: {  	v3 =	vperm.xlane v3, v2;
	v4 =	vadd.s32 v1, v4;
	_ =	sdelay $0x1  }
0x1f5: {  	v3 =	vadd.s32 v1, v3;
	_ =	sdelay $0x1  }
0x1f6: {  	s22 =	simm.s32 $0x7800  }
0x1f7: {  	[tilespmem:s22], [sflag:$0x1] =	stream.indirect_vreg.gather [hbm4b:s4+s2], $0x80, v4, vm0, $0xb8;
	[tilespmem:$0x17800] =	vst v63  }
0x1f8: {  	s7 =	simm.s32 $0x8000  }
0x1f9: {  	[tilespmem:s7], [sflag:$0x1] =	stream.indirect_vreg.gather [hbm4b:s4+s2], $0x80, v3, vm0, $0xb8;
	[tilespmem:$0x17800] =	vst v63  }
0x1fa: {  	v3 =	vld [tilespmem:s18+$0xE50];
	_ =	sdelay $0x4  }
0x1fb: {  	v61 =	vshll.u32 v3, $0x1  }
0x1fc: {  	v3 =	vand.u32 $0x7, v3;
	v4 =	vand.u32 $0xFFFFFFF0, v61  }
0x1fd: {  	v3 =	vor.u32 v3, v4  }
0x1fe: {  	v4 =	vperm.xlane v3, v0;
	_ =	sdelay $0x1  }
0x1ff: {  	v3 =	vperm.xlane v3, v2;
	v4 =	vadd.s32 v1, v4;
	_ =	sdelay $0x1  }
0x200: {  	v3 =	vadd.s32 v1, v3;
	_ =	sdelay $0x1  }
0x201: {  	s8 =	simm.s32 $0x8800  }
0x202: {  	[tilespmem:s8], [sflag:$0x1] =	stream.indirect_vreg.gather [hbm4b:s4+s2], $0x80, v4, vm0, $0xb8;
	[tilespmem:$0x17800] =	vst v63  }
0x203: {  	s15 =	simm.s32 $0x9000  }
0x204: {  	[tilespmem:s15], [sflag:$0x1] =	stream.indirect_vreg.gather [hbm4b:s4+s2], $0x80, v3, vm0, $0xb8;
	[tilespmem:$0x17800] =	vst v63  }
0x205: {  	v3 =	vld [tilespmem:s18+$0x1540];
	_ =	sdelay $0x4  }
0x206: {  	v62 =	vshll.u32 v3, $0x1  }
0x207: {  	v3 =	vand.u32 $0x7, v3;
	v4 =	vand.u32 $0xFFFFFFF0, v62  }
0x208: {  	v3 =	vor.u32 v3, v4  }
0x209: {  	v4 =	vperm.xlane v3, v0;
	_ =	sdelay $0x1  }
0x20a: {  	v3 =	vperm.xlane v3, v2;
	v4 =	vadd.s32 v1, v4;
	_ =	sdelay $0x1  }
0x20b: {  	v3 =	vadd.s32 v1, v3;
	_ =	sdelay $0x1  }
0x20c: {  	s19 =	simm.s32 $0x9800  }
0x20d: {  	[tilespmem:s19], [sflag:$0x1] =	stream.indirect_vreg.gather [hbm4b:s4+s2], $0x80, v4, vm0, $0xb8;
	[tilespmem:$0x17800] =	vst v63  }
0x20e: {  	s20 =	simm.s32 $0xA000  }
0x20f: {  	[tilespmem:s20], [sflag:$0x1] =	stream.indirect_vreg.gather [hbm4b:s4+s2], $0x80, v3, vm0, $0xb8;
	[tilespmem:$0x17800] =	vst v63  }
0x210: {  	v3 =	vld [tilespmem:s18+$0x1550];
	_ =	sdelay $0x4  }
0x211: {  	v63 =	vshll.u32 v3, $0x1  }
0x212: {  	v3 =	vand.u32 $0x7, v3;
	v4 =	vand.u32 $0xFFFFFFF0, v63  }
0x213: {  	v3 =	vor.u32 v3, v4  }
0x214: {  	v4 =	vperm.xlane v3, v0;
	_ =	sdelay $0x1  }
0x215: {  	v3 =	vperm.xlane v3, v2;
	v4 =	vadd.s32 v1, v4;
	_ =	sdelay $0x1  }
0x216: {  	v3 =	vadd.s32 v1, v3;
	_ =	sdelay $0x1  }
0x217: {  	s21 =	simm.s32 $0xA800  }
0x218: {  	[tilespmem:s21], [sflag:$0x1] =	stream.indirect_vreg.gather [hbm4b:s4+s2], $0x80, v4, vm0, $0xb8;
	[tilespmem:$0x17800] =	vst v63  }
0x219: {  	s22 =	simm.s32 $0xB000  }
0x21a: {  	[tilespmem:s22], [sflag:$0x1] =	stream.indirect_vreg.gather [hbm4b:s4+s2], $0x80, v3, vm0, $0xb8;
	[tilespmem:$0x17800] =	vst v63  }
.LBB2_8:
0x21b: {  	_ =	swait.ge [sflag:s1], $0x2000  }
0x21c: {  	[sflag:s1] =	ssyncset.done $0x0  }
0x21d: {  	[sflag:s1] =	ssyncadd.s32 $0xFFFFE000  }
0x21e: {  	_ =	swait.ge [sflag:s1], $0x2000  }
0x21f: {  	[sflag:s1] =	ssyncset.done $0x0  }
0x220: {  	[sflag:s1] =	ssyncadd.s32 $0xFFFFE000  }
0x221: {  	_ =	swait.ge [sflag:s1], $0x2000  }
0x222: {  	[sflag:s1] =	ssyncset.done $0x0  }
0x223: {  	[sflag:s1] =	ssyncadd.s32 $0xFFFFE000  }
0x224: {  	_ =	swait.ge [sflag:s1], $0x2000  }
0x225: {  	[sflag:s1] =	ssyncset.done $0x0  }
0x226: {  	s6 =	simm.s32 @!p0 $0x4;
	[sflag:s1] =	ssyncadd.s32 $0xFFFFE000  }
0x227: {  	_ =	swait.ge @!p0 [sflag:s6], $0x2000  }
0x228: {  	s18 =	simm.s32 $0x0;
	[sflag:s6] =	ssyncset.done @!p0 $0x0  }
0x229: {  	p1 =	por $0x1, $0x1;
	[sflag:s6] =	ssyncadd.s32 @!p0 $0xFFFFE000;
	s6 =	simm.s32 $0x0  }
.LBB2_9:
0x22a: {  	s7 =	sor.u32 s17, s6  }
0x22b: {  	v6 =	vld [tilespmem:s7+$0x1C00]  }
0x22c: {  	s20 =	sshll.u32 s6, $0x8;
	v5 =	vld [tilespmem:s7+$0x2300]  }
0x22d: {  	s15 =	sand.u32 $0x380, s18;
	v4 =	vld [tilespmem:s7+$0x2A00];
	s8 =	sand.u32 $0x1800, s20  }
0x22e: {  	v3 =	vld [tilespmem:s7+$0x3100];
	s19 =	sor.u32 s15, s8  }
0x22f: {  	v7 =	vld [tilespmem:s19+$0xDC70]  }
0x230: {  	v9 =	vld [tilespmem:s19+$0xFC70]  }
0x231: {  	v10 =	vld [tilespmem:s19+$0xD800]  }
0x232: {  	v12 =	vld [tilespmem:s19+$0x11C70]  }
0x233: {  	v13 =	vld [tilespmem:s19+$0xF800]  }
0x234: {  	v16 =	vld [tilespmem:s19+$0x13C70]  }
0x235: {  	v17 =	vld [tilespmem:s19+$0xD810]  }
0x236: {  	v19 =	vld [tilespmem:s19+$0xF810]  }
0x237: {  	v20 =	vld [tilespmem:s19+$0xD820]  }
0x238: {  	v21 =	vld [tilespmem:s19+$0xD840]  }
0x239: {  	v22 =	vld [tilespmem:s19+$0xD850]  }
0x23a: {  	v23 =	vld [tilespmem:s19+$0xD860]  }
0x23b: {  	v24 =	vld [tilespmem:s19+$0xF860]  }
0x23c: {  	v25 =	vld [tilespmem:s19+$0xD870]  }
0x23d: {  	v26 =	vld [tilespmem:s19+$0xF870]  }
0x23e: {  	v27 =	vld [tilespmem:s19+$0xDC00]  }
0x23f: {  	v28 =	vld [tilespmem:s19+$0xFC00]  }
0x240: {  	v29 =	vld [tilespmem:s19+$0xDC10]  }
0x241: {  	v30 =	vld [tilespmem:s19+$0xFC10]  }
0x242: {  	v31 =	vld [tilespmem:s19+$0xDC20]  }
0x243: {  	v32 =	vld [tilespmem:s19+$0xFC20]  }
0x244: {  	v33 =	vld [tilespmem:s19+$0xDC30]  }
0x245: {  	v8 =	vmov s18;
	v34 =	vld [tilespmem:s19+$0xFC30]  }
0x246: {  	v8 =	vand.u32 $0xF, v8;
	v35 =	vld [tilespmem:s19+$0xDC40]  }
0x247: {  	v11 =	vbroadcast v8, $0x0;
	v36 =	vld [tilespmem:s19+$0xFC40]  }
0x248: {  	v37 =	vld [tilespmem:s19+$0xDC50]  }
0x249: {  	v38 =	vld [tilespmem:s19+$0xFC50];
	v14 =	vperm.xlane v6, v11;
	v15 =	vperm.xlane v5, v11  }
0x24a: {  	v39 =	vld [tilespmem:s19+$0xDC60];
	v8 =	vperm.xlane v4, v11  }
0x24b: {  	v40 =	vld [tilespmem:s19+$0xFC60];
	v18 =	vmul.f32 v7, v14;
	v9 =	vmul.f32 v9, v15  }
0x24c: {  	v41 =	vld [tilespmem:s19+$0x11800];
	v7 =	vperm.xlane v3, v11;
	v11 =	vmul.f32 v12, v8  }
0x24d: {  	v42 =	vld [tilespmem:s19+$0x11810];
	v10 =	vmul.f32 v10, v14;
	v13 =	vmul.f32 v13, v15  }
0x24e: {  	v43 =	vld [tilespmem:s19+$0x11820];
	v17 =	vmul.f32 v17, v14;
	v19 =	vmul.f32 v19, v15  }
0x24f: {  	v45 =	vld [tilespmem:s19+$0x11840];
	v52 =	vmul.f32 v26, v15;
	v53 =	vmul.f32 v28, v15  }
0x250: {  	v60 =	vld [tilespmem:s19+$0x13800];
	v54 =	vmul.f32 v29, v14;
	v55 =	vmul.f32 v30, v15;
	v9 =	vadd.f32 v9, v18  }
0x251: {  	v12 =	vld [tilespmem:s19+$0xF820];
	v56 =	vmul.f32 v31, v14;
	v57 =	vmul.f32 v32, v15  }
0x252: {  	v32 =	vld [tilespmem:s19+$0x11C60];
	v58 =	vmul.f32 v33, v14;
	v9 =	vadd.f32 v11, v9;
	v11 =	vmul.f32 v16, v7  }
0x253: {  	v59 =	vmul.f32 v34, v15;
	v61 =	vmul.f32 v35, v14;
	v18 =	vld [tilespmem:s19+$0xD830]  }
0x254: {  	v62 =	vmul.f32 v36, v15;
	v47 =	vmul.f32 v37, v14;
	v16 =	vld [tilespmem:s19+$0xF830];
	v9 =	vadd.f32 v11, v9  }
0x255: {  	v48 =	vmul.f32 v38, v15;
	v50 =	vmul.f32 v41, v8;
	v10 =	vadd.f32 v13, v10;
	v11 =	vld [tilespmem:s19+$0xF840]  }
0x256: {  	v13 =	vmul.f32 v20, v14;
	v17 =	vadd.f32 v19, v17;
	v29 =	vadd.f32 v59, v58;
	[tilespmem:s19+$0x15C70] =	vst v9;
	v9 =	vld [tilespmem:s19+$0xF850]  }
0x257: {  	v44 =	vld [tilespmem:s19+$0x11830];
	v34 =	vmul.f32 v60, v7;
	v59 =	vmul.f32 v45, v8;
	v10 =	vadd.f32 v50, v10  }
0x258: {  	v20 =	vld [tilespmem:s19+$0x11860];
	v31 =	vadd.f32 v62, v61;
	v12 =	vmul.f32 v12, v15;
	v62 =	vmul.f32 v32, v8  }
0x259: {  	v46 =	vld [tilespmem:s19+$0x11850];
	v10 =	vadd.f32 v34, v10;
	v18 =	vmul.f32 v18, v14;
	v16 =	vmul.f32 v16, v15  }
0x25a: {  	v63 =	vld [tilespmem:s19+$0x13810];
	v12 =	vadd.f32 v12, v13;
	v13 =	vmul.f32 v21, v14;
	v11 =	vmul.f32 v11, v15  }
0x25b: {  	v49 =	vld [tilespmem:s19+$0x13820];
	v16 =	vadd.f32 v16, v18;
	v18 =	vmul.f32 v22, v14;
	v9 =	vmul.f32 v9, v15  }
0x25c: {  	v51 =	vld [tilespmem:s19+$0x13830];
	v11 =	vadd.f32 v11, v13;
	v13 =	vmul.f32 v23, v14;
	v23 =	vmul.f32 v24, v15  }
0x25d: {  	v28 =	vld [tilespmem:s19+$0x11C40];
	v33 =	vadd.f32 v48, v47;
	[tilespmem:s19+$0x15800] =	vst v10;
	v10 =	vmul.f32 v20, v8;
	v15 =	vmul.f32 v40, v15  }
0x25e: {  	v19 =	vld [tilespmem:s19+$0x11870];
	v9 =	vadd.f32 v9, v18;
	v18 =	vmul.f32 v25, v14;
	v13 =	vadd.f32 v23, v13  }
0x25f: {  	v21 =	vld [tilespmem:s19+$0x11C00];
	v23 =	vmul.f32 v27, v14;
	v25 =	vadd.f32 v55, v54;
	v27 =	vadd.f32 v57, v56  }
0x260: {  	v14 =	vmul.f32 v39, v14;
	v54 =	vmul.f32 v43, v8;
	v57 =	vld [tilespmem:s19+$0x13860];
	v11 =	vadd.f32 v59, v11  }
0x261: {  	v18 =	vadd.f32 v52, v18;
	v23 =	vadd.f32 v53, v23;
	v52 =	vmul.f32 v42, v8;
	v53 =	vld [tilespmem:s19+$0x13840]  }
0x262: {  	v22 =	vld [tilespmem:s19+$0x11C10];
	v56 =	vadd.f32 v15, v14;
	v15 =	vmul.f32 v44, v8;
	v12 =	vadd.f32 v54, v12  }
0x263: {  	v24 =	vld [tilespmem:s19+$0x11C20];
	v20 =	vadd.f32 v10, v13;
	v14 =	vadd.f32 v52, v17;
	v17 =	vmul.f32 v63, v7  }
0x264: {  	v55 =	vld [tilespmem:s19+$0x13850];
	v13 =	vmul.f32 v21, v8;
	v15 =	vadd.f32 v15, v16;
	v16 =	vmul.f32 v46, v8  }
0x265: {  	v26 =	vld [tilespmem:s19+$0x11C30];
	v63 =	vmul.f32 v57, v7;
	v14 =	vadd.f32 v17, v14;
	v17 =	vmul.f32 v49, v7  }
0x266: {  	v30 =	vld [tilespmem:s19+$0x11C50];
	v9 =	vadd.f32 v16, v9;
	v16 =	vmul.f32 v19, v8;
	v21 =	vmul.f32 v53, v7  }
0x267: {  	v58 =	vld [tilespmem:s19+$0x13870];
	v20 =	vadd.f32 v63, v20;
	v10 =	vadd.f32 v17, v12;
	v12 =	vmul.f32 v51, v7  }
0x268: {  	v60 =	vld [tilespmem:s19+$0x13C00];
	[tilespmem:s19+$0x15810] =	vst v14;
	v61 =	vadd.f32 v16, v18;
	v14 =	vmul.f32 v22, v8;
	v22 =	vmul.f32 v28, v8  }
0x269: {  	v19 =	vld [tilespmem:s19+$0x13C10];
	v11 =	vadd.f32 v21, v11;
	v21 =	vmul.f32 v55, v7;
	[tilespmem:s19+$0x15820] =	vst v10;
	v10 =	vmul.f32 v24, v8  }
0x26a: {  	v16 =	vld [tilespmem:s19+$0x13C20];
	v18 =	vadd.f32 v12, v15;
	v15 =	vadd.f32 v13, v23;
	v13 =	vmul.f32 v26, v8  }
0x26b: {  	v17 =	vld [tilespmem:s19+$0x13C30];
	v23 =	vmul.f32 v30, v8;
	v21 =	vadd.f32 v21, v9;
	v12 =	vadd.f32 v10, v27  }
0x26c: {  	s6 =	sadd.s32 $0x100, s20;
	s15 =	simm.s32 $0x80;
	[tilespmem:s19+$0x15830] =	vst v18;
	v10 =	vadd.f32 v13, v29;
	v18 =	vld [tilespmem:s19+$0x13C40];
	v13 =	vadd.f32 v22, v31;
	v22 =	vmul.f32 v58, v7  }
0x26d: {  	p0 =	por p1, p1;
	s21 =	sand.u32 $0x1800, s6;
	s22 =	sand.u32 $0x380, s15;
	v14 =	vadd.f32 v14, v25;
	v8 =	vld [tilespmem:s19+$0x13C50];
	v9 =	vadd.f32 v62, v56;
	[tilespmem:s19+$0x15850] =	vst v21;
	v21 =	vmul.f32 v60, v7  }
0x26e: {  	s20 =	simm.s32 $0x1;
	s7 =	simm.s32 $0x2;
	s21 =	sor.u32 s22, s21;
	[tilespmem:s19+$0x15840] =	vst v11;
	v11 =	vadd.f32 v23, v33;
	v23 =	vadd.f32 v22, v61;
	v22 =	vmul.f32 v19, v7;
	v19 =	vld [tilespmem:s19+$0x13C60]  }
.LBB2_10:
0x26f: {  	p1 =	sne.s32 s7, $0xF;
	v24 =	vmov s20;
	v25 =	vld [tilespmem:s21+$0xDC70];
	[tilespmem:s19+$0x15860] =	vst v20;
	v15 =	vadd.f32 v21, v15;
	v16 =	vmul.f32 v16, v7;
	s20 =	smov.u32 s7  }
0x270: {  	v20 =	vand.u32 $0xF, v24;
	v21 =	vld [tilespmem:s21+$0xFC70];
	[tilespmem:s19+$0x15870] =	vst v23;
	v14 =	vadd.f32 v22, v14;
	v17 =	vmul.f32 v17, v7  }
0x271: {  	v20 =	vbroadcast v20, $0x0;
	v22 =	vld [tilespmem:s21+$0xD800];
	[tilespmem:s19+$0x15C00] =	vst v15;
	v15 =	vadd.f32 v16, v12;
	v16 =	vmul.f32 v18, v7  }
0x272: {  	v18 =	vld [tilespmem:s21+$0x11C70];
	[tilespmem:s19+$0x15C10] =	vst v14;
	v14 =	vadd.f32 v17, v10;
	v17 =	vmul.f32 v8, v7  }
0x273: {  	v12 =	vperm.xlane v6, v20;
	v10 =	vperm.xlane v5, v20;
	v23 =	vld [tilespmem:s21+$0xF800];
	[tilespmem:s19+$0x15C20] =	vst v15;
	v13 =	vadd.f32 v16, v13  }
0x274: {  	v8 =	vperm.xlane v4, v20;
	v7 =	vmul.f32 v19, v7;
	v15 =	vld [tilespmem:s21+$0x13C70];
	[tilespmem:s19+$0x15C30] =	vst v14;
	v11 =	vadd.f32 v17, v11  }
0x275: {  	v14 =	vld [tilespmem:s21+$0xD810];
	v16 =	vmul.f32 v25, v12;
	v17 =	vmul.f32 v21, v10;
	[tilespmem:s19+$0x15C40] =	vst v13  }
0x276: {  	v9 =	vadd.f32 v7, v9;
	v13 =	vmul.f32 v22, v12;
	v19 =	vld [tilespmem:s21+$0xF810];
	[tilespmem:s19+$0x15C50] =	vst v11  }
0x277: {  	v7 =	vperm.xlane v3, v20;
	v11 =	vld [tilespmem:s21+$0xD820];
	v16 =	vadd.f32 v17, v16;
	v17 =	vmul.f32 v18, v8  }
0x278: {  	v18 =	vmul.f32 v23, v10;
	v20 =	vld [tilespmem:s21+$0xF820];
	[tilespmem:s19+$0x15C60] =	vst v9;
	s19 =	smov.u32 s21  }
0x279: {  	v9 =	vld [tilespmem:s19+$0xD830];
	v16 =	vadd.f32 v17, v16;
	v15 =	vmul.f32 v15, v7  }
0x27a: {  	v13 =	vadd.f32 v18, v13;
	v14 =	vmul.f32 v14, v12;
	v17 =	vld [tilespmem:s19+$0xF830]  }
0x27b: {  	v18 =	vmul.f32 v19, v10;
	v19 =	vld [tilespmem:s19+$0xD840];
	v15 =	vadd.f32 v15, v16  }
0x27c: {  	v11 =	vmul.f32 v11, v12;
	v16 =	vld [tilespmem:s19+$0xF840]  }
0x27d: {  	v14 =	vadd.f32 v18, v14;
	v18 =	vmul.f32 v20, v10;
	v20 =	vld [tilespmem:s19+$0xD850];
	[tilespmem:s19+$0x15C70] =	vst v15  }
0x27e: {  	v9 =	vmul.f32 v9, v12;
	v15 =	vld [tilespmem:s19+$0xF850]  }
0x27f: {  	v11 =	vadd.f32 v18, v11;
	v17 =	vmul.f32 v17, v10;
	v18 =	vld [tilespmem:s19+$0xD860]  }
0x280: {  	v19 =	vmul.f32 v19, v12;
	v21 =	vld [tilespmem:s19+$0xF860]  }
0x281: {  	v9 =	vadd.f32 v17, v9;
	v16 =	vmul.f32 v16, v10;
	v17 =	vld [tilespmem:s19+$0xD870]  }
0x282: {  	v20 =	vmul.f32 v20, v12;
	v22 =	vld [tilespmem:s19+$0xF870]  }
0x283: {  	v16 =	vadd.f32 v16, v19;
	v15 =	vmul.f32 v15, v10;
	v19 =	vld [tilespmem:s19+$0xDC00]  }
0x284: {  	v18 =	vmul.f32 v18, v12;
	v23 =	vld [tilespmem:s19+$0xFC00]  }
0x285: {  	v15 =	vadd.f32 v15, v20;
	v20 =	vmul.f32 v21, v10;
	v21 =	vld [tilespmem:s19+$0xDC10]  }
0x286: {  	v17 =	vmul.f32 v17, v12;
	v24 =	vld [tilespmem:s19+$0xFC10]  }
0x287: {  	v18 =	vadd.f32 v20, v18;
	v20 =	vmul.f32 v22, v10;
	v22 =	vld [tilespmem:s19+$0xDC20]  }
0x288: {  	v19 =	vmul.f32 v19, v12;
	v25 =	vld [tilespmem:s19+$0xFC20]  }
0x289: {  	v17 =	vadd.f32 v20, v17;
	v20 =	vmul.f32 v23, v10;
	v23 =	vld [tilespmem:s19+$0xDC30]  }
0x28a: {  	v21 =	vmul.f32 v21, v12;
	v26 =	vld [tilespmem:s19+$0xFC30]  }
0x28b: {  	v19 =	vadd.f32 v20, v19;
	v20 =	vmul.f32 v24, v10;
	v24 =	vld [tilespmem:s19+$0xDC40]  }
0x28c: {  	v22 =	vmul.f32 v22, v12;
	v27 =	vld [tilespmem:s19+$0xFC40]  }
0x28d: {  	v20 =	vadd.f32 v20, v21;
	v21 =	vmul.f32 v25, v10;
	v25 =	vld [tilespmem:s19+$0xDC50]  }
0x28e: {  	v23 =	vmul.f32 v23, v12;
	v28 =	vld [tilespmem:s19+$0xFC50]  }
0x28f: {  	v21 =	vadd.f32 v21, v22;
	v22 =	vmul.f32 v26, v10;
	v26 =	vld [tilespmem:s19+$0xDC60]  }
0x290: {  	v24 =	vmul.f32 v24, v12;
	v29 =	vld [tilespmem:s19+$0xFC60]  }
0x291: {  	v30 =	vld [tilespmem:s19+$0x11800];
	v22 =	vadd.f32 v22, v23;
	v23 =	vmul.f32 v27, v10  }
0x292: {  	v27 =	vld [tilespmem:s19+$0x11810];
	v25 =	vmul.f32 v25, v12  }
0x293: {  	v31 =	vld [tilespmem:s19+$0x11820];
	v23 =	vadd.f32 v23, v24;
	v24 =	vmul.f32 v28, v10  }
0x294: {  	v28 =	vld [tilespmem:s19+$0x11830];
	v12 =	vmul.f32 v26, v12  }
0x295: {  	v26 =	vld [tilespmem:s19+$0x11840];
	v24 =	vadd.f32 v24, v25;
	v10 =	vmul.f32 v29, v10  }
0x296: {  	v25 =	vmul.f32 v30, v8;
	v29 =	vld [tilespmem:s19+$0x11850]  }
0x297: {  	v27 =	vmul.f32 v27, v8;
	v30 =	vld [tilespmem:s19+$0x11860];
	v32 =	vadd.f32 v10, v12  }
0x298: {  	v25 =	vadd.f32 v25, v13;
	v10 =	vmul.f32 v31, v8;
	v12 =	vld [tilespmem:s19+$0x11870]  }
0x299: {  	v27 =	vadd.f32 v27, v14;
	v13 =	vmul.f32 v28, v8;
	v14 =	vld [tilespmem:s19+$0x11C00]  }
0x29a: {  	v28 =	vadd.f32 v10, v11;
	v10 =	vmul.f32 v26, v8;
	v11 =	vld [tilespmem:s19+$0x11C10]  }
0x29b: {  	v26 =	vadd.f32 v13, v9;
	v9 =	vmul.f32 v29, v8;
	v13 =	vld [tilespmem:s19+$0x11C20]  }
0x29c: {  	v29 =	vadd.f32 v10, v16;
	v10 =	vmul.f32 v30, v8;
	v16 =	vld [tilespmem:s19+$0x11C30]  }
0x29d: {  	v30 =	vadd.f32 v9, v15;
	v9 =	vmul.f32 v12, v8;
	v31 =	vld [tilespmem:s19+$0x11C40]  }
0x29e: {  	v33 =	vadd.f32 v10, v18;
	v10 =	vmul.f32 v14, v8;
	v18 =	vld [tilespmem:s19+$0x11C50]  }
0x29f: {  	v34 =	vadd.f32 v9, v17;
	v9 =	vmul.f32 v11, v8;
	v11 =	vld [tilespmem:s19+$0x11C60]  }
0x2a0: {  	v17 =	vld [tilespmem:s19+$0x13800];
	v15 =	vadd.f32 v10, v19;
	v10 =	vmul.f32 v13, v8  }
0x2a1: {  	v19 =	vld [tilespmem:s19+$0x13810];
	v14 =	vadd.f32 v9, v20;
	v9 =	vmul.f32 v16, v8  }
0x2a2: {  	v16 =	vld [tilespmem:s19+$0x13820];
	v12 =	vadd.f32 v10, v21;
	v13 =	vmul.f32 v31, v8  }
0x2a3: {  	v20 =	vld [tilespmem:s19+$0x13830];
	v10 =	vadd.f32 v9, v22;
	v9 =	vmul.f32 v18, v8  }
0x2a4: {  	v18 =	vld [tilespmem:s19+$0x13840];
	v13 =	vadd.f32 v13, v23;
	v8 =	vmul.f32 v11, v8  }
0x2a5: {  	v17 =	vmul.f32 v17, v7;
	v21 =	vld [tilespmem:s19+$0x13850];
	v11 =	vadd.f32 v9, v24  }
0x2a6: {  	v19 =	vmul.f32 v19, v7;
	v22 =	vld [tilespmem:s19+$0x13860];
	v9 =	vadd.f32 v8, v32  }
0x2a7: {  	v8 =	vadd.f32 v17, v25;
	v16 =	vmul.f32 v16, v7;
	v23 =	vld [tilespmem:s19+$0x13870]  }
0x2a8: {  	v17 =	vadd.f32 v19, v27;
	v19 =	vmul.f32 v20, v7;
	v24 =	vld [tilespmem:s19+$0x13C00]  }
0x2a9: {  	[tilespmem:s19+$0x15800] =	vst v8;
	v8 =	vadd.f32 v16, v28;
	v18 =	vmul.f32 v18, v7;
	v25 =	vld [tilespmem:s19+$0x13C10]  }
.Ltmp3:
0x2aa: {  	[tilespmem:s19+$0x15810] =	vst v17;
	v19 =	vadd.f32 v19, v26;
	v20 =	vmul.f32 v21, v7;
	v16 =	vld [tilespmem:s19+$0x13C20];
	(pc) =	sbr.rel @p1 .LBB2_10-.Ltmp3, $4  }
0x2ab: {  	[tilespmem:s19+$0x15820] =	vst v8;
	v8 =	vadd.f32 v18, v29;
	v21 =	vmul.f32 v22, v7;
	v17 =	vld [tilespmem:s19+$0x13C30]  }
0x2ac: {  	s15 =	sadd.s32 $0x80, s15;
	s6 =	sadd.s32 $0x100, s6;
	[tilespmem:s19+$0x15830] =	vst v19;
	v19 =	vadd.f32 v20, v30;
	v22 =	vmul.f32 v23, v7;
	v18 =	vld [tilespmem:s19+$0x13C40]  }
0x2ad: {  	s8 =	sand.u32 $0x1800, s6;
	s21 =	sand.u32 $0x380, s15;
	[tilespmem:s19+$0x15840] =	vst v8;
	v20 =	vadd.f32 v21, v33;
	v21 =	vmul.f32 v24, v7;
	v8 =	vld [tilespmem:s19+$0x13C50]  }
0x2ae: {  	s7 =	sadd.s32 $0x1, s7;
	s21 =	sor.u32 s21, s8;
	[tilespmem:s19+$0x15850] =	vst v19;
	v23 =	vadd.f32 v22, v34;
	v22 =	vmul.f32 v25, v7;
	v19 =	vld [tilespmem:s19+$0x13C60]  }
0x2af: {  	v24 =	vld [tilespmem:s21+$0xDC70];
	[tilespmem:s19+$0x15860] =	vst v20;
	v15 =	vadd.f32 v21, v15;
	v16 =	vmul.f32 v16, v7  }
0x2b0: {  	v20 =	vld [tilespmem:s21+$0xFC70];
	[tilespmem:s19+$0x15870] =	vst v23;
	v14 =	vadd.f32 v22, v14;
	v17 =	vmul.f32 v17, v7  }
0x2b1: {  	v63 =	vld [tilespmem:s21+$0xD800];
	[tilespmem:s19+$0x15C00] =	vst v15;
	v12 =	vadd.f32 v16, v12;
	v18 =	vmul.f32 v18, v7  }
0x2b2: {  	v15 =	vld [tilespmem:s21+$0x11C70];
	[tilespmem:s19+$0x15C10] =	vst v14;
	v10 =	vadd.f32 v17, v10;
	v8 =	vmul.f32 v8, v7  }
0x2b3: {  	v14 =	vld [tilespmem:s21+$0xF800];
	[tilespmem:s19+$0x15C20] =	vst v12;
	v13 =	vadd.f32 v18, v13  }
0x2b4: {  	v45 =	vmul.f32 v19, v7;
	v44 =	vld [tilespmem:s21+$0x13C70];
	[tilespmem:s19+$0x15C30] =	vst v10;
	v8 =	vadd.f32 v8, v11  }
0x2b5: {  	v10 =	vld [tilespmem:s21+$0xD810];
	[tilespmem:s19+$0x15C40] =	vst v13  }
0x2b6: {  	v7 =	vadd.f32 v45, v9;
	v46 =	vld [tilespmem:s21+$0xF810];
	[tilespmem:s19+$0x15C50] =	vst v8  }
0x2b7: {  	v49 =	vld [tilespmem:s21+$0xD820]  }
0x2b8: {  	v50 =	vld [tilespmem:s21+$0xF820];
	[tilespmem:s19+$0x15C60] =	vst v7  }
0x2b9: {  	v7 =	vld [tilespmem:s21+$0xD830]  }
0x2ba: {  	v53 =	vld [tilespmem:s21+$0xF830]  }
0x2bb: {  	v54 =	vld [tilespmem:s21+$0xD840]  }
0x2bc: {  	v55 =	vld [tilespmem:s21+$0xF840]  }
0x2bd: {  	v56 =	vld [tilespmem:s21+$0xD850]  }
0x2be: {  	v57 =	vld [tilespmem:s21+$0xF850]  }
0x2bf: {  	v58 =	vld [tilespmem:s21+$0xD860]  }
0x2c0: {  	v59 =	vld [tilespmem:s21+$0xF860]  }
0x2c1: {  	v60 =	vld [tilespmem:s21+$0xD870]  }
0x2c2: {  	v61 =	vld [tilespmem:s21+$0xF870]  }
0x2c3: {  	v23 =	vld [tilespmem:s21+$0xDC00]  }
0x2c4: {  	v62 =	vld [tilespmem:s21+$0xFC00]  }
0x2c5: {  	v25 =	vld [tilespmem:s21+$0xDC10]  }
0x2c6: {  	v42 =	vmov s20;
	v26 =	vld [tilespmem:s21+$0xFC10]  }
0x2c7: {  	v43 =	vand.u32 $0xF, v42;
	v27 =	vld [tilespmem:s21+$0xDC20]  }
0x2c8: {  	v12 =	vbroadcast v43, $0x0;
	v28 =	vld [tilespmem:s21+$0xFC20]  }
0x2c9: {  	v29 =	vld [tilespmem:s21+$0xDC30]  }
0x2ca: {  	v6 =	vperm.xlane v6, v12;
	v30 =	vld [tilespmem:s21+$0xFC30]  }
0x2cb: {  	v5 =	vperm.xlane v5, v12;
	v4 =	vperm.xlane v4, v12;
	v31 =	vld [tilespmem:s21+$0xDC40]  }
0x2cc: {  	v3 =	vperm.xlane v3, v12;
	v47 =	vmul.f32 v24, v6;
	v32 =	vld [tilespmem:s21+$0xFC40]  }
0x2cd: {  	v48 =	vmul.f32 v20, v5;
	v51 =	vmul.f32 v15, v4;
	v33 =	vld [tilespmem:s21+$0xDC50]  }
0x2ce: {  	v21 =	vmul.f32 v63, v6;
	v34 =	vld [tilespmem:s21+$0xFC50];
	v14 =	vmul.f32 v14, v5  }
0x2cf: {  	v35 =	vld [tilespmem:s21+$0xDC60];
	v52 =	vmul.f32 v44, v3;
	v10 =	vmul.f32 v10, v6  }
0x2d0: {  	v36 =	vld [tilespmem:s21+$0xFC60];
	v11 =	vmul.f32 v46, v5;
	v9 =	vmul.f32 v49, v6  }
0x2d1: {  	v37 =	vld [tilespmem:s21+$0x11800];
	v17 =	vmul.f32 v50, v5;
	v7 =	vmul.f32 v7, v6  }
0x2d2: {  	v38 =	vld [tilespmem:s21+$0x11810];
	v8 =	vadd.f32 v48, v47;
	v13 =	vmul.f32 v53, v5;
	v15 =	vmul.f32 v54, v6  }
0x2d3: {  	v39 =	vld [tilespmem:s21+$0x11820];
	v63 =	vmul.f32 v55, v5;
	v46 =	vmul.f32 v56, v6  }
0x2d4: {  	v40 =	vld [tilespmem:s21+$0x11830];
	v8 =	vadd.f32 v51, v8;
	v47 =	vmul.f32 v58, v6;
	v48 =	vmul.f32 v59, v5  }
0x2d5: {  	v41 =	vld [tilespmem:s21+$0x11840];
	v49 =	vmul.f32 v60, v6;
	v50 =	vmul.f32 v61, v5  }
0x2d6: {  	v42 =	vld [tilespmem:s21+$0x11850];
	v8 =	vadd.f32 v52, v8;
	v51 =	vmul.f32 v23, v6;
	v52 =	vmul.f32 v62, v5  }
0x2d7: {  	v43 =	vld [tilespmem:s21+$0x11860];
	v53 =	vmul.f32 v25, v6;
	v54 =	vmul.f32 v26, v5  }
0x2d8: {  	v45 =	vld [tilespmem:s21+$0x11C00];
	v14 =	vadd.f32 v14, v21;
	v55 =	vmul.f32 v27, v6;
	v58 =	vmul.f32 v29, v6  }
0x2d9: {  	v16 =	vld [tilespmem:s21+$0x11C20];
	v10 =	vadd.f32 v11, v10;
	v60 =	vmul.f32 v30, v5;
	v61 =	vmul.f32 v31, v6  }
0x2da: {  	v18 =	vld [tilespmem:s21+$0x11C30];
	v9 =	vadd.f32 v17, v9;
	[tilespmem:s21+$0x15C70] =	vst v8;
	v8 =	vmul.f32 v57, v5;
	v7 =	vadd.f32 v13, v7  }
0x2db: {  	v20 =	vld [tilespmem:s21+$0x11C40];
	v11 =	vadd.f32 v63, v15;
	v13 =	vadd.f32 v48, v47;
	v57 =	vmul.f32 v28, v5  }
0x2dc: {  	v44 =	vld [tilespmem:s21+$0x11870];
	v15 =	vadd.f32 v50, v49;
	v63 =	vmul.f32 v32, v5;
	v48 =	vmul.f32 v38, v4  }
0x2dd: {  	v21 =	vld [tilespmem:s21+$0x11C10];
	v12 =	vadd.f32 v52, v51;
	v51 =	vmul.f32 v33, v6;
	v52 =	vmul.f32 v34, v5  }
0x2de: {  	v23 =	vld [tilespmem:s21+$0x11C50];
	v17 =	vadd.f32 v54, v53;
	v54 =	vmul.f32 v39, v4;
	v6 =	vmul.f32 v35, v6  }
0x2df: {  	v56 =	vld [tilespmem:s21+$0x13800];
	v22 =	vadd.f32 v60, v58;
	v5 =	vmul.f32 v36, v5;
	v33 =	vmul.f32 v43, v4  }
0x2e0: {  	v59 =	vld [tilespmem:s21+$0x13810];
	v38 =	vmul.f32 v45, v4;
	v45 =	vmul.f32 v18, v4;
	v8 =	vadd.f32 v8, v46  }
0x2e1: {  	v62 =	vld [tilespmem:s21+$0x13820];
	v46 =	vmul.f32 v37, v4;
	v19 =	vadd.f32 v57, v55;
	v24 =	vadd.f32 v63, v61  }
0x2e2: {  	v47 =	vld [tilespmem:s21+$0x13830];
	v10 =	vadd.f32 v48, v10;
	v32 =	vadd.f32 v52, v51;
	v61 =	vmul.f32 v42, v4  }
0x2e3: {  	v49 =	vld [tilespmem:s21+$0x13840];
	v9 =	vadd.f32 v54, v9;
	v37 =	vmul.f32 v44, v4;
	v42 =	vmul.f32 v16, v4  }
0x2e4: {  	v50 =	vld [tilespmem:s21+$0x13850];
	v5 =	vadd.f32 v5, v6;
	v48 =	vmul.f32 v20, v4;
	v27 =	vmul.f32 v56, v3  }
0x2e5: {  	v53 =	vld [tilespmem:s21+$0x13860];
	v12 =	vadd.f32 v38, v12;
	v29 =	vmul.f32 v59, v3;
	v56 =	vmul.f32 v40, v4  }
0x2e6: {  	v60 =	vld [tilespmem:s21+$0x13C10];
	v58 =	vmul.f32 v62, v3;
	v59 =	vmul.f32 v41, v4;
	v14 =	vadd.f32 v46, v14  }
0x2e7: {  	v43 =	vld [tilespmem:s21+$0x13C40];
	v40 =	vmul.f32 v21, v4;
	v8 =	vadd.f32 v61, v8;
	v10 =	vadd.f32 v29, v10  }
0x2e8: {  	v55 =	vld [tilespmem:s21+$0x13870];
	v7 =	vadd.f32 v56, v7;
	v9 =	vadd.f32 v58, v9;
	v62 =	vmul.f32 v47, v3  }
0x2e9: {  	v57 =	vld [tilespmem:s21+$0x13C00];
	v63 =	vadd.f32 v59, v11;
	v36 =	vmul.f32 v49, v3;
	v14 =	vadd.f32 v27, v14;
	[tilespmem:s21+$0x15810] =	vst v10  }
0x2ea: {  	v34 =	vld [tilespmem:s21+$0x13C20];
	v11 =	vadd.f32 v33, v13;
	v41 =	vmul.f32 v50, v3;
	v7 =	vadd.f32 v62, v7;
	[tilespmem:s21+$0x15820] =	vst v9  }
0x2eb: {  	v25 =	vld [tilespmem:s21+$0x11C60];
	v44 =	vmul.f32 v53, v3;
	v13 =	vadd.f32 v42, v19;
	v6 =	vadd.f32 v36, v63;
	[tilespmem:s21+$0x15800] =	vst v14  }
0x2ec: {  	v39 =	vld [tilespmem:s21+$0x13C30];
	v56 =	vadd.f32 v48, v24;
	v59 =	vmul.f32 v43, v3;
	v8 =	vadd.f32 v41, v8;
	[tilespmem:s21+$0x15830] =	vst v7  }
0x2ed: {  	v47 =	vld [tilespmem:s21+$0x13C50];
	v10 =	vadd.f32 v37, v15;
	v46 =	vmul.f32 v55, v3;
	v9 =	vadd.f32 v44, v11;
	[tilespmem:s21+$0x15840] =	vst v6  }
0x2ee: {  	v52 =	vld [tilespmem:s21+$0x13C60];
	v51 =	vmul.f32 v60, v3;
	v49 =	vmul.f32 v57, v3;
	v62 =	vadd.f32 v59, v56;
	[tilespmem:s21+$0x15850] =	vst v8  }
0x2ef: {  	v53 =	vmul.f32 v23, v4;
	v55 =	vmul.f32 v34, v3;
	v50 =	vadd.f32 v46, v10;
	[tilespmem:s21+$0x15860] =	vst v9  }
0x2f0: {  	v4 =	vmul.f32 v25, v4;
	v7 =	vadd.f32 v40, v17;
	v54 =	vadd.f32 v49, v12;
	[tilespmem:s21+$0x15C40] =	vst v62  }
0x2f1: {  	v57 =	vmul.f32 v39, v3;
	v6 =	vadd.f32 v45, v22;
	v58 =	vadd.f32 v55, v13;
	[tilespmem:s21+$0x15870] =	vst v50  }
0x2f2: {  	v60 =	vadd.f32 v53, v32;
	v61 =	vmul.f32 v47, v3;
	v7 =	vadd.f32 v51, v7;
	[tilespmem:s21+$0x15C00] =	vst v54  }
.Ltmp4:
0x2f3: {  	v4 =	vadd.f32 v4, v5;
	v3 =	vmul.f32 v52, v3;
	v6 =	vadd.f32 v57, v6;
	[tilespmem:s21+$0x15C20] =	vst v58;
	(pc) =	sbr.rel @p0 .LBB2_9-.Ltmp4, $4  }
0x2f4: {  	v63 =	vadd.f32 v61, v60;
	[tilespmem:s21+$0x15C10] =	vst v7  }
0x2f5: {  	v3 =	vadd.f32 v3, v4;
	[tilespmem:s21+$0x15C30] =	vst v6  }
0x2f6: {  	[tilespmem:s21+$0x15C50] =	vst v63  }
0x2f7: {  	s6 =	simm.s32 $0x10;
	p1 =	por $0x0, $0x0;
	[tilespmem:s21+$0x15C60] =	vst v3  }
0x2f8: {  	s16 =	sadd.s32 $0x1, s16  }
0x2f9: {  	p0 =	sne.s32 s16, $0x1C  }
.Ltmp5:
0x2fa: {  	_ = 	snop;
	(pc) =	sbr.rel @p0 .LBB2_2-.Ltmp5, $4  }
0x2fb: {  	s6 =	sadd.s32 s3, s17  }
0x2fc: {  	s6 =	sshll.u32 s6, $0x5  }
0x2fd: {  	s6 =	sadd.s32 s5, s6  }
0x2fe: {  	[hbm4b:s6+s2] =	stream.linear.scatter [tilespmem:s0], [sflag:$0x4], $0x2000, $0x38;
	[tilespmem:$0x17800] =	vst v63  }
0x2ff: {  	s6 =	simm.s32 $0x3  }
0x300: {  	_ =	swait.ge [sflag:s6], $0x2000  }
0x301: {  	[sflag:s6] =	ssyncset.done $0x0  }
0x302: {  	s7 =	simm.s32 $0x4;
	[sflag:s6] =	ssyncadd.s32 $0xFFFFE000  }
0x303: {  	_ =	swait.ge [sflag:s7], $0x2000  }
0x304: {  	s8 =	rddreg [dreg:$0xc]  }
0x305: {  	s22 =	rddreg [dreg:$0xb];
	s8 =	sadd.s32 $0x1, s8  }
0x306: {  	p0 =	sne.s32 s8, s22  }
.Ltmp6:
0x307: {  	_ = 	snop;
	(pc) =	sbr.rel @p0 .LBB2_1-.Ltmp6, $3  }
0x308: {  	_ =	sdelay $0x1  }
0x309: {  	[sflag:s7] =	ssyncset.done $0x0  }
0x30a: {  	[sflag:s7] =	ssyncadd.s32 $0xFFFFE000  }
0x30b: {  	_ =	sfence.sel $0x180000  }
0x30c: {  	[bflag:$0x0] =	sbarrier.arrive $0xFFFF  }
0x30d: {  	_ =	strace $0x90000047  }
0x30e: {  	s0 =	stileid.u32;
	[bflag:$0x2] =	sbarrier.arrive $0xFFFF  }
0x30f: {  	p0 =	sne.s32 s0, $0x0;
	s0 =	rddreg [dreg:$0x2]  }
0x310: {  	s0 =	sadd.s32 @!p0 $0x100000, s0  }
0x311: {  	[sflag:s0] =	ssyncadd.tile.s32 @!p0 $0x1;
	_ =	shalt  }
.Lfunc_end2:
_tile_overlayer_lowered:
.L_overlay_start_2:
0x312: {  	(tag) =	ssettag $0x2  }
0x313: {  	s0 =	rddreg [dreg:$0x0];
	s2 =	stileid.u32  }
0x314: {  	s1 =	rddreg [dreg:$0x1];
	p0 =	sne.s32 s2, $0x0  }
0x315: {  	s3 =	rddreg [dreg:$0x2];
	[bflag:$0x3] =	sbarrier.arrive $0xFFFF;
	s2 =	simm.s32 @!p0 $0x1C05  }
0x316: {  	[timem:s3], [sflag:s2] =	dma.local @!p0 [hbm:s0], s1  }
0x317: {  	s0 =	simm.s32 @!p0 $0x5  }
0x318: {  	_ =	swait.ge @!p0 [sflag:s0], s1  }
0x319: {  	s1 =	ssub.s32 @!p0 $0x0, s1;
	[sflag:s0] =	ssyncset.done @!p0 $0x0  }
0x31a: {  	[sflag:s0] =	ssyncadd.s32 @!p0 s1  }
0x31b: {  	[bflag:$0x3] =	sbarrier.arrive $0xFFFF  }
0x31c: {  	_ =	shalt  }

// kernel: sparse-core-data-format-call.cloned.1.call-start
scs
called_computation_lowered:
.L_overlay_start_0:
0x0: {  	s2 =	sld [smem:$0x3FD9]  }
0x1: {  	s3 =	sld [smem:$0x3FFE];
	_ =	sdelay $0x1  }
0x2: {  	s1 =	srdreg.scid  }
0x3: {  	s0 =	sand.u32 $0x1, s1  }
0x4: {  	s18 =	sshll.u32 s0, $0xA;
	s2 =	sadd.s32 s3, s2  }
0x5: {  	s2 =	sadd.s32 s2, s18  }
0x6: {  	[smem:$0x3FC2] =	sst s2  }
0x7: {  	_ = 	snop  }
0x8: {  	s2 =	sld [smem:$0x3FD0];
	(tm) =	ssettm $0x1  }
0x9: {  	s19 =	sld [smem:$0x3FFB];
	_ =	sdelay $0x3  }
0xa: {  	_ =	strace s19  }
0xb: {  	s3 =	sld [smem:$0x3FFC];
	_ =	sdelay $0x3  }
0xc: {  	_ =	strace s3  }
0xd: {  	s3 =	sld [smem:$0x3FFD];
	_ =	sdelay $0x3  }
0xe: {  	_ =	strace s3  }
0xf: {  	_ =	strace $0x8FFFFFFF  }
0x10: {  	s20 =	sld [smem:$0x3FDB];
	_ =	sdelay $0x1  }
0x11: {  	s4 =	simm.s32 $_scs_section_size  }
0x12: {  	s5 =	simm.s32 $_size__tile_overlayer_lowered;
	s6 =	simm.s32 $_tile_overlayer_lowered  }
0x13: {  	s23 =	simm.s32 $0x1BFF;
	s22 =	sshll.u32 s6, $0x1;
	s3 =	sadd.s32 s4, s20  }
0x14: {  	s7 =	simm.s32 $0x0;
	s21 =	sshll.u32 s5, $0x1;
	s5 =	sadd.s32 s22, s3  }
0x15: {  	[timem:s7], [sflag:s23] =	dma.local [hbm:s5], s21  }
0x16: {  	_ =	swait.ge [sflag:s23], s21  }
0x17: {  	s4 =	ssub.s32 $0x0, s21;
	[sflag:s23] =	ssyncset.done $0x0  }
0x18: {  	[sflag:s23] =	ssyncadd.s32 s4;
	_ =	sdelay $0x1  }
0x19: {  	s24 =	simm.s32 $0x1B8B  }
0x1a: {  	_ =	swait.ge [sflag:s24], $0x1  }
0x1b: {  	[sflag:s24] =	ssyncset.done $0x0  }
0x1c: {  	s26 =	simm.s32 $0x1B8E;
	s25 =	sld [smem:$0x3FFE];
	[sflag:s24] =	ssyncadd.s32 $0xFFFFFFFF  }
0x1d: {  	s27 =	simm.s32 $execute0_lowered;
	[smem:$0x3FD2] =	sst s26  }
0x1e: {  	s5 =	sshll.u32 s27, $0x1;
	_ =	strace $0x80000049;
	[dreg:$0x1] =	wrdreg $0xFFFFFFFF  }
0x1f: {  	s28 =	simm.s32 $_size_execute0_lowered;
	s3 =	sadd.s32 s3, s5;
	[dreg:$0x0] =	wrdreg $0x0  }
0x20: {  	s5 =	sshll.u32 s28, $0x1;
	[dreg:$0x2] =	wrdreg s3  }
0x21: {  	[dreg:$0x3] =	wrdreg s5  }
0x22: {  	[dreg:$0x4] =	wrdreg $0xC0  }
0x23: {  	_ =	task [dreg:s7], $0x5FFFF  }
0x24: {  	[dreg:$0x1] =	wrdreg $0xFFFFFFFF  }
0x25: {  	[dreg:$0x0] =	wrdreg $0x60  }
0x26: {  	[dreg:$0x2] =	wrdreg s25  }
0x27: {  	[dreg:$0x3] =	wrdreg s2  }
0x28: {  	[dreg:$0x4] =	wrdreg $0x9  }
0x29: {  	_ =	task.clear_ibuf [dreg:s7], $0x5FFFF;
	_ =	strace $0x90000049  }
0x2a: {  	s29 =	simm.s32 $0x9;
	_ =	strace $0x8000004B  }
0x2b: {  	_ =	swait.ge [sflag:s29], $0x1  }
0x2c: {  	[sflag:s29] =	ssyncadd.s32 $0xFFFFFFFF  }
0x2d: {  	_ =	strace $0x9000004B  }
0x2e: {  	_ =	sfence  }
0x2f: {  	s30 =	sld [smem:$0x0];
	_ =	sdelay $0x2  }
0x30: {  	s31 =	sshll.u32 s1, $0xD;
	s1 =	sshrl.u32 s1, $0x2  }
0x31: {  	s3 =	sand.u32 $0x4000, s31;
	s1 =	sadd.s32 s1, s30  }
0x32: {  	s0 =	sor.u32 s3, s0;
	s1 =	sshll.u32 s1, $0x11  }
0x33: {  	s0 =	sor.u32 s1, s0  }
0x34: {  	s0 =	sadd.s32 $0x8F2B, s0  }
0x35: {  	[sflag:s0] =	ssyncadd.remote.s32 $0x1  }
0x36: {  	_ =	sfence.sel $0xFFFF  }
0x37: {  	[dreg:$0x0] =	wrdreg $0xFFFFFFFF;
	(pc) =	sbr.abs _section_cstart, $3  }
0x38: {  	[dreg:$0x1] =	wrdreg $0xFFFFFFFF  }
0x39: {  	_ =	task.clear_ibuf [dreg:s7], $0x2FFFF;
	_ =	strace $0x9FFFFFFF  }
0x3a: {  	(tm) =	ssettm $0x7FFFFFFF  }
0x3b: {  	_ =	shalt  }
tec
execute0_lowered:
.L_overlay_start_1:
0x0: {  	(tag) =	ssettag $0x1  }
0x1: {  	s0 =	stileid.u32;
	s8 =	rddreg [dreg:$0x0]  }
0x2: {  	s3 =	srdreg.scid;
	s2 =	rddreg [dreg:$0x1];
	s6 =	simm.s32 $0x1  }
0x3: {  	s9 =	simm.s32 $0x1C;
	s31 =	simm.s32 $0x2;
	s20 =	simm.s32 $0x0  }
0x4: {  	s10 =	simm.s32 $0x400;
	s11 =	simm.s32 $0x800;
	s1 =	sshll.u32 s0, $0x7  }
0x5: {  	s12 =	simm.s32 $0x0;
	s17 =	simm.s32 $0x0;
	s1 =	sand.u32 $0x380, s1  }
0x6: {  	s19 =	simm.s32 $0x0;
	s18 =	simm.s32 $0x0;
	s5 =	ssub.s32 $0x400, s1  }
0x7: {  	s13 =	simm.s32 $0x0;
	s3 =	sshll.u32 s3, $0x7;
	s4 =	sand.u32 $0x380, s5  }
0x8: {  	s3 =	sand.u32 $0x80, s3;
	p0 =	sne.s32 s4, $0x0;
	s4 =	sshrl.u32 s0, $0x3  }
0x9: {  	s5 =	sshrl.u32 s5, $0xA;
	s6 =	simm.s32 @!p0 $0x0;
	p0 =	seq.s32 s4, $0x0  }
0xa: {  	s7 =	ssub.s32 $0x100, s3;
	s5 =	sadd.s32 s6, s5;
	s9 =	simm.s32 @!p0 $0x15  }
0xb: {  	s16 =	simm.s32 $0x0;
	s30 =	sshrl.u32 s7, $0x7;
	s9 =	smul.u32 s5, s9  }
.Ltmp0:
0xc: {  	s7 =	sshrl.u32 s7, $0x8;
	s6 =	sand.u32 $0x1, s30;
	(pc) =	sbr.rel .LBB1_1-.Ltmp0, $4  }
0xd: {  	s8 =	sadd.s32 s3, s8;
	s5 =	rddreg [dreg:$0x2];
	s7 =	sadd.s32 s7, s6  }
0xe: {  	_ =	strace $0x8000004A;
	s6 =	simm.s32 $0x1;
	s7 =	smul.u32 s7, s9  }
0xf: {  	s15 =	smov.u32 s1;
	s8 =	sadd.s32 $0x2B5000, s8;
	[sflag:s6] =	ssyncpa.u1 $0x0  }
0x10: {  	s14 =	smov.u32 s4;
	[sflag:s31] =	ssyncpa.u1 $0x0;
	s9 =	sadd.s32 $0x1, s7  }
.LBB1_4:
0x11: {  	_ =	sdelay $0x3  }
0x12: {  	[tilespmem:v0+s23+$0xFFFFFFD0 ss:$0x1] =	vst.idx.msk $0xffff, v6  }
0x13: {  	v56 =	vld.idx.msk [tilespmem:v1+s22+$0x0 ss:$0x1], $0xffff;
	[tilespmem:v0+s23+$0xFFFFFFE0 ss:$0x1] =	vst.idx.msk $0xffff, v4  }
0x14: {  	v57 =	vld.idx.msk [tilespmem:v1+s22+$0xFFFFFF90 ss:$0x1], $0xffff;
	[tilespmem:v0+s23+$0xFFFFFFF0 ss:$0x1] =	vst.idx.msk $0xffff, v2  }
0x15: {  	v58 =	vld.idx.msk [tilespmem:v1+s22+$0xFFFFFFA0 ss:$0x1], $0xffff;
	[tilespmem:v0+s23+$0x0 ss:$0x1] =	vst.idx.msk $0xffff, v3  }
0x16: {  	v59 =	vld.idx.msk [tilespmem:v1+s22+$0xFFFFFFB0 ss:$0x1], $0xffff;
	[tilespmem:v0+s23+$0x10 ss:$0x1] =	vst.idx.msk $0xffff, v5  }
0x17: {  	v60 =	vld.idx.msk [tilespmem:v1+s22+$0xFFFFFFC0 ss:$0x1], $0xffff;
	[tilespmem:v0+s23+$0x20 ss:$0x1] =	vst.idx.msk $0xffff, v7  }
0x18: {  	v61 =	vld.idx.msk [tilespmem:v1+s22+$0xFFFFFFD0 ss:$0x1], $0xffff;
	[tilespmem:v0+s22+$0x30 ss:$0x1] =	vst.idx.msk $0xffff, v56  }
0x19: {  	s28 =	sshll.u32 s18, $0x8;
	v62 =	vld.idx.msk [tilespmem:v1+s22+$0xFFFFFFE0 ss:$0x1], $0xffff;
	s20 =	sshll.u32 s20, $0x3;
	[tilespmem:v0+s22+$0xFFFFFFC0 ss:$0x1] =	vst.idx.msk $0xffff, v57  }
0x1a: {  	s24 =	sshll.u32 s18, $0x7;
	v63 =	vld.idx.msk [tilespmem:v1+s22+$0xFFFFFFF0 ss:$0x1], $0xffff;
	s19 =	smul.u32 $0x38000, s19;
	s23 =	sand.u32 $0x3F800, s28;
	[tilespmem:v0+s22+$0xFFFFFFD0 ss:$0x1] =	vst.idx.msk $0xffff, v58  }
0x1b: {  	s17 =	sshll.u32 s17, $0xF;
	s29 =	sand.u32 $0x300, s24;
	s20 =	sor.u32 s23, s20;
	[tilespmem:v0+s22+$0xFFFFFFE0 ss:$0x1] =	vst.idx.msk $0xffff, v59  }
0x1c: {  	s30 =	sshll.u32 s18, $0x4;
	s19 =	sadd.s32 s2, s19;
	s20 =	sor.u32 s29, s20;
	[tilespmem:v0+s22+$0xFFFFFFF0 ss:$0x1] =	vst.idx.msk $0xffff, v60  }
0x1d: {  	s18 =	sand.u32 $0x10, s30;
	s17 =	sadd.s32 s17, s19;
	s20 =	sshrl.u32 s20, $0x3;
	[tilespmem:v0+s22+$0x0 ss:$0x1] =	vst.idx.msk $0xffff, v61  }
0x1e: {  	s17 =	sadd.s32 s18, s17;
	[tilespmem:v0+s22+$0x10 ss:$0x1] =	vst.idx.msk $0xffff, v62;
	s31 =	sand.u32 $0x7FE0, s20  }
0x1f: {  	[tilespmem:v0+s22+$0x20 ss:$0x1] =	vst.idx.msk $0xffff, v63;
	s17 =	sadd.s32 s31, s17  }
0x20: {  	[hbm4b:s17+s10] =	stream.strided.scatter [tilespmem:s21], [sflag:$0x2], $0x4000, s11, s10, $0x38;
	[tilespmem:$0x10000] =	vst v63  }
.LBB1_5:
0x21: {  	s21 =	sadd.s32 $0x1, s13  }
0x22: {  	s17 =	sadd.s32 $0x2, s14;
	s22 =	smov.u32 s14;
	p1 =	sgt.s32 s21, $0x6  }
0x23: {  	s22 =	smov.u32 @p1 s17  }
0x24: {  	s23 =	smov.u32 s15;
	s17 =	sadd.s32 $0x400, s15;
	p2 =	sgt.s32 s22, $0x6  }
0x25: {  	s23 =	smov.u32 @p2 s17  }
0x26: {  	s21 =	simm.s32 @p1 $0x0;
	p1 =	sgt.s32 s23, $0x3FF  }
0x27: {  	p0 =	slt.u32 s16, $0x2;
	s23 =	smov.u32 @p1 s1;
	p1 =	sne.s32 s16, s9  }
.Ltmp1:
0x28: {  	s19 =	smov.u32 s14;
	s20 =	simm.s32 @!p0 $0x2;
	(pc) =	sbr.rel @!p1 .LBB1_6-.Ltmp1, $4  }
0x29: {  	s18 =	smov.u32 s15;
	s12 =	sadd.s32 $0x4000, s12;
	_ =	swait.ge @!p0 [sflag:s20], $0x4000  }
0x2a: {  	[sflag:s20] =	ssyncset.done @!p0 $0x0;
	s22 =	smov.u32 @p2 s4;
	s17 =	smov.u32 s13  }
0x2b: {  	[sflag:s20] =	ssyncadd.s32 @!p0 $0xFFFFC000;
	s20 =	smov.u32 s3;
	s13 =	smov.u32 s21  }
0x2c: {  	s14 =	smov.u32 s22;
	s16 =	sadd.s32 $0x1, s16;
	s15 =	smov.u32 s23  }
.LBB1_1:
0x2d: {  	p0 =	sge.u32 s16, s7  }
0x2e: {  	s22 =	smul.u32 @!p0 $0x700, s15  }
0x2f: {  	s31 =	sadd.s32 $0xFFFFFFFF, s16;
	s21 =	sxor.u32 @!p0 $0xFFFFFFFF, s16;
	s23 =	sshll.u32 @!p0 s14, $0x8  }
0x30: {  	s24 =	sshll.u32 @!p0 s13, $0x4;
	s21 =	sshll.u32 @!p0 s21, $0xE;
	s22 =	sadd.s32 @!p0 s22, s8  }
0x31: {  	s24 =	sand.u32 @!p0 $0x70, s24;
	s21 =	sand.u32 @!p0 $0x4000, s21;
	s22 =	sadd.s32 @!p0 s23, s22  }
0x32: {  	s23 =	simm.s32 @!p0 $0x80;
	s22 =	sadd.s32 @!p0 s24, s22;
	s24 =	simm.s32 @!p0 $0x3800  }
0x33: {  	[tilespmem:s21], [sflag:$0x1] =	stream.strided.gather @!p0 [hbm4b:s22+s23], $0x4000, s24, s23, $0x38;
	[tilespmem:$0x10000] =	vst v63  }
0x34: {  	p0 =	sge.u32 s31, s7  }
.Ltmp2:
0x35: {  	_ = 	snop;
	(pc) =	sbr.rel @p0 .LBB1_5-.Ltmp2, $1  }
0x36: {  	_ =	sdelay $0x3  }
0x37: {  	s21 =	sand.u32 $0x4000, s12  }
0x38: {  	s22 =	sor.u32 $0x70, s21  }
0x39: {  	v1 =	vmov s22;
	_ =	sdelay $0x1  }
0x3a: {  	_ =	swait.ge [sflag:s6], $0x4000  }
0x3b: {  	[sflag:s6] =	ssyncset.done $0x0  }
0x3c: {  	s23 =	simm.s32 $0x0;
	[sflag:s6] =	ssyncadd.s32 $0xFFFFC000  }
0x3d: {  	s21 =	sor.u32 $0x8040, s21;
	v7 =	vld.idx.msk [tilespmem:v1+s23+$0x0 ss:$0x1], $0xffff  }
0x3e: {  	v0 =	vmov s21;
	v8 =	vld.idx.msk [tilespmem:v1+s23+$0xFFFFFF90 ss:$0x1], $0xffff  }
0x3f: {  	v6 =	vld.idx.msk [tilespmem:v1+s23+$0xFFFFFFA0 ss:$0x1], $0xffff  }
0x40: {  	v4 =	vld.idx.msk [tilespmem:v1+s23+$0xFFFFFFB0 ss:$0x1], $0xffff  }
0x41: {  	v2 =	vld.idx.msk [tilespmem:v1+s23+$0xFFFFFFC0 ss:$0x1], $0xffff  }
0x42: {  	s31 =	sshll.u32 s16, $0xE;
	v3 =	vld.idx.msk [tilespmem:v1+s23+$0xFFFFFFD0 ss:$0x1], $0xffff  }
0x43: {  	s21 =	sand.u32 $0x4000, s31;
	v5 =	vld.idx.msk [tilespmem:v1+s23+$0xFFFFFFE0 ss:$0x1], $0xffff;
	[tilespmem:v0+s23+$0x30 ss:$0x1] =	vst.idx.msk $0xffff, v7  }
0x44: {  	s24 =	simm.s32 $0x400;
	s22 =	simm.s32 $0x80;
	s21 =	sor.u32 $0x8000, s21;
	[tilespmem:v0+s23+$0xFFFFFFC0 ss:$0x1] =	vst.idx.msk $0xffff, v8;
	v7 =	vld.idx.msk [tilespmem:v1+s23+$0xFFFFFFF0 ss:$0x1], $0xffff  }
.LBB1_3:
0x45: {  	p0 =	sne.s32 s24, $0xFE00;
	v8 =	vld.idx.msk [tilespmem:v1+s22+$0x0 ss:$0x1], $0xffff;
	[tilespmem:v0+s23+$0xFFFFFFD0 ss:$0x1] =	vst.idx.msk $0xffff, v6  }
0x46: {  	v9 =	vld.idx.msk [tilespmem:v1+s22+$0xFFFFFF90 ss:$0x1], $0xffff;
	[tilespmem:v0+s23+$0xFFFFFFE0 ss:$0x1] =	vst.idx.msk $0xffff, v4  }
0x47: {  	v6 =	vld.idx.msk [tilespmem:v1+s22+$0xFFFFFFA0 ss:$0x1], $0xffff;
	[tilespmem:v0+s23+$0xFFFFFFF0 ss:$0x1] =	vst.idx.msk $0xffff, v2  }
.Ltmp3:
0x48: {  	v4 =	vld.idx.msk [tilespmem:v1+s22+$0xFFFFFFB0 ss:$0x1], $0xffff;
	[tilespmem:v0+s23+$0x0 ss:$0x1] =	vst.idx.msk $0xffff, v3;
	(pc) =	sbr.rel @p0 .LBB1_3-.Ltmp3, $4  }
0x49: {  	v2 =	vld.idx.msk [tilespmem:v1+s22+$0xFFFFFFC0 ss:$0x1], $0xffff;
	[tilespmem:v0+s23+$0x10 ss:$0x1] =	vst.idx.msk $0xffff, v5  }
0x4a: {  	v3 =	vld.idx.msk [tilespmem:v1+s22+$0xFFFFFFD0 ss:$0x1], $0xffff;
	[tilespmem:v0+s23+$0x20 ss:$0x1] =	vst.idx.msk $0xffff, v7;
	s23 =	smov.u32 s22  }
0x4b: {  	v5 =	vld.idx.msk [tilespmem:v1+s23+$0xFFFFFFE0 ss:$0x1], $0xffff;
	[tilespmem:v0+s23+$0x30 ss:$0x1] =	vst.idx.msk $0xffff, v8  }
0x4c: {  	s22 =	sshra.s32 s24, $0x2;
	s24 =	sadd.s32 $0x200, s24;
	[tilespmem:v0+s23+$0xFFFFFFC0 ss:$0x1] =	vst.idx.msk $0xffff, v9;
	v7 =	vld.idx.msk [tilespmem:v1+s23+$0xFFFFFFF0 ss:$0x1], $0xffff  }
.Ltmp4:
0x4d: {  	_ = 	snop;
	(pc) =	sbr.rel .LBB1_4-.Ltmp4, $1  }
0x4e: {  	_ =	sdelay $0x3  }
.LBB1_6:
0x4f: {  	_ =	sfence.sel $0x180000  }
0x50: {  	s1 =	simm.s32 $0x1;
	[bflag:$0x0] =	sbarrier.arrive $0xFFFF  }
0x51: {  	s31 =	simm.s32 $0x2;
	[sflag:s1] =	ssyncpa.u1 $0x1  }
0x52: {  	[sflag:s31] =	ssyncpa.u1 $0x1  }
0x53: {  	p0 =	sne.s32 s0, $0x0;
	_ =	strace $0x9000004A  }
0x54: {  	s0 =	sadd.s32 @!p0 $0x100000, s5;
	[bflag:$0x2] =	sbarrier.arrive $0xFFFF  }
0x55: {  	[sflag:s0] =	ssyncadd.tile.s32 @!p0 $0x1;
	_ =	shalt  }
.Lfunc_end1:
_tile_overlayer_lowered:
.L_overlay_start_2:
0x56: {  	(tag) =	ssettag $0x2  }
0x57: {  	s0 =	rddreg [dreg:$0x0];
	s2 =	stileid.u32  }
0x58: {  	s1 =	rddreg [dreg:$0x1];
	p0 =	sne.s32 s2, $0x0  }
0x59: {  	s3 =	rddreg [dreg:$0x2];
	[bflag:$0x3] =	sbarrier.arrive $0xFFFF;
	s2 =	simm.s32 @!p0 $0x1C01  }
0x5a: {  	[timem:s3], [sflag:s2] =	dma.local @!p0 [hbm:s0], s1  }
0x5b: {  	s0 =	simm.s32 @!p0 $0x1  }
0x5c: {  	_ =	swait.ge @!p0 [sflag:s0], s1  }
0x5d: {  	s1 =	ssub.s32 @!p0 $0x0, s1;
	[sflag:s0] =	ssyncset.done @!p0 $0x0  }
0x5e: {  	[sflag:s0] =	ssyncadd.s32 @!p0 s1  }
0x5f: {  	[bflag:$0x3] =	sbarrier.arrive $0xFFFF  }
0x60: {  	_ =	shalt  }

</sc_bundles>
